<compile_context>
chip_gen: v7x
topology: tpu7x:2x2x1
jax: 0.10.2.dev20260603
libtpu: 0.0.44.dev20260713+nightly
codegen_flags: <defaults>
</compile_context>

<pallas_src>
import jax
import jax.numpy as jnp
from jax import lax
from jax.experimental import pallas as pl
from jax.experimental.pallas import tpu as pltpu
from jax.experimental.pallas import tpu_sc as plsc

N = 10000
NP = 10240
E = 160000
EP = 163840
D = 256
HD = 128
NC = 2
NS = 16
CH = 64
NCH = EP // (NS * CH)
RPT = NP // NS

_f32 = jnp.float32



def _deg_body(dst_hbm, ones_hbm, out_hbm, dst_v, ones_v, sem, acc):
    c = lax.axis_index("c")
    s = lax.axis_index("s")
    pltpu.sync_copy(dst_hbm.at[s], dst_v)
    pltpu.sync_copy(ones_hbm.at[pl.ds(0, CH)], ones_v)
    pltpu.sync_copy(ones_hbm.at[pl.ds(s * RPT, RPT)], acc.at[pl.ds(s * RPT, RPT)])
    plsc.subcore_barrier()

    half = NCH // NC

    def issue(j, carry):
        pltpu.async_copy(ones_v, acc.at[dst_v.at[c * half + j]], sem, add=True)
        return carry

    def drain(j, carry):
        pltpu.make_async_copy(ones_v, acc.at[dst_v.at[c * half + j]], sem).wait()
        return carry

    lax.fori_loop(0, half, issue, 0)
    lax.fori_loop(0, half, drain, 0)
    plsc.subcore_barrier()
    pltpu.sync_copy(acc.at[pl.ds(s * RPT, RPT)], out_hbm.at[c, pl.ds(s * RPT, RPT)])


_deg_call = pl.kernel(
    _deg_body,
    out_type=jax.ShapeDtypeStruct((NC, NP, 8), _f32),
    mesh=plsc.VectorSubcoreMesh(core_axis_name="c", subcore_axis_name="s"),
    scratch_types=[
        pltpu.VMEM((NCH, CH), jnp.int32),
        pltpu.VMEM((CH, 8), _f32),
        pltpu.SemaphoreType.DMA,
        pltpu.VMEM_SHARED((NP, 8), _f32),
    ],
)



NBUF = 4
G = 80
NG = NCH // G


def _agg_body(y_hbm, ed_hbm, out_hbm, ed_v,
              m0, m1, m2, m3, gs0, gs1, gs2, gs3, isem, acc):
    msgs = (m0, m1, m2, m3)
    gsems = (gs0, gs1, gs2, gs3)
    c = lax.axis_index("c")
    s = lax.axis_index("s")
    init_src = y_hbm.at[pl.ds(c * NP + s * RPT, RPT)]
    acc_mine = acc.at[pl.ds(s * RPT, RPT)]
    pltpu.async_copy(init_src, acc_mine, isem)

    def gather(j, b):
        pltpu.async_copy(y_hbm.at[ed_v.at[j, pl.ds(CH, CH)]], msgs[b], gsems[b])

    def wait_gather(j, b):
        pltpu.make_async_copy(y_hbm.at[ed_v.at[j, pl.ds(CH, CH)]],
                              msgs[b], gsems[b]).wait()

    def scatter_sync(j, b):
        pltpu.sync_copy(msgs[b], acc.at[ed_v.at[j, pl.ds(0, CH)]], add=True)

    for g in range(NG):
        pltpu.sync_copy(ed_hbm.at[c, s, pl.ds(g * G, G)], ed_v)
        for b in range(NBUF):
            gather(b, b)
        if g == 0:
            pltpu.make_async_copy(init_src, acc_mine, isem).wait()
            plsc.subcore_barrier()

        def body(i, carry):
            for b in range(NBUF):
                j = i * NBUF + b
                wait_gather(j - NBUF, b)
                scatter_sync(j - NBUF, b)
                gather(j, b)
            return carry

        lax.fori_loop(1, G // NBUF, body, 0)
        for b in range(NBUF):
            j = G - NBUF + b
            wait_gather(j, b)
            scatter_sync(j, b)
    plsc.subcore_barrier()
    pltpu.sync_copy(acc_mine, out_hbm.at[c, pl.ds(s * RPT, RPT)])


_agg_call = pl.kernel(
    _agg_body,
    out_type=jax.ShapeDtypeStruct((NC, NP, HD), _f32),
    mesh=plsc.VectorSubcoreMesh(core_axis_name="c", subcore_axis_name="s"),
    scratch_types=[
        pltpu.VMEM((G, 2 * CH), jnp.int32),
        pltpu.VMEM((CH, HD), _f32),
        pltpu.VMEM((CH, HD), _f32),
        pltpu.VMEM((CH, HD), _f32),
        pltpu.VMEM((CH, HD), _f32),
        pltpu.SemaphoreType.DMA,
        pltpu.SemaphoreType.DMA,
        pltpu.SemaphoreType.DMA,
        pltpu.SemaphoreType.DMA,
        pltpu.SemaphoreType.DMA,
        pltpu.VMEM_SHARED((NP, HD), _f32),
    ],
)



BR = 512


def _dinv_of(degp_block):
    deg = degp_block[0, :, :1] + degp_block[1, :, :1] - 1.0
    return lax.rsqrt(deg)


def _tc1_body(x_ref, w_ref, degp_ref, y_ref, dinv_ref):
    dinv = _dinv_of(degp_ref[...])
    xw = jnp.dot(x_ref[...], w_ref[...], preferred_element_type=_f32)
    y = xw * dinv
    y_ref[0] = y[:, :HD]
    y_ref[1] = y[:, HD:]
    dinv_ref[...] = jnp.broadcast_to(dinv, (BR, HD))


def _tc1(x, W1, degp):
    return pl.pallas_call(
        _tc1_body,
        grid=(NP // BR,),
        in_specs=[
            pl.BlockSpec((BR, D), lambda i: (i, 0)),
            pl.BlockSpec((D, D), lambda i: (0, 0)),
            pl.BlockSpec((NC, BR, 8), lambda i: (0, i, 0)),
        ],
        out_specs=[
            pl.BlockSpec((NC, BR, HD), lambda i: (0, i, 0)),
            pl.BlockSpec((BR, HD), lambda i: (i, 0)),
        ],
        out_shape=[
            jax.ShapeDtypeStruct((NC, NP, HD), _f32),
            jax.ShapeDtypeStruct((NP, HD), _f32),
        ],
    )(x, W1, degp)


def _tc2_body(agg_ref, dinv_ref, b_ref, w_ref, y_ref):
    a = agg_ref[...]
    dinv = dinv_ref[...]
    h0 = jax.nn.relu(a[0] * dinv + b_ref[0:1, :HD])
    h1 = jax.nn.relu(a[1] * dinv + b_ref[0:1, HD:])
    h = jnp.concatenate([h0, h1], axis=1)
    y = jnp.dot(h, w_ref[...], preferred_element_type=_f32)
    y_ref[0] = y[:, :HD] * dinv
    y_ref[1] = y[:, HD:] * dinv


def _tc2(agg1, dinvb, b1, W2):
    return pl.pallas_call(
        _tc2_body,
        grid=(NP // BR,),
        in_specs=[
            pl.BlockSpec((NC, BR, HD), lambda i: (0, i, 0)),
            pl.BlockSpec((BR, HD), lambda i: (i, 0)),
            pl.BlockSpec((1, D), lambda i: (0, 0)),
            pl.BlockSpec((D, D), lambda i: (0, 0)),
        ],
        out_specs=pl.BlockSpec((NC, BR, HD), lambda i: (0, i, 0)),
        out_shape=jax.ShapeDtypeStruct((NC, NP, HD), _f32),
    )(agg1, dinvb, b1, W2)


BR3 = 1000


def _tc3_body(agg_ref, dinv_ref, b_ref, out_ref):
    a = agg_ref[...]
    dinv = dinv_ref[...]
    o0 = a[0] * dinv + b_ref[0:1, :HD]
    o1 = a[1] * dinv + b_ref[0:1, HD:]
    m = jnp.maximum(jnp.max(o0, axis=1, keepdims=True),
                    jnp.max(o1, axis=1, keepdims=True))
    s = (jnp.sum(jnp.exp(o0 - m), axis=1, keepdims=True)
         + jnp.sum(jnp.exp(o1 - m), axis=1, keepdims=True))
    lse = jnp.log(s) + m
    out_ref[:, :HD] = o0 - lse
    out_ref[:, HD:] = o1 - lse


def _tc3(agg2, dinvb, b2):
    return pl.pallas_call(
        _tc3_body,
        grid=(N // BR3,),
        in_specs=[
            pl.BlockSpec((NC, BR3, HD), lambda i: (0, i, 0)),
            pl.BlockSpec((BR3, HD), lambda i: (i, 0)),
            pl.BlockSpec((1, D), lambda i: (0, 0)),
        ],
        out_specs=pl.BlockSpec((BR3, D), lambda i: (i, 0)),
        out_shape=jax.ShapeDtypeStruct((N, D), _f32),
    )(agg2, dinvb, b2)



@jax.jit
def kernel(x, edge_index, W1, b1, W2, b2):
    src = edge_index[0].astype(jnp.int32)
    dst = edge_index[1].astype(jnp.int32)
    pad = EP - E
    srcp = jnp.concatenate([src, jnp.zeros((pad,), jnp.int32)])
    dstp = jnp.concatenate([dst, jnp.full((pad,), NP - 1, jnp.int32)])
    dst_t = dstp.reshape(NS, NCH, CH)
    src_t = srcp.reshape(NS, NCH, CH)
    ed = jnp.stack([jnp.concatenate([dst_t, src_t + c * NP], axis=-1)
                    for c in range(NC)])
    x_pad = jnp.pad(x, ((0, NP - N), (0, 0)))
    ones8 = jnp.ones((NP, 8), _f32)

    degp = _deg_call(dst_t, ones8)
    y1, dinvb = _tc1(x_pad, W1, degp)
    agg1 = _agg_call(y1.reshape(NC * NP, HD), ed)
    y2 = _tc2(agg1, dinvb, b1.reshape(1, D), W2)
    agg2 = _agg_call(y2.reshape(NC * NP, HD), ed)
    return _tc3(agg2, dinvb, b2.reshape(1, D))

# --- scband reference (transcript-rebuilt; emitter-appended) ---
"""Pipeline reference for scband-gcn-11811160064619 (READ-ONLY COPY).

The authoritative reference and input builder live on the scoring server;
editing this copy changes nothing except your own understanding.
"""

import jax, jax.numpy as jnp
import numpy as np

N = 10000
E = 160000
D_IN = 256
D_HID = 256
D_OUT = 256


def setup_inputs(seed: int = 0) -> dict:
    key = jax.random.key(seed)
    k1, k2, k3, k4, k5, k6 = jax.random.split(key, 6)
    x = jax.random.normal(k1, (N, D_IN), dtype=jnp.float32)
    edge_index = jax.random.randint(k2, (2, E), 0, N)
    W1 = jax.random.normal(k3, (D_IN, D_HID), dtype=jnp.float32) * (1.0 / np.sqrt(D_IN))
    b1 = jnp.zeros((D_HID,), dtype=jnp.float32)
    W2 = jax.random.normal(k4, (D_HID, D_OUT), dtype=jnp.float32) * (1.0 / np.sqrt(D_HID))
    b2 = jnp.zeros((D_OUT,), dtype=jnp.float32)
    return {"x": x, "edge_index": edge_index, "W1": W1, "b1": b1, "W2": W2, "b2": b2}


def _gcn_conv(x, edge_index, W, b, n_nodes):
    # GCNConv with added self-loops and symmetric normalization:
    # out = D^{-1/2} (A + I) D^{-1/2} X W + b
    xw = x @ W
    src = edge_index[0]
    dst = edge_index[1]
    loop = jnp.arange(n_nodes, dtype=src.dtype)
    src = jnp.concatenate([src, loop])
    dst = jnp.concatenate([dst, loop])
    deg = jnp.zeros((n_nodes,), dtype=xw.dtype).at[dst].add(1.0)
    deg_inv_sqrt = jnp.where(deg > 0, 1.0 / jnp.sqrt(deg), 0.0)
    norm = deg_inv_sqrt[src] * deg_inv_sqrt[dst]
    msgs = xw[src] * norm[:, None]
    out = jnp.zeros((n_nodes, xw.shape[1]), dtype=xw.dtype).at[dst].add(msgs)
    return out + b


def reference(x, edge_index, W1, b1, W2, b2):
    h = jax.nn.relu(_gcn_conv(x, edge_index, W1, b1, N))
    # F.dropout(training=self.training) is identity in eval mode
    o = _gcn_conv(h, edge_index, W2, b2, N)
    return jax.nn.log_softmax(o, axis=1)

if __name__ == "__main__":
    import jax
    _d = setup_inputs()
    print(jax.jit(kernel)(*tuple(_d.values())))

</pallas_src>

<mosaic_0001>
#map = affine_map<(d0, d1) -> (0, 0)>
#map1 = affine_map<(d0, d1) -> (0, 0, 0, 0)>
#map2 = affine_map<(d0, d1) -> (0, 0, 0)>
module attributes {stable_mosaic.version = 14 : i64} {
  func.func @_agg_body(%arg0: i32, %arg1: i32, %arg2: memref<20480x128xf32, #tpu.memory_space<hbm>>, %arg3: memref<2x16x160x128xi32, #tpu.memory_space<hbm>>, %arg4: memref<2x10240x128xf32, #tpu.memory_space<hbm>>, %arg5: memref<80x128xi32, #tpu.memory_space<vmem>>, %arg6: memref<64x128xf32, #tpu.memory_space<vmem>>, %arg7: memref<64x128xf32, #tpu.memory_space<vmem>>, %arg8: memref<64x128xf32, #tpu.memory_space<vmem>>, %arg9: memref<64x128xf32, #tpu.memory_space<vmem>>, %arg10: memref<!tpu.dma_semaphore, #tpu.memory_space<semaphore_mem>>, %arg11: memref<!tpu.dma_semaphore, #tpu.memory_space<semaphore_mem>>, %arg12: memref<!tpu.dma_semaphore, #tpu.memory_space<semaphore_mem>>, %arg13: memref<!tpu.dma_semaphore, #tpu.memory_space<semaphore_mem>>, %arg14: memref<!tpu.dma_semaphore, #tpu.memory_space<semaphore_mem>>, %arg15: memref<10240x128xf32, #tpu.memory_space<vmem_shared>>) attributes {dimension_semantics = [#tpu.dimension_semantics<core_parallel>, #tpu.dimension_semantics<subcore_parallel>], iteration_bounds = array<i64: 2, 16>, scalar_prefetch = 0 : i64, scratch_operands = 11 : i64, tpu.core_type = #tpu.core_type<sc_vector_subcore>, window_params = [{transform_indices = #map}, {transform_indices = #map1}, {transform_indices = #map2}]} {
    %mul3A = arith.constant 10240 : i32
    %mul3A_0 = arith.muli %arg0, %mul3A : i32
    %mul3A_1 = arith.constant 640 : i32
    %mul3A_2 = arith.muli %arg1, %mul3A_1 : i32
    %add3A = arith.addi %mul3A_0, %mul3A_2 : i32
    %mul3A_3 = arith.constant 640 : i32
    %mul3A_4 = arith.muli %arg1, %mul3A_3 : i32
    %dma_start3A = arith.constant 0 : i32
    %dma_start3A_5 = tpu.memref_slice %arg15[%mul3A_4, %dma_start3A] : memref<10240x128xf32, #tpu.memory_space<vmem_shared>> -> memref<640x128xf32, #tpu.memory_space<vmem_shared>>
    %dma_start3A_6 = arith.constant 0 : i32
    %dma_start3A_7 = tpu.memref_slice %arg2[%add3A, %dma_start3A_6] : memref<20480x128xf32, #tpu.memory_space<hbm>> -> memref<640x128xf32, #tpu.memory_space<hbm>>
    tpu.enqueue_dma source(%dma_start3A_7 : memref<640x128xf32, #tpu.memory_space<hbm>>) target(%dma_start3A_5 : memref<640x128xf32, #tpu.memory_space<vmem_shared>>) target_semaphore(%arg14 : memref<!tpu.dma_semaphore, #tpu.memory_space<semaphore_mem>>)
    "tpu.region"() ({
      %run_scoped3A_144 = tpu.sem_alloc : memref<!tpu.dma_semaphore, #tpu.memory_space<semaphore_mem>>
      %dma_start3A_145 = arith.constant 0 : i32
      %dma_start3A_146 = arith.constant 0 : i32
      %dma_start3A_147 = tpu.memref_slice %arg3[%arg0, %arg1, %dma_start3A_145, %dma_start3A_146] : memref<2x16x160x128xi32, #tpu.memory_space<hbm>> -> memref<1x1x80x128xi32, #tpu.memory_space<hbm>>
      %dma_start3A_148 = tpu.memref_squeeze %dma_start3A_147 : memref<1x1x80x128xi32, #tpu.memory_space<hbm>> -> memref<80x128xi32, #tpu.memory_space<hbm>>
      %dma_start3A_149 = arith.constant 0 : i32
      %dma_start3A_150 = arith.constant 0 : i32
      %dma_start3A_151 = tpu.memref_slice %arg3[%arg0, %arg1, %dma_start3A_149, %dma_start3A_150] : memref<2x16x160x128xi32, #tpu.memory_space<hbm>> -> memref<1x1x80x128xi32, #tpu.memory_space<hbm>>
      %dma_start3A_152 = tpu.memref_squeeze %dma_start3A_151 : memref<1x1x80x128xi32, #tpu.memory_space<hbm>> -> memref<80x128xi32, #tpu.memory_space<hbm>>
      tpu.enqueue_dma source(%dma_start3A_152 : memref<80x128xi32, #tpu.memory_space<hbm>>) target(%arg5 : memref<80x128xi32, #tpu.memory_space<vmem>>) target_semaphore(%run_scoped3A_144 : memref<!tpu.dma_semaphore, #tpu.memory_space<semaphore_mem>>)
      %dma_wait3A_153 = arith.constant 0 : i32
      %dma_wait3A_154 = arith.constant 0 : i32
      %dma_wait3A_155 = tpu.memref_slice %arg3[%arg0, %arg1, %dma_wait3A_153, %dma_wait3A_154] : memref<2x16x160x128xi32, #tpu.memory_space<hbm>> -> memref<1x1x80x128xi32, #tpu.memory_space<hbm>>
      %dma_wait3A_156 = tpu.memref_squeeze %dma_wait3A_155 : memref<1x1x80x128xi32, #tpu.memory_space<hbm>> -> memref<80x128xi32, #tpu.memory_space<hbm>>
      %dma_wait3A_157 = arith.constant 0 : i32
      %dma_wait3A_158 = arith.constant 0 : i32
      %dma_wait3A_159 = tpu.memref_slice %arg3[%arg0, %arg1, %dma_wait3A_157, %dma_wait3A_158] : memref<2x16x160x128xi32, #tpu.memory_space<hbm>> -> memref<1x1x80x128xi32, #tpu.memory_space<hbm>>
      %dma_wait3A_160 = tpu.memref_squeeze %dma_wait3A_159 : memref<1x1x80x128xi32, #tpu.memory_space<hbm>> -> memref<80x128xi32, #tpu.memory_space<hbm>>
      tpu.wait_dma2 semaphore(%run_scoped3A_144 : memref<!tpu.dma_semaphore, #tpu.memory_space<semaphore_mem>>) src(%dma_wait3A_160 : memref<80x128xi32, #tpu.memory_space<hbm>>) dst(%arg5 : memref<80x128xi32, #tpu.memory_space<vmem>>)
      tpu.yield
    }) : () -> ()
    %dma_start3A_8 = arith.constant 0 : i32
    %dma_start3A_9 = arith.constant 64 : i32
    %dma_start3A_10 = tpu.memref_slice %arg5[%dma_start3A_8, %dma_start3A_9] : memref<80x128xi32, #tpu.memory_space<vmem>> -> memref<1x64xi32, #tpu.memory_space<vmem>>
    %dma_start3A_11 = tpu.memref_squeeze %dma_start3A_10 : memref<1x64xi32, #tpu.memory_space<vmem>> -> memref<64xi32, #tpu.memory_space<vmem>>
    %dma_start3A_12 = arith.constant 0 : i32
    %dma_start3A_13 = arith.constant 0 : i32
    %dma_start3A_14 = tpu.memref_slice %arg2[%dma_start3A_12, %dma_start3A_13] : memref<20480x128xf32, #tpu.memory_space<hbm>> -> memref<20480x128xf32, #tpu.memory_space<hbm>>
    tpu.enqueue_indirect_dma source(%dma_start3A_14 : memref<20480x128xf32, #tpu.memory_space<hbm>>) target(%arg6 : memref<64x128xf32, #tpu.memory_space<vmem>>) offsets(%dma_start3A_11 : memref<64xi32, #tpu.memory_space<vmem>>) semaphore(%arg10 : memref<!tpu.dma_semaphore, #tpu.memory_space<semaphore_mem>>)
    %dma_start3A_15 = arith.constant 1 : i32
    %dma_start3A_16 = arith.constant 64 : i32
    %dma_start3A_17 = tpu.memref_slice %arg5[%dma_start3A_15, %dma_start3A_16] : memref<80x128xi32, #tpu.memory_space<vmem>> -> memref<1x64xi32, #tpu.memory_space<vmem>>
    %dma_start3A_18 = tpu.memref_squeeze %dma_start3A_17 : memref<1x64xi32, #tpu.memory_space<vmem>> -> memref<64xi32, #tpu.memory_space<vmem>>
    %dma_start3A_19 = arith.constant 0 : i32
    %dma_start3A_20 = arith.constant 0 : i32
    %dma_start3A_21 = tpu.memref_slice %arg2[%dma_start3A_19, %dma_start3A_20] : memref<20480x128xf32, #tpu.memory_space<hbm>> -> memref<20480x128xf32, #tpu.memory_space<hbm>>
    tpu.enqueue_indirect_dma source(%dma_start3A_21 : memref<20480x128xf32, #tpu.memory_space<hbm>>) target(%arg7 : memref<64x128xf32, #tpu.memory_space<vmem>>) offsets(%dma_start3A_18 : memref<64xi32, #tpu.memory_space<vmem>>) semaphore(%arg11 : memref<!tpu.dma_semaphore, #tpu.memory_space<semaphore_mem>>)
    %dma_start3A_22 = arith.constant 2 : i32
    %dma_start3A_23 = arith.constant 64 : i32
    %dma_start3A_24 = tpu.memref_slice %arg5[%dma_start3A_22, %dma_start3A_23] : memref<80x128xi32, #tpu.memory_space<vmem>> -> memref<1x64xi32, #tpu.memory_space<vmem>>
    %dma_start3A_25 = tpu.memref_squeeze %dma_start3A_24 : memref<1x64xi32, #tpu.memory_space<vmem>> -> memref<64xi32, #tpu.memory_space<vmem>>
    %dma_start3A_26 = arith.constant 0 : i32
    %dma_start3A_27 = arith.constant 0 : i32
    %dma_start3A_28 = tpu.memref_slice %arg2[%dma_start3A_26, %dma_start3A_27] : memref<20480x128xf32, #tpu.memory_space<hbm>> -> memref<20480x128xf32, #tpu.memory_space<hbm>>
    tpu.enqueue_indirect_dma source(%dma_start3A_28 : memref<20480x128xf32, #tpu.memory_space<hbm>>) target(%arg8 : memref<64x128xf32, #tpu.memory_space<vmem>>) offsets(%dma_start3A_25 : memref<64xi32, #tpu.memory_space<vmem>>) semaphore(%arg12 : memref<!tpu.dma_semaphore, #tpu.memory_space<semaphore_mem>>)
    %dma_start3A_29 = arith.constant 3 : i32
    %dma_start3A_30 = arith.constant 64 : i32
    %dma_start3A_31 = tpu.memref_slice %arg5[%dma_start3A_29, %dma_start3A_30] : memref<80x128xi32, #tpu.memory_space<vmem>> -> memref<1x64xi32, #tpu.memory_space<vmem>>
    %dma_start3A_32 = tpu.memref_squeeze %dma_start3A_31 : memref<1x64xi32, #tpu.memory_space<vmem>> -> memref<64xi32, #tpu.memory_space<vmem>>
    %dma_start3A_33 = arith.constant 0 : i32
    %dma_start3A_34 = arith.constant 0 : i32
    %dma_start3A_35 = tpu.memref_slice %arg2[%dma_start3A_33, %dma_start3A_34] : memref<20480x128xf32, #tpu.memory_space<hbm>> -> memref<20480x128xf32, #tpu.memory_space<hbm>>
    tpu.enqueue_indirect_dma source(%dma_start3A_35 : memref<20480x128xf32, #tpu.memory_space<hbm>>) target(%arg9 : memref<64x128xf32, #tpu.memory_space<vmem>>) offsets(%dma_start3A_32 : memref<64xi32, #tpu.memory_space<vmem>>) semaphore(%arg13 : memref<!tpu.dma_semaphore, #tpu.memory_space<semaphore_mem>>)
    %dma_wait3A = arith.constant 0 : i32
    %dma_wait3A_36 = tpu.memref_slice %arg15[%mul3A_4, %dma_wait3A] : memref<10240x128xf32, #tpu.memory_space<vmem_shared>> -> memref<640x128xf32, #tpu.memory_space<vmem_shared>>
    %dma_wait3A_37 = arith.constant 0 : i32
    %dma_wait3A_38 = tpu.memref_slice %arg2[%add3A, %dma_wait3A_37] : memref<20480x128xf32, #tpu.memory_space<hbm>> -> memref<640x128xf32, #tpu.memory_space<hbm>>
    tpu.wait_dma2 semaphore(%arg14 : memref<!tpu.dma_semaphore, #tpu.memory_space<semaphore_mem>>) src(%dma_wait3A_38 : memref<640x128xf32, #tpu.memory_space<hbm>>) dst(%dma_wait3A_36 : memref<640x128xf32, #tpu.memory_space<vmem_shared>>)
    %barrier3A = arith.constant 0 : index
    tpu.barrier barrier_id(%barrier3A)
    %scan3A = arith.constant 0 : i32
    %scan3A_39 = arith.constant 1 : i32
    %scan3A_40 = arith.constant 19 : i32
    %scan3A_41 = arith.addi %scan3A_39, %scan3A_40 : i32
    %scan3A_42 = arith.constant 1 : i32
    scf.for %scan3A_144 = %scan3A_39 to %scan3A_41 step %scan3A_42  : i32 {
      %mul3A_145 = arith.constant 4 : i32
      %mul3A_146 = arith.muli %scan3A_144, %mul3A_145 : i32
      %add3A_147 = arith.constant 0 : i32
      %add3A_148 = arith.addi %mul3A_146, %add3A_147 : i32
      %sub3A = arith.constant 4 : i32
      %sub3A_149 = arith.subi %add3A_148, %sub3A : i32
      %dma_wait3A_150 = arith.constant 64 : i32
      %dma_wait3A_151 = tpu.memref_slice %arg5[%sub3A_149, %dma_wait3A_150] : memref<80x128xi32, #tpu.memory_space<vmem>> -> memref<1x64xi32, #tpu.memory_space<vmem>>
      %dma_wait3A_152 = tpu.memref_squeeze %dma_wait3A_151 : memref<1x64xi32, #tpu.memory_space<vmem>> -> memref<64xi32, #tpu.memory_space<vmem>>
      %dma_wait3A_153 = arith.constant 0 : i32
      %dma_wait3A_154 = arith.constant 0 : i32
      %dma_wait3A_155 = tpu.memref_slice %arg2[%dma_wait3A_153, %dma_wait3A_154] : memref<20480x128xf32, #tpu.memory_space<hbm>> -> memref<20480x128xf32, #tpu.memory_space<hbm>>
      tpu.wait_indirect_dma semaphore(%arg10 : memref<!tpu.dma_semaphore, #tpu.memory_space<semaphore_mem>>) src(%dma_wait3A_155 : memref<20480x128xf32, #tpu.memory_space<hbm>>) dst(%arg6 : memref<64x128xf32, #tpu.memory_space<vmem>>)
      %sub3A_156 = arith.constant 4 : i32
      %sub3A_157 = arith.subi %add3A_148, %sub3A_156 : i32
      "tpu.region"() ({
        %run_scoped3A_224 = tpu.sem_alloc : memref<!tpu.dma_semaphore, #tpu.memory_space<semaphore_mem>>
        %dma_start3A_225 = arith.constant 0 : i32
        %dma_start3A_226 = tpu.memref_slice %arg5[%sub3A_157, %dma_start3A_225] : memref<80x128xi32, #tpu.memory_space<vmem>> -> memref<1x64xi32, #tpu.memory_space<vmem>>
        %dma_start3A_227 = tpu.memref_squeeze %dma_start3A_226 : memref<1x64xi32, #tpu.memory_space<vmem>> -> memref<64xi32, #tpu.memory_space<vmem>>
        %dma_start3A_228 = arith.constant 0 : i32
        %dma_start3A_229 = arith.constant 0 : i32
        %dma_start3A_230 = tpu.memref_slice %arg15[%dma_start3A_228, %dma_start3A_229] : memref<10240x128xf32, #tpu.memory_space<vmem_shared>> -> memref<10240x128xf32, #tpu.memory_space<vmem_shared>>
        tpu.enqueue_indirect_dma source(%arg6 : memref<64x128xf32, #tpu.memory_space<vmem>>) target(%dma_start3A_230 : memref<10240x128xf32, #tpu.memory_space<vmem_shared>>) offsets(%dma_start3A_227 : memref<64xi32, #tpu.memory_space<vmem>>) semaphore(%run_scoped3A_224 : memref<!tpu.dma_semaphore, #tpu.memory_space<semaphore_mem>>) {add = true}
        %dma_wait3A_231 = arith.constant 0 : i32
        %dma_wait3A_232 = tpu.memref_slice %arg5[%sub3A_157, %dma_wait3A_231] : memref<80x128xi32, #tpu.memory_space<vmem>> -> memref<1x64xi32, #tpu.memory_space<vmem>>
        %dma_wait3A_233 = tpu.memref_squeeze %dma_wait3A_232 : memref<1x64xi32, #tpu.memory_space<vmem>> -> memref<64xi32, #tpu.memory_space<vmem>>
        %dma_wait3A_234 = arith.constant 0 : i32
        %dma_wait3A_235 = arith.constant 0 : i32
        %dma_wait3A_236 = tpu.memref_slice %arg15[%dma_wait3A_234, %dma_wait3A_235] : memref<10240x128xf32, #tpu.memory_space<vmem_shared>> -> memref<10240x128xf32, #tpu.memory_space<vmem_shared>>
        tpu.wait_indirect_dma semaphore(%run_scoped3A_224 : memref<!tpu.dma_semaphore, #tpu.memory_space<semaphore_mem>>) src(%arg6 : memref<64x128xf32, #tpu.memory_space<vmem>>) dst(%dma_wait3A_236 : memref<10240x128xf32, #tpu.memory_space<vmem_shared>>)
        tpu.yield
      }) : () -> ()
      %dma_start3A_158 = arith.constant 64 : i32
      %dma_start3A_159 = tpu.memref_slice %arg5[%add3A_148, %dma_start3A_158] : memref<80x128xi32, #tpu.memory_space<vmem>> -> memref<1x64xi32, #tpu.memory_space<vmem>>
      %dma_start3A_160 = tpu.memref_squeeze %dma_start3A_159 : memref<1x64xi32, #tpu.memory_space<vmem>> -> memref<64xi32, #tpu.memory_space<vmem>>
      %dma_start3A_161 = arith.constant 0 : i32
      %dma_start3A_162 = arith.constant 0 : i32
      %dma_start3A_163 = tpu.memref_slice %arg2[%dma_start3A_161, %dma_start3A_162] : memref<20480x128xf32, #tpu.memory_space<hbm>> -> memref<20480x128xf32, #tpu.memory_space<hbm>>
      tpu.enqueue_indirect_dma source(%dma_start3A_163 : memref<20480x128xf32, #tpu.memory_space<hbm>>) target(%arg6 : memref<64x128xf32, #tpu.memory_space<vmem>>) offsets(%dma_start3A_160 : memref<64xi32, #tpu.memory_space<vmem>>) semaphore(%arg10 : memref<!tpu.dma_semaphore, #tpu.memory_space<semaphore_mem>>)
      %mul3A_164 = arith.constant 4 : i32
      %mul3A_165 = arith.muli %scan3A_144, %mul3A_164 : i32
      %add3A_166 = arith.constant 1 : i32
      %add3A_167 = arith.addi %mul3A_165, %add3A_166 : i32
      %sub3A_168 = arith.constant 4 : i32
      %sub3A_169 = arith.subi %add3A_167, %sub3A_168 : i32
      %dma_wait3A_170 = arith.constant 64 : i32
      %dma_wait3A_171 = tpu.memref_slice %arg5[%sub3A_169, %dma_wait3A_170] : memref<80x128xi32, #tpu.memory_space<vmem>> -> memref<1x64xi32, #tpu.memory_space<vmem>>
      %dma_wait3A_172 = tpu.memref_squeeze %dma_wait3A_171 : memref<1x64xi32, #tpu.memory_space<vmem>> -> memref<64xi32, #tpu.memory_space<vmem>>
      %dma_wait3A_173 = arith.constant 0 : i32
      %dma_wait3A_174 = arith.constant 0 : i32
      %dma_wait3A_175 = tpu.memref_slice %arg2[%dma_wait3A_173, %dma_wait3A_174] : memref<20480x128xf32, #tpu.memory_space<hbm>> -> memref<20480x128xf32, #tpu.memory_space<hbm>>
      tpu.wait_indirect_dma semaphore(%arg11 : memref<!tpu.dma_semaphore, #tpu.memory_space<semaphore_mem>>) src(%dma_wait3A_175 : memref<20480x128xf32, #tpu.memory_space<hbm>>) dst(%arg7 : memref<64x128xf32, #tpu.memory_space<vmem>>)
      %sub3A_176 = arith.constant 4 : i32
      %sub3A_177 = arith.subi %add3A_167, %sub3A_176 : i32
      "tpu.region"() ({
        %run_scoped3A_224 = tpu.sem_alloc : memref<!tpu.dma_semaphore, #tpu.memory_space<semaphore_mem>>
        %dma_start3A_225 = arith.constant 0 : i32
        %dma_start3A_226 = tpu.memref_slice %arg5[%sub3A_177, %dma_start3A_225] : memref<80x128xi32, #tpu.memory_space<vmem>> -> memref<1x64xi32, #tpu.memory_space<vmem>>
        %dma_start3A_227 = tpu.memref_squeeze %dma_start3A_226 : memref<1x64xi32, #tpu.memory_space<vmem>> -> memref<64xi32, #tpu.memory_space<vmem>>
        %dma_start3A_228 = arith.constant 0 : i32
        %dma_start3A_229 = arith.constant 0 : i32
        %dma_start3A_230 = tpu.memref_slice %arg15[%dma_start3A_228, %dma_start3A_229] : memref<10240x128xf32, #tpu.memory_space<vmem_shared>> -> memref<10240x128xf32, #tpu.memory_space<vmem_shared>>
        tpu.enqueue_indirect_dma source(%arg7 : memref<64x128xf32, #tpu.memory_space<vmem>>) target(%dma_start3A_230 : memref<10240x128xf32, #tpu.memory_space<vmem_shared>>) offsets(%dma_start3A_227 : memref<64xi32, #tpu.memory_space<vmem>>) semaphore(%run_scoped3A_224 : memref<!tpu.dma_semaphore, #tpu.memory_space<semaphore_mem>>) {add = true}
        %dma_wait3A_231 = arith.constant 0 : i32
        %dma_wait3A_232 = tpu.memref_slice %arg5[%sub3A_177, %dma_wait3A_231] : memref<80x128xi32, #tpu.memory_space<vmem>> -> memref<1x64xi32, #tpu.memory_space<vmem>>
        %dma_wait3A_233 = tpu.memref_squeeze %dma_wait3A_232 : memref<1x64xi32, #tpu.memory_space<vmem>> -> memref<64xi32, #tpu.memory_space<vmem>>
        %dma_wait3A_234 = arith.constant 0 : i32
        %dma_wait3A_235 = arith.constant 0 : i32
        %dma_wait3A_236 = tpu.memref_slice %arg15[%dma_wait3A_234, %dma_wait3A_235] : memref<10240x128xf32, #tpu.memory_space<vmem_shared>> -> memref<10240x128xf32, #tpu.memory_space<vmem_shared>>
        tpu.wait_indirect_dma semaphore(%run_scoped3A_224 : memref<!tpu.dma_semaphore, #tpu.memory_space<semaphore_mem>>) src(%arg7 : memref<64x128xf32, #tpu.memory_space<vmem>>) dst(%dma_wait3A_236 : memref<10240x128xf32, #tpu.memory_space<vmem_shared>>)
        tpu.yield
      }) : () -> ()
      %dma_start3A_178 = arith.constant 64 : i32
      %dma_start3A_179 = tpu.memref_slice %arg5[%add3A_167, %dma_start3A_178] : memref<80x128xi32, #tpu.memory_space<vmem>> -> memref<1x64xi32, #tpu.memory_space<vmem>>
      %dma_start3A_180 = tpu.memref_squeeze %dma_start3A_179 : memref<1x64xi32, #tpu.memory_space<vmem>> -> memref<64xi32, #tpu.memory_space<vmem>>
      %dma_start3A_181 = arith.constant 0 : i32
      %dma_start3A_182 = arith.constant 0 : i32
      %dma_start3A_183 = tpu.memref_slice %arg2[%dma_start3A_181, %dma_start3A_182] : memref<20480x128xf32, #tpu.memory_space<hbm>> -> memref<20480x128xf32, #tpu.memory_space<hbm>>
      tpu.enqueue_indirect_dma source(%dma_start3A_183 : memref<20480x128xf32, #tpu.memory_space<hbm>>) target(%arg7 : memref<64x128xf32, #tpu.memory_space<vmem>>) offsets(%dma_start3A_180 : memref<64xi32, #tpu.memory_space<vmem>>) semaphore(%arg11 : memref<!tpu.dma_semaphore, #tpu.memory_space<semaphore_mem>>)
      %mul3A_184 = arith.constant 4 : i32
      %mul3A_185 = arith.muli %scan3A_144, %mul3A_184 : i32
      %add3A_186 = arith.constant 2 : i32
      %add3A_187 = arith.addi %mul3A_185, %add3A_186 : i32
      %sub3A_188 = arith.constant 4 : i32
      %sub3A_189 = arith.subi %add3A_187, %sub3A_188 : i32
      %dma_wait3A_190 = arith.constant 64 : i32
      %dma_wait3A_191 = tpu.memref_slice %arg5[%sub3A_189, %dma_wait3A_190] : memref<80x128xi32, #tpu.memory_space<vmem>> -> memref<1x64xi32, #tpu.memory_space<vmem>>
      %dma_wait3A_192 = tpu.memref_squeeze %dma_wait3A_191 : memref<1x64xi32, #tpu.memory_space<vmem>> -> memref<64xi32, #tpu.memory_space<vmem>>
      %dma_wait3A_193 = arith.constant 0 : i32
      %dma_wait3A_194 = arith.constant 0 : i32
      %dma_wait3A_195 = tpu.memref_slice %arg2[%dma_wait3A_193, %dma_wait3A_194] : memref<20480x128xf32, #tpu.memory_space<hbm>> -> memref<20480x128xf32, #tpu.memory_space<hbm>>
      tpu.wait_indirect_dma semaphore(%arg12 : memref<!tpu.dma_semaphore, #tpu.memory_space<semaphore_mem>>) src(%dma_wait3A_195 : memref<20480x128xf32, #tpu.memory_space<hbm>>) dst(%arg8 : memref<64x128xf32, #tpu.memory_space<vmem>>)
      %sub3A_196 = arith.constant 4 : i32
      %sub3A_197 = arith.subi %add3A_187, %sub3A_196 : i32
      "tpu.region"() ({
        %run_scoped3A_224 = tpu.sem_alloc : memref<!tpu.dma_semaphore, #tpu.memory_space<semaphore_mem>>
        %dma_start3A_225 = arith.constant 0 : i32
        %dma_start3A_226 = tpu.memref_slice %arg5[%sub3A_197, %dma_start3A_225] : memref<80x128xi32, #tpu.memory_space<vmem>> -> memref<1x64xi32, #tpu.memory_space<vmem>>
        %dma_start3A_227 = tpu.memref_squeeze %dma_start3A_226 : memref<1x64xi32, #tpu.memory_space<vmem>> -> memref<64xi32, #tpu.memory_space<vmem>>
        %dma_start3A_228 = arith.constant 0 : i32
        %dma_start3A_229 = arith.constant 0 : i32
        %dma_start3A_230 = tpu.memref_slice %arg15[%dma_start3A_228, %dma_start3A_229] : memref<10240x128xf32, #tpu.memory_space<vmem_shared>> -> memref<10240x128xf32, #tpu.memory_space<vmem_shared>>
        tpu.enqueue_indirect_dma source(%arg8 : memref<64x128xf32, #tpu.memory_space<vmem>>) target(%dma_start3A_230 : memref<10240x128xf32, #tpu.memory_space<vmem_shared>>) offsets(%dma_start3A_227 : memref<64xi32, #tpu.memory_space<vmem>>) semaphore(%run_scoped3A_224 : memref<!tpu.dma_semaphore, #tpu.memory_space<semaphore_mem>>) {add = true}
        %dma_wait3A_231 = arith.constant 0 : i32
        %dma_wait3A_232 = tpu.memref_slice %arg5[%sub3A_197, %dma_wait3A_231] : memref<80x128xi32, #tpu.memory_space<vmem>> -> memref<1x64xi32, #tpu.memory_space<vmem>>
        %dma_wait3A_233 = tpu.memref_squeeze %dma_wait3A_232 : memref<1x64xi32, #tpu.memory_space<vmem>> -> memref<64xi32, #tpu.memory_space<vmem>>
        %dma_wait3A_234 = arith.constant 0 : i32
        %dma_wait3A_235 = arith.constant 0 : i32
        %dma_wait3A_236 = tpu.memref_slice %arg15[%dma_wait3A_234, %dma_wait3A_235] : memref<10240x128xf32, #tpu.memory_space<vmem_shared>> -> memref<10240x128xf32, #tpu.memory_space<vmem_shared>>
        tpu.wait_indirect_dma semaphore(%run_scoped3A_224 : memref<!tpu.dma_semaphore, #tpu.memory_space<semaphore_mem>>) src(%arg8 : memref<64x128xf32, #tpu.memory_space<vmem>>) dst(%dma_wait3A_236 : memref<10240x128xf32, #tpu.memory_space<vmem_shared>>)
        tpu.yield
      }) : () -> ()
      %dma_start3A_198 = arith.constant 64 : i32
      %dma_start3A_199 = tpu.memref_slice %arg5[%add3A_187, %dma_start3A_198] : memref<80x128xi32, #tpu.memory_space<vmem>> -> memref<1x64xi32, #tpu.memory_space<vmem>>
      %dma_start3A_200 = tpu.memref_squeeze %dma_start3A_199 : memref<1x64xi32, #tpu.memory_space<vmem>> -> memref<64xi32, #tpu.memory_space<vmem>>
      %dma_start3A_201 = arith.constant 0 : i32
      %dma_start3A_202 = arith.constant 0 : i32
      %dma_start3A_203 = tpu.memref_slice %arg2[%dma_start3A_201, %dma_start3A_202] : memref<20480x128xf32, #tpu.memory_space<hbm>> -> memref<20480x128xf32, #tpu.memory_space<hbm>>
      tpu.enqueue_indirect_dma source(%dma_start3A_203 : memref<20480x128xf32, #tpu.memory_space<hbm>>) target(%arg8 : memref<64x128xf32, #tpu.memory_space<vmem>>) offsets(%dma_start3A_200 : memref<64xi32, #tpu.memory_space<vmem>>) semaphore(%arg12 : memref<!tpu.dma_semaphore, #tpu.memory_space<semaphore_mem>>)
      %mul3A_204 = arith.constant 4 : i32
      %mul3A_205 = arith.muli %scan3A_144, %mul3A_204 : i32
      %add3A_206 = arith.constant 3 : i32
      %add3A_207 = arith.addi %mul3A_205, %add3A_206 : i32
      %sub3A_208 = arith.constant 4 : i32
      %sub3A_209 = arith.subi %add3A_207, %sub3A_208 : i32
      %dma_wait3A_210 = arith.constant 64 : i32
      %dma_wait3A_211 = tpu.memref_slice %arg5[%sub3A_209, %dma_wait3A_210] : memref<80x128xi32, #tpu.memory_space<vmem>> -> memref<1x64xi32, #tpu.memory_space<vmem>>
      %dma_wait3A_212 = tpu.memref_squeeze %dma_wait3A_211 : memref<1x64xi32, #tpu.memory_space<vmem>> -> memref<64xi32, #tpu.memory_space<vmem>>
      %dma_wait3A_213 = arith.constant 0 : i32
      %dma_wait3A_214 = arith.constant 0 : i32
      %dma_wait3A_215 = tpu.memref_slice %arg2[%dma_wait3A_213, %dma_wait3A_214] : memref<20480x128xf32, #tpu.memory_space<hbm>> -> memref<20480x128xf32, #tpu.memory_space<hbm>>
      tpu.wait_indirect_dma semaphore(%arg13 : memref<!tpu.dma_semaphore, #tpu.memory_space<semaphore_mem>>) src(%dma_wait3A_215 : memref<20480x128xf32, #tpu.memory_space<hbm>>) dst(%arg9 : memref<64x128xf32, #tpu.memory_space<vmem>>)
      %sub3A_216 = arith.constant 4 : i32
      %sub3A_217 = arith.subi %add3A_207, %sub3A_216 : i32
      "tpu.region"() ({
        %run_scoped3A_224 = tpu.sem_alloc : memref<!tpu.dma_semaphore, #tpu.memory_space<semaphore_mem>>
        %dma_start3A_225 = arith.constant 0 : i32
        %dma_start3A_226 = tpu.memref_slice %arg5[%sub3A_217, %dma_start3A_225] : memref<80x128xi32, #tpu.memory_space<vmem>> -> memref<1x64xi32, #tpu.memory_space<vmem>>
        %dma_start3A_227 = tpu.memref_squeeze %dma_start3A_226 : memref<1x64xi32, #tpu.memory_space<vmem>> -> memref<64xi32, #tpu.memory_space<vmem>>
        %dma_start3A_228 = arith.constant 0 : i32
        %dma_start3A_229 = arith.constant 0 : i32
        %dma_start3A_230 = tpu.memref_slice %arg15[%dma_start3A_228, %dma_start3A_229] : memref<10240x128xf32, #tpu.memory_space<vmem_shared>> -> memref<10240x128xf32, #tpu.memory_space<vmem_shared>>
        tpu.enqueue_indirect_dma source(%arg9 : memref<64x128xf32, #tpu.memory_space<vmem>>) target(%dma_start3A_230 : memref<10240x128xf32, #tpu.memory_space<vmem_shared>>) offsets(%dma_start3A_227 : memref<64xi32, #tpu.memory_space<vmem>>) semaphore(%run_scoped3A_224 : memref<!tpu.dma_semaphore, #tpu.memory_space<semaphore_mem>>) {add = true}
        %dma_wait3A_231 = arith.constant 0 : i32
        %dma_wait3A_232 = tpu.memref_slice %arg5[%sub3A_217, %dma_wait3A_231] : memref<80x128xi32, #tpu.memory_space<vmem>> -> memref<1x64xi32, #tpu.memory_space<vmem>>
        %dma_wait3A_233 = tpu.memref_squeeze %dma_wait3A_232 : memref<1x64xi32, #tpu.memory_space<vmem>> -> memref<64xi32, #tpu.memory_space<vmem>>
        %dma_wait3A_234 = arith.constant 0 : i32
        %dma_wait3A_235 = arith.constant 0 : i32
        %dma_wait3A_236 = tpu.memref_slice %arg15[%dma_wait3A_234, %dma_wait3A_235] : memref<10240x128xf32, #tpu.memory_space<vmem_shared>> -> memref<10240x128xf32, #tpu.memory_space<vmem_shared>>
        tpu.wait_indirect_dma semaphore(%run_scoped3A_224 : memref<!tpu.dma_semaphore, #tpu.memory_space<semaphore_mem>>) src(%arg9 : memref<64x128xf32, #tpu.memory_space<vmem>>) dst(%dma_wait3A_236 : memref<10240x128xf32, #tpu.memory_space<vmem_shared>>)
        tpu.yield
      }) : () -> ()
      %dma_start3A_218 = arith.constant 64 : i32
      %dma_start3A_219 = tpu.memref_slice %arg5[%add3A_207, %dma_start3A_218] : memref<80x128xi32, #tpu.memory_space<vmem>> -> memref<1x64xi32, #tpu.memory_space<vmem>>
      %dma_start3A_220 = tpu.memref_squeeze %dma_start3A_219 : memref<1x64xi32, #tpu.memory_space<vmem>> -> memref<64xi32, #tpu.memory_space<vmem>>
      %dma_start3A_221 = arith.constant 0 : i32
      %dma_start3A_222 = arith.constant 0 : i32
      %dma_start3A_223 = tpu.memref_slice %arg2[%dma_start3A_221, %dma_start3A_222] : memref<20480x128xf32, #tpu.memory_space<hbm>> -> memref<20480x128xf32, #tpu.memory_space<hbm>>
      tpu.enqueue_indirect_dma source(%dma_start3A_223 : memref<20480x128xf32, #tpu.memory_space<hbm>>) target(%arg9 : memref<64x128xf32, #tpu.memory_space<vmem>>) offsets(%dma_start3A_220 : memref<64xi32, #tpu.memory_space<vmem>>) semaphore(%arg13 : memref<!tpu.dma_semaphore, #tpu.memory_space<semaphore_mem>>)
    }
    %scan3A_43 = arith.constant 19 : i32
    %dma_wait3A_44 = arith.constant 76 : i32
    %dma_wait3A_45 = arith.constant 64 : i32
    %dma_wait3A_46 = tpu.memref_slice %arg5[%dma_wait3A_44, %dma_wait3A_45] : memref<80x128xi32, #tpu.memory_space<vmem>> -> memref<1x64xi32, #tpu.memory_space<vmem>>
    %dma_wait3A_47 = tpu.memref_squeeze %dma_wait3A_46 : memref<1x64xi32, #tpu.memory_space<vmem>> -> memref<64xi32, #tpu.memory_space<vmem>>
    %dma_wait3A_48 = arith.constant 0 : i32
    %dma_wait3A_49 = arith.constant 0 : i32
    %dma_wait3A_50 = tpu.memref_slice %arg2[%dma_wait3A_48, %dma_wait3A_49] : memref<20480x128xf32, #tpu.memory_space<hbm>> -> memref<20480x128xf32, #tpu.memory_space<hbm>>
    tpu.wait_indirect_dma semaphore(%arg10 : memref<!tpu.dma_semaphore, #tpu.memory_space<semaphore_mem>>) src(%dma_wait3A_50 : memref<20480x128xf32, #tpu.memory_space<hbm>>) dst(%arg6 : memref<64x128xf32, #tpu.memory_space<vmem>>)
    %run_scoped3A = arith.constant 76 : i32
    "tpu.region"() ({
      %run_scoped3A_144 = tpu.sem_alloc : memref<!tpu.dma_semaphore, #tpu.memory_space<semaphore_mem>>
      %dma_start3A_145 = arith.constant 0 : i32
      %dma_start3A_146 = tpu.memref_slice %arg5[%run_scoped3A, %dma_start3A_145] : memref<80x128xi32, #tpu.memory_space<vmem>> -> memref<1x64xi32, #tpu.memory_space<vmem>>
      %dma_start3A_147 = tpu.memref_squeeze %dma_start3A_146 : memref<1x64xi32, #tpu.memory_space<vmem>> -> memref<64xi32, #tpu.memory_space<vmem>>
      %dma_start3A_148 = arith.constant 0 : i32
      %dma_start3A_149 = arith.constant 0 : i32
      %dma_start3A_150 = tpu.memref_slice %arg15[%dma_start3A_148, %dma_start3A_149] : memref<10240x128xf32, #tpu.memory_space<vmem_shared>> -> memref<10240x128xf32, #tpu.memory_space<vmem_shared>>
      tpu.enqueue_indirect_dma source(%arg6 : memref<64x128xf32, #tpu.memory_space<vmem>>) target(%dma_start3A_150 : memref<10240x128xf32, #tpu.memory_space<vmem_shared>>) offsets(%dma_start3A_147 : memref<64xi32, #tpu.memory_space<vmem>>) semaphore(%run_scoped3A_144 : memref<!tpu.dma_semaphore, #tpu.memory_space<semaphore_mem>>) {add = true}
      %dma_wait3A_151 = arith.constant 0 : i32
      %dma_wait3A_152 = tpu.memref_slice %arg5[%run_scoped3A, %dma_wait3A_151] : memref<80x128xi32, #tpu.memory_space<vmem>> -> memref<1x64xi32, #tpu.memory_space<vmem>>
      %dma_wait3A_153 = tpu.memref_squeeze %dma_wait3A_152 : memref<1x64xi32, #tpu.memory_space<vmem>> -> memref<64xi32, #tpu.memory_space<vmem>>
      %dma_wait3A_154 = arith.constant 0 : i32
      %dma_wait3A_155 = arith.constant 0 : i32
      %dma_wait3A_156 = tpu.memref_slice %arg15[%dma_wait3A_154, %dma_wait3A_155] : memref<10240x128xf32, #tpu.memory_space<vmem_shared>> -> memref<10240x128xf32, #tpu.memory_space<vmem_shared>>
      tpu.wait_indirect_dma semaphore(%run_scoped3A_144 : memref<!tpu.dma_semaphore, #tpu.memory_space<semaphore_mem>>) src(%arg6 : memref<64x128xf32, #tpu.memory_space<vmem>>) dst(%dma_wait3A_156 : memref<10240x128xf32, #tpu.memory_space<vmem_shared>>)
      tpu.yield
    }) : () -> ()
    %dma_wait3A_51 = arith.constant 77 : i32
    %dma_wait3A_52 = arith.constant 64 : i32
    %dma_wait3A_53 = tpu.memref_slice %arg5[%dma_wait3A_51, %dma_wait3A_52] : memref<80x128xi32, #tpu.memory_space<vmem>> -> memref<1x64xi32, #tpu.memory_space<vmem>>
    %dma_wait3A_54 = tpu.memref_squeeze %dma_wait3A_53 : memref<1x64xi32, #tpu.memory_space<vmem>> -> memref<64xi32, #tpu.memory_space<vmem>>
    %dma_wait3A_55 = arith.constant 0 : i32
    %dma_wait3A_56 = arith.constant 0 : i32
    %dma_wait3A_57 = tpu.memref_slice %arg2[%dma_wait3A_55, %dma_wait3A_56] : memref<20480x128xf32, #tpu.memory_space<hbm>> -> memref<20480x128xf32, #tpu.memory_space<hbm>>
    tpu.wait_indirect_dma semaphore(%arg11 : memref<!tpu.dma_semaphore, #tpu.memory_space<semaphore_mem>>) src(%dma_wait3A_57 : memref<20480x128xf32, #tpu.memory_space<hbm>>) dst(%arg7 : memref<64x128xf32, #tpu.memory_space<vmem>>)
    %run_scoped3A_58 = arith.constant 77 : i32
    "tpu.region"() ({
      %run_scoped3A_144 = tpu.sem_alloc : memref<!tpu.dma_semaphore, #tpu.memory_space<semaphore_mem>>
      %dma_start3A_145 = arith.constant 0 : i32
      %dma_start3A_146 = tpu.memref_slice %arg5[%run_scoped3A_58, %dma_start3A_145] : memref<80x128xi32, #tpu.memory_space<vmem>> -> memref<1x64xi32, #tpu.memory_space<vmem>>
      %dma_start3A_147 = tpu.memref_squeeze %dma_start3A_146 : memref<1x64xi32, #tpu.memory_space<vmem>> -> memref<64xi32, #tpu.memory_space<vmem>>
      %dma_start3A_148 = arith.constant 0 : i32
      %dma_start3A_149 = arith.constant 0 : i32
      %dma_start3A_150 = tpu.memref_slice %arg15[%dma_start3A_148, %dma_start3A_149] : memref<10240x128xf32, #tpu.memory_space<vmem_shared>> -> memref<10240x128xf32, #tpu.memory_space<vmem_shared>>
      tpu.enqueue_indirect_dma source(%arg7 : memref<64x128xf32, #tpu.memory_space<vmem>>) target(%dma_start3A_150 : memref<10240x128xf32, #tpu.memory_space<vmem_shared>>) offsets(%dma_start3A_147 : memref<64xi32, #tpu.memory_space<vmem>>) semaphore(%run_scoped3A_144 : memref<!tpu.dma_semaphore, #tpu.memory_space<semaphore_mem>>) {add = true}
      %dma_wait3A_151 = arith.constant 0 : i32
      %dma_wait3A_152 = tpu.memref_slice %arg5[%run_scoped3A_58, %dma_wait3A_151] : memref<80x128xi32, #tpu.memory_space<vmem>> -> memref<1x64xi32, #tpu.memory_space<vmem>>
      %dma_wait3A_153 = tpu.memref_squeeze %dma_wait3A_152 : memref<1x64xi32, #tpu.memory_space<vmem>> -> memref<64xi32, #tpu.memory_space<vmem>>
      %dma_wait3A_154 = arith.constant 0 : i32
      %dma_wait3A_155 = arith.constant 0 : i32
      %dma_wait3A_156 = tpu.memref_slice %arg15[%dma_wait3A_154, %dma_wait3A_155] : memref<10240x128xf32, #tpu.memory_space<vmem_shared>> -> memref<10240x128xf32, #tpu.memory_space<vmem_shared>>
      tpu.wait_indirect_dma semaphore(%run_scoped3A_144 : memref<!tpu.dma_semaphore, #tpu.memory_space<semaphore_mem>>) src(%arg7 : memref<64x128xf32, #tpu.memory_space<vmem>>) dst(%dma_wait3A_156 : memref<10240x128xf32, #tpu.memory_space<vmem_shared>>)
      tpu.yield
    }) : () -> ()
    %dma_wait3A_59 = arith.constant 78 : i32
    %dma_wait3A_60 = arith.constant 64 : i32
    %dma_wait3A_61 = tpu.memref_slice %arg5[%dma_wait3A_59, %dma_wait3A_60] : memref<80x128xi32, #tpu.memory_space<vmem>> -> memref<1x64xi32, #tpu.memory_space<vmem>>
    %dma_wait3A_62 = tpu.memref_squeeze %dma_wait3A_61 : memref<1x64xi32, #tpu.memory_space<vmem>> -> memref<64xi32, #tpu.memory_space<vmem>>
    %dma_wait3A_63 = arith.constant 0 : i32
    %dma_wait3A_64 = arith.constant 0 : i32
    %dma_wait3A_65 = tpu.memref_slice %arg2[%dma_wait3A_63, %dma_wait3A_64] : memref<20480x128xf32, #tpu.memory_space<hbm>> -> memref<20480x128xf32, #tpu.memory_space<hbm>>
    tpu.wait_indirect_dma semaphore(%arg12 : memref<!tpu.dma_semaphore, #tpu.memory_space<semaphore_mem>>) src(%dma_wait3A_65 : memref<20480x128xf32, #tpu.memory_space<hbm>>) dst(%arg8 : memref<64x128xf32, #tpu.memory_space<vmem>>)
    %run_scoped3A_66 = arith.constant 78 : i32
    "tpu.region"() ({
      %run_scoped3A_144 = tpu.sem_alloc : memref<!tpu.dma_semaphore, #tpu.memory_space<semaphore_mem>>
      %dma_start3A_145 = arith.constant 0 : i32
      %dma_start3A_146 = tpu.memref_slice %arg5[%run_scoped3A_66, %dma_start3A_145] : memref<80x128xi32, #tpu.memory_space<vmem>> -> memref<1x64xi32, #tpu.memory_space<vmem>>
      %dma_start3A_147 = tpu.memref_squeeze %dma_start3A_146 : memref<1x64xi32, #tpu.memory_space<vmem>> -> memref<64xi32, #tpu.memory_space<vmem>>
      %dma_start3A_148 = arith.constant 0 : i32
      %dma_start3A_149 = arith.constant 0 : i32
      %dma_start3A_150 = tpu.memref_slice %arg15[%dma_start3A_148, %dma_start3A_149] : memref<10240x128xf32, #tpu.memory_space<vmem_shared>> -> memref<10240x128xf32, #tpu.memory_space<vmem_shared>>
      tpu.enqueue_indirect_dma source(%arg8 : memref<64x128xf32, #tpu.memory_space<vmem>>) target(%dma_start3A_150 : memref<10240x128xf32, #tpu.memory_space<vmem_shared>>) offsets(%dma_start3A_147 : memref<64xi32, #tpu.memory_space<vmem>>) semaphore(%run_scoped3A_144 : memref<!tpu.dma_semaphore, #tpu.memory_space<semaphore_mem>>) {add = true}
      %dma_wait3A_151 = arith.constant 0 : i32
      %dma_wait3A_152 = tpu.memref_slice %arg5[%run_scoped3A_66, %dma_wait3A_151] : memref<80x128xi32, #tpu.memory_space<vmem>> -> memref<1x64xi32, #tpu.memory_space<vmem>>
      %dma_wait3A_153 = tpu.memref_squeeze %dma_wait3A_152 : memref<1x64xi32, #tpu.memory_space<vmem>> -> memref<64xi32, #tpu.memory_space<vmem>>
      %dma_wait3A_154 = arith.constant 0 : i32
      %dma_wait3A_155 = arith.constant 0 : i32
      %dma_wait3A_156 = tpu.memref_slice %arg15[%dma_wait3A_154, %dma_wait3A_155] : memref<10240x128xf32, #tpu.memory_space<vmem_shared>> -> memref<10240x128xf32, #tpu.memory_space<vmem_shared>>
      tpu.wait_indirect_dma semaphore(%run_scoped3A_144 : memref<!tpu.dma_semaphore, #tpu.memory_space<semaphore_mem>>) src(%arg8 : memref<64x128xf32, #tpu.memory_space<vmem>>) dst(%dma_wait3A_156 : memref<10240x128xf32, #tpu.memory_space<vmem_shared>>)
      tpu.yield
    }) : () -> ()
    %dma_wait3A_67 = arith.constant 79 : i32
    %dma_wait3A_68 = arith.constant 64 : i32
    %dma_wait3A_69 = tpu.memref_slice %arg5[%dma_wait3A_67, %dma_wait3A_68] : memref<80x128xi32, #tpu.memory_space<vmem>> -> memref<1x64xi32, #tpu.memory_space<vmem>>
    %dma_wait3A_70 = tpu.memref_squeeze %dma_wait3A_69 : memref<1x64xi32, #tpu.memory_space<vmem>> -> memref<64xi32, #tpu.memory_space<vmem>>
    %dma_wait3A_71 = arith.constant 0 : i32
    %dma_wait3A_72 = arith.constant 0 : i32
    %dma_wait3A_73 = tpu.memref_slice %arg2[%dma_wait3A_71, %dma_wait3A_72] : memref<20480x128xf32, #tpu.memory_space<hbm>> -> memref<20480x128xf32, #tpu.memory_space<hbm>>
    tpu.wait_indirect_dma semaphore(%arg13 : memref<!tpu.dma_semaphore, #tpu.memory_space<semaphore_mem>>) src(%dma_wait3A_73 : memref<20480x128xf32, #tpu.memory_space<hbm>>) dst(%arg9 : memref<64x128xf32, #tpu.memory_space<vmem>>)
    %run_scoped3A_74 = arith.constant 79 : i32
    "tpu.region"() ({
      %run_scoped3A_144 = tpu.sem_alloc : memref<!tpu.dma_semaphore, #tpu.memory_space<semaphore_mem>>
      %dma_start3A_145 = arith.constant 0 : i32
      %dma_start3A_146 = tpu.memref_slice %arg5[%run_scoped3A_74, %dma_start3A_145] : memref<80x128xi32, #tpu.memory_space<vmem>> -> memref<1x64xi32, #tpu.memory_space<vmem>>
      %dma_start3A_147 = tpu.memref_squeeze %dma_start3A_146 : memref<1x64xi32, #tpu.memory_space<vmem>> -> memref<64xi32, #tpu.memory_space<vmem>>
      %dma_start3A_148 = arith.constant 0 : i32
      %dma_start3A_149 = arith.constant 0 : i32
      %dma_start3A_150 = tpu.memref_slice %arg15[%dma_start3A_148, %dma_start3A_149] : memref<10240x128xf32, #tpu.memory_space<vmem_shared>> -> memref<10240x128xf32, #tpu.memory_space<vmem_shared>>
      tpu.enqueue_indirect_dma source(%arg9 : memref<64x128xf32, #tpu.memory_space<vmem>>) target(%dma_start3A_150 : memref<10240x128xf32, #tpu.memory_space<vmem_shared>>) offsets(%dma_start3A_147 : memref<64xi32, #tpu.memory_space<vmem>>) semaphore(%run_scoped3A_144 : memref<!tpu.dma_semaphore, #tpu.memory_space<semaphore_mem>>) {add = true}
      %dma_wait3A_151 = arith.constant 0 : i32
      %dma_wait3A_152 = tpu.memref_slice %arg5[%run_scoped3A_74, %dma_wait3A_151] : memref<80x128xi32, #tpu.memory_space<vmem>> -> memref<1x64xi32, #tpu.memory_space<vmem>>
      %dma_wait3A_153 = tpu.memref_squeeze %dma_wait3A_152 : memref<1x64xi32, #tpu.memory_space<vmem>> -> memref<64xi32, #tpu.memory_space<vmem>>
      %dma_wait3A_154 = arith.constant 0 : i32
      %dma_wait3A_155 = arith.constant 0 : i32
      %dma_wait3A_156 = tpu.memref_slice %arg15[%dma_wait3A_154, %dma_wait3A_155] : memref<10240x128xf32, #tpu.memory_space<vmem_shared>> -> memref<10240x128xf32, #tpu.memory_space<vmem_shared>>
      tpu.wait_indirect_dma semaphore(%run_scoped3A_144 : memref<!tpu.dma_semaphore, #tpu.memory_space<semaphore_mem>>) src(%arg9 : memref<64x128xf32, #tpu.memory_space<vmem>>) dst(%dma_wait3A_156 : memref<10240x128xf32, #tpu.memory_space<vmem_shared>>)
      tpu.yield
    }) : () -> ()
    "tpu.region"() ({
      %run_scoped3A_144 = tpu.sem_alloc : memref<!tpu.dma_semaphore, #tpu.memory_space<semaphore_mem>>
      %dma_start3A_145 = arith.constant 80 : i32
      %dma_start3A_146 = arith.constant 0 : i32
      %dma_start3A_147 = tpu.memref_slice %arg3[%arg0, %arg1, %dma_start3A_145, %dma_start3A_146] : memref<2x16x160x128xi32, #tpu.memory_space<hbm>> -> memref<1x1x80x128xi32, #tpu.memory_space<hbm>>
      %dma_start3A_148 = tpu.memref_squeeze %dma_start3A_147 : memref<1x1x80x128xi32, #tpu.memory_space<hbm>> -> memref<80x128xi32, #tpu.memory_space<hbm>>
      %dma_start3A_149 = arith.constant 80 : i32
      %dma_start3A_150 = arith.constant 0 : i32
      %dma_start3A_151 = tpu.memref_slice %arg3[%arg0, %arg1, %dma_start3A_149, %dma_start3A_150] : memref<2x16x160x128xi32, #tpu.memory_space<hbm>> -> memref<1x1x80x128xi32, #tpu.memory_space<hbm>>
      %dma_start3A_152 = tpu.memref_squeeze %dma_start3A_151 : memref<1x1x80x128xi32, #tpu.memory_space<hbm>> -> memref<80x128xi32, #tpu.memory_space<hbm>>
      tpu.enqueue_dma source(%dma_start3A_152 : memref<80x128xi32, #tpu.memory_space<hbm>>) target(%arg5 : memref<80x128xi32, #tpu.memory_space<vmem>>) target_semaphore(%run_scoped3A_144 : memref<!tpu.dma_semaphore, #tpu.memory_space<semaphore_mem>>)
      %dma_wait3A_153 = arith.constant 80 : i32
      %dma_wait3A_154 = arith.constant 0 : i32
      %dma_wait3A_155 = tpu.memref_slice %arg3[%arg0, %arg1, %dma_wait3A_153, %dma_wait3A_154] : memref<2x16x160x128xi32, #tpu.memory_space<hbm>> -> memref<1x1x80x128xi32, #tpu.memory_space<hbm>>
      %dma_wait3A_156 = tpu.memref_squeeze %dma_wait3A_155 : memref<1x1x80x128xi32, #tpu.memory_space<hbm>> -> memref<80x128xi32, #tpu.memory_space<hbm>>
      %dma_wait3A_157 = arith.constant 80 : i32
      %dma_wait3A_158 = arith.constant 0 : i32
      %dma_wait3A_159 = tpu.memref_slice %arg3[%arg0, %arg1, %dma_wait3A_157, %dma_wait3A_158] : memref<2x16x160x128xi32, #tpu.memory_space<hbm>> -> memref<1x1x80x128xi32, #tpu.memory_space<hbm>>
      %dma_wait3A_160 = tpu.memref_squeeze %dma_wait3A_159 : memref<1x1x80x128xi32, #tpu.memory_space<hbm>> -> memref<80x128xi32, #tpu.memory_space<hbm>>
      tpu.wait_dma2 semaphore(%run_scoped3A_144 : memref<!tpu.dma_semaphore, #tpu.memory_space<semaphore_mem>>) src(%dma_wait3A_160 : memref<80x128xi32, #tpu.memory_space<hbm>>) dst(%arg5 : memref<80x128xi32, #tpu.memory_space<vmem>>)
      tpu.yield
    }) : () -> ()
    %dma_start3A_75 = arith.constant 0 : i32
    %dma_start3A_76 = arith.constant 64 : i32
    %dma_start3A_77 = tpu.memref_slice %arg5[%dma_start3A_75, %dma_start3A_76] : memref<80x128xi32, #tpu.memory_space<vmem>> -> memref<1x64xi32, #tpu.memory_space<vmem>>
    %dma_start3A_78 = tpu.memref_squeeze %dma_start3A_77 : memref<1x64xi32, #tpu.memory_space<vmem>> -> memref<64xi32, #tpu.memory_space<vmem>>
    %dma_start3A_79 = arith.constant 0 : i32
    %dma_start3A_80 = arith.constant 0 : i32
    %dma_start3A_81 = tpu.memref_slice %arg2[%dma_start3A_79, %dma_start3A_80] : memref<20480x128xf32, #tpu.memory_space<hbm>> -> memref<20480x128xf32, #tpu.memory_space<hbm>>
    tpu.enqueue_indirect_dma source(%dma_start3A_81 : memref<20480x128xf32, #tpu.memory_space<hbm>>) target(%arg6 : memref<64x128xf32, #tpu.memory_space<vmem>>) offsets(%dma_start3A_78 : memref<64xi32, #tpu.memory_space<vmem>>) semaphore(%arg10 : memref<!tpu.dma_semaphore, #tpu.memory_space<semaphore_mem>>)
    %dma_start3A_82 = arith.constant 1 : i32
    %dma_start3A_83 = arith.constant 64 : i32
    %dma_start3A_84 = tpu.memref_slice %arg5[%dma_start3A_82, %dma_start3A_83] : memref<80x128xi32, #tpu.memory_space<vmem>> -> memref<1x64xi32, #tpu.memory_space<vmem>>
    %dma_start3A_85 = tpu.memref_squeeze %dma_start3A_84 : memref<1x64xi32, #tpu.memory_space<vmem>> -> memref<64xi32, #tpu.memory_space<vmem>>
    %dma_start3A_86 = arith.constant 0 : i32
    %dma_start3A_87 = arith.constant 0 : i32
    %dma_start3A_88 = tpu.memref_slice %arg2[%dma_start3A_86, %dma_start3A_87] : memref<20480x128xf32, #tpu.memory_space<hbm>> -> memref<20480x128xf32, #tpu.memory_space<hbm>>
    tpu.enqueue_indirect_dma source(%dma_start3A_88 : memref<20480x128xf32, #tpu.memory_space<hbm>>) target(%arg7 : memref<64x128xf32, #tpu.memory_space<vmem>>) offsets(%dma_start3A_85 : memref<64xi32, #tpu.memory_space<vmem>>) semaphore(%arg11 : memref<!tpu.dma_semaphore, #tpu.memory_space<semaphore_mem>>)
    %dma_start3A_89 = arith.constant 2 : i32
    %dma_start3A_90 = arith.constant 64 : i32
    %dma_start3A_91 = tpu.memref_slice %arg5[%dma_start3A_89, %dma_start3A_90] : memref<80x128xi32, #tpu.memory_space<vmem>> -> memref<1x64xi32, #tpu.memory_space<vmem>>
    %dma_start3A_92 = tpu.memref_squeeze %dma_start3A_91 : memref<1x64xi32, #tpu.memory_space<vmem>> -> memref<64xi32, #tpu.memory_space<vmem>>
    %dma_start3A_93 = arith.constant 0 : i32
    %dma_start3A_94 = arith.constant 0 : i32
    %dma_start3A_95 = tpu.memref_slice %arg2[%dma_start3A_93, %dma_start3A_94] : memref<20480x128xf32, #tpu.memory_space<hbm>> -> memref<20480x128xf32, #tpu.memory_space<hbm>>
    tpu.enqueue_indirect_dma source(%dma_start3A_95 : memref<20480x128xf32, #tpu.memory_space<hbm>>) target(%arg8 : memref<64x128xf32, #tpu.memory_space<vmem>>) offsets(%dma_start3A_92 : memref<64xi32, #tpu.memory_space<vmem>>) semaphore(%arg12 : memref<!tpu.dma_semaphore, #tpu.memory_space<semaphore_mem>>)
    %dma_start3A_96 = arith.constant 3 : i32
    %dma_start3A_97 = arith.constant 64 : i32
    %dma_start3A_98 = tpu.memref_slice %arg5[%dma_start3A_96, %dma_start3A_97] : memref<80x128xi32, #tpu.memory_space<vmem>> -> memref<1x64xi32, #tpu.memory_space<vmem>>
    %dma_start3A_99 = tpu.memref_squeeze %dma_start3A_98 : memref<1x64xi32, #tpu.memory_space<vmem>> -> memref<64xi32, #tpu.memory_space<vmem>>
    %dma_start3A_100 = arith.constant 0 : i32
    %dma_start3A_101 = arith.constant 0 : i32
    %dma_start3A_102 = tpu.memref_slice %arg2[%dma_start3A_100, %dma_start3A_101] : memref<20480x128xf32, #tpu.memory_space<hbm>> -> memref<20480x128xf32, #tpu.memory_space<hbm>>
    tpu.enqueue_indirect_dma source(%dma_start3A_102 : memref<20480x128xf32, #tpu.memory_space<hbm>>) target(%arg9 : memref<64x128xf32, #tpu.memory_space<vmem>>) offsets(%dma_start3A_99 : memref<64xi32, #tpu.memory_space<vmem>>) semaphore(%arg13 : memref<!tpu.dma_semaphore, #tpu.memory_space<semaphore_mem>>)
    %scan3A_103 = arith.constant 0 : i32
    %scan3A_104 = arith.constant 1 : i32
    %scan3A_105 = arith.constant 19 : i32
    %scan3A_106 = arith.addi %scan3A_104, %scan3A_105 : i32
    %scan3A_107 = arith.constant 1 : i32
    scf.for %scan3A_144 = %scan3A_104 to %scan3A_106 step %scan3A_107  : i32 {
      %mul3A_145 = arith.constant 4 : i32
      %mul3A_146 = arith.muli %scan3A_144, %mul3A_145 : i32
      %add3A_147 = arith.constant 0 : i32
      %add3A_148 = arith.addi %mul3A_146, %add3A_147 : i32
      %sub3A = arith.constant 4 : i32
      %sub3A_149 = arith.subi %add3A_148, %sub3A : i32
      %dma_wait3A_150 = arith.constant 64 : i32
      %dma_wait3A_151 = tpu.memref_slice %arg5[%sub3A_149, %dma_wait3A_150] : memref<80x128xi32, #tpu.memory_space<vmem>> -> memref<1x64xi32, #tpu.memory_space<vmem>>
      %dma_wait3A_152 = tpu.memref_squeeze %dma_wait3A_151 : memref<1x64xi32, #tpu.memory_space<vmem>> -> memref<64xi32, #tpu.memory_space<vmem>>
      %dma_wait3A_153 = arith.constant 0 : i32
      %dma_wait3A_154 = arith.constant 0 : i32
      %dma_wait3A_155 = tpu.memref_slice %arg2[%dma_wait3A_153, %dma_wait3A_154] : memref<20480x128xf32, #tpu.memory_space<hbm>> -> memref<20480x128xf32, #tpu.memory_space<hbm>>
      tpu.wait_indirect_dma semaphore(%arg10 : memref<!tpu.dma_semaphore, #tpu.memory_space<semaphore_mem>>) src(%dma_wait3A_155 : memref<20480x128xf32, #tpu.memory_space<hbm>>) dst(%arg6 : memref<64x128xf32, #tpu.memory_space<vmem>>)
      %sub3A_156 = arith.constant 4 : i32
      %sub3A_157 = arith.subi %add3A_148, %sub3A_156 : i32
      "tpu.region"() ({
        %run_scoped3A_224 = tpu.sem_alloc : memref<!tpu.dma_semaphore, #tpu.memory_space<semaphore_mem>>
        %dma_start3A_225 = arith.constant 0 : i32
        %dma_start3A_226 = tpu.memref_slice %arg5[%sub3A_157, %dma_start3A_225] : memref<80x128xi32, #tpu.memory_space<vmem>> -> memref<1x64xi32, #tpu.memory_space<vmem>>
        %dma_start3A_227 = tpu.memref_squeeze %dma_start3A_226 : memref<1x64xi32, #tpu.memory_space<vmem>> -> memref<64xi32, #tpu.memory_space<vmem>>
        %dma_start3A_228 = arith.constant 0 : i32
        %dma_start3A_229 = arith.constant 0 : i32
        %dma_start3A_230 = tpu.memref_slice %arg15[%dma_start3A_228, %dma_start3A_229] : memref<10240x128xf32, #tpu.memory_space<vmem_shared>> -> memref<10240x128xf32, #tpu.memory_space<vmem_shared>>
        tpu.enqueue_indirect_dma source(%arg6 : memref<64x128xf32, #tpu.memory_space<vmem>>) target(%dma_start3A_230 : memref<10240x128xf32, #tpu.memory_space<vmem_shared>>) offsets(%dma_start3A_227 : memref<64xi32, #tpu.memory_space<vmem>>) semaphore(%run_scoped3A_224 : memref<!tpu.dma_semaphore, #tpu.memory_space<semaphore_mem>>) {add = true}
        %dma_wait3A_231 = arith.constant 0 : i32
        %dma_wait3A_232 = tpu.memref_slice %arg5[%sub3A_157, %dma_wait3A_231] : memref<80x128xi32, #tpu.memory_space<vmem>> -> memref<1x64xi32, #tpu.memory_space<vmem>>
        %dma_wait3A_233 = tpu.memref_squeeze %dma_wait3A_232 : memref<1x64xi32, #tpu.memory_space<vmem>> -> memref<64xi32, #tpu.memory_space<vmem>>
        %dma_wait3A_234 = arith.constant 0 : i32
        %dma_wait3A_235 = arith.constant 0 : i32
        %dma_wait3A_236 = tpu.memref_slice %arg15[%dma_wait3A_234, %dma_wait3A_235] : memref<10240x128xf32, #tpu.memory_space<vmem_shared>> -> memref<10240x128xf32, #tpu.memory_space<vmem_shared>>
        tpu.wait_indirect_dma semaphore(%run_scoped3A_224 : memref<!tpu.dma_semaphore, #tpu.memory_space<semaphore_mem>>) src(%arg6 : memref<64x128xf32, #tpu.memory_space<vmem>>) dst(%dma_wait3A_236 : memref<10240x128xf32, #tpu.memory_space<vmem_shared>>)
        tpu.yield
      }) : () -> ()
      %dma_start3A_158 = arith.constant 64 : i32
      %dma_start3A_159 = tpu.memref_slice %arg5[%add3A_148, %dma_start3A_158] : memref<80x128xi32, #tpu.memory_space<vmem>> -> memref<1x64xi32, #tpu.memory_space<vmem>>
      %dma_start3A_160 = tpu.memref_squeeze %dma_start3A_159 : memref<1x64xi32, #tpu.memory_space<vmem>> -> memref<64xi32, #tpu.memory_space<vmem>>
      %dma_start3A_161 = arith.constant 0 : i32
      %dma_start3A_162 = arith.constant 0 : i32
      %dma_start3A_163 = tpu.memref_slice %arg2[%dma_start3A_161, %dma_start3A_162] : memref<20480x128xf32, #tpu.memory_space<hbm>> -> memref<20480x128xf32, #tpu.memory_space<hbm>>
      tpu.enqueue_indirect_dma source(%dma_start3A_163 : memref<20480x128xf32, #tpu.memory_space<hbm>>) target(%arg6 : memref<64x128xf32, #tpu.memory_space<vmem>>) offsets(%dma_start3A_160 : memref<64xi32, #tpu.memory_space<vmem>>) semaphore(%arg10 : memref<!tpu.dma_semaphore, #tpu.memory_space<semaphore_mem>>)
      %mul3A_164 = arith.constant 4 : i32
      %mul3A_165 = arith.muli %scan3A_144, %mul3A_164 : i32
      %add3A_166 = arith.constant 1 : i32
      %add3A_167 = arith.addi %mul3A_165, %add3A_166 : i32
      %sub3A_168 = arith.constant 4 : i32
      %sub3A_169 = arith.subi %add3A_167, %sub3A_168 : i32
      %dma_wait3A_170 = arith.constant 64 : i32
      %dma_wait3A_171 = tpu.memref_slice %arg5[%sub3A_169, %dma_wait3A_170] : memref<80x128xi32, #tpu.memory_space<vmem>> -> memref<1x64xi32, #tpu.memory_space<vmem>>
      %dma_wait3A_172 = tpu.memref_squeeze %dma_wait3A_171 : memref<1x64xi32, #tpu.memory_space<vmem>> -> memref<64xi32, #tpu.memory_space<vmem>>
      %dma_wait3A_173 = arith.constant 0 : i32
      %dma_wait3A_174 = arith.constant 0 : i32
      %dma_wait3A_175 = tpu.memref_slice %arg2[%dma_wait3A_173, %dma_wait3A_174] : memref<20480x128xf32, #tpu.memory_space<hbm>> -> memref<20480x128xf32, #tpu.memory_space<hbm>>
      tpu.wait_indirect_dma semaphore(%arg11 : memref<!tpu.dma_semaphore, #tpu.memory_space<semaphore_mem>>) src(%dma_wait3A_175 : memref<20480x128xf32, #tpu.memory_space<hbm>>) dst(%arg7 : memref<64x128xf32, #tpu.memory_space<vmem>>)
      %sub3A_176 = arith.constant 4 : i32
      %sub3A_177 = arith.subi %add3A_167, %sub3A_176 : i32
      "tpu.region"() ({
        %run_scoped3A_224 = tpu.sem_alloc : memref<!tpu.dma_semaphore, #tpu.memory_space<semaphore_mem>>
        %dma_start3A_225 = arith.constant 0 : i32
        %dma_start3A_226 = tpu.memref_slice %arg5[%sub3A_177, %dma_start3A_225] : memref<80x128xi32, #tpu.memory_space<vmem>> -> memref<1x64xi32, #tpu.memory_space<vmem>>
        %dma_start3A_227 = tpu.memref_squeeze %dma_start3A_226 : memref<1x64xi32, #tpu.memory_space<vmem>> -> memref<64xi32, #tpu.memory_space<vmem>>
        %dma_start3A_228 = arith.constant 0 : i32
        %dma_start3A_229 = arith.constant 0 : i32
        %dma_start3A_230 = tpu.memref_slice %arg15[%dma_start3A_228, %dma_start3A_229] : memref<10240x128xf32, #tpu.memory_space<vmem_shared>> -> memref<10240x128xf32, #tpu.memory_space<vmem_shared>>
        tpu.enqueue_indirect_dma source(%arg7 : memref<64x128xf32, #tpu.memory_space<vmem>>) target(%dma_start3A_230 : memref<10240x128xf32, #tpu.memory_space<vmem_shared>>) offsets(%dma_start3A_227 : memref<64xi32, #tpu.memory_space<vmem>>) semaphore(%run_scoped3A_224 : memref<!tpu.dma_semaphore, #tpu.memory_space<semaphore_mem>>) {add = true}
        %dma_wait3A_231 = arith.constant 0 : i32
        %dma_wait3A_232 = tpu.memref_slice %arg5[%sub3A_177, %dma_wait3A_231] : memref<80x128xi32, #tpu.memory_space<vmem>> -> memref<1x64xi32, #tpu.memory_space<vmem>>
        %dma_wait3A_233 = tpu.memref_squeeze %dma_wait3A_232 : memref<1x64xi32, #tpu.memory_space<vmem>> -> memref<64xi32, #tpu.memory_space<vmem>>
        %dma_wait3A_234 = arith.constant 0 : i32
        %dma_wait3A_235 = arith.constant 0 : i32
        %dma_wait3A_236 = tpu.memref_slice %arg15[%dma_wait3A_234, %dma_wait3A_235] : memref<10240x128xf32, #tpu.memory_space<vmem_shared>> -> memref<10240x128xf32, #tpu.memory_space<vmem_shared>>
        tpu.wait_indirect_dma semaphore(%run_scoped3A_224 : memref<!tpu.dma_semaphore, #tpu.memory_space<semaphore_mem>>) src(%arg7 : memref<64x128xf32, #tpu.memory_space<vmem>>) dst(%dma_wait3A_236 : memref<10240x128xf32, #tpu.memory_space<vmem_shared>>)
        tpu.yield
      }) : () -> ()
      %dma_start3A_178 = arith.constant 64 : i32
      %dma_start3A_179 = tpu.memref_slice %arg5[%add3A_167, %dma_start3A_178] : memref<80x128xi32, #tpu.memory_space<vmem>> -> memref<1x64xi32, #tpu.memory_space<vmem>>
      %dma_start3A_180 = tpu.memref_squeeze %dma_start3A_179 : memref<1x64xi32, #tpu.memory_space<vmem>> -> memref<64xi32, #tpu.memory_space<vmem>>
      %dma_start3A_181 = arith.constant 0 : i32
      %dma_start3A_182 = arith.constant 0 : i32
      %dma_start3A_183 = tpu.memref_slice %arg2[%dma_start3A_181, %dma_start3A_182] : memref<20480x128xf32, #tpu.memory_space<hbm>> -> memref<20480x128xf32, #tpu.memory_space<hbm>>
      tpu.enqueue_indirect_dma source(%dma_start3A_183 : memref<20480x128xf32, #tpu.memory_space<hbm>>) target(%arg7 : memref<64x128xf32, #tpu.memory_space<vmem>>) offsets(%dma_start3A_180 : memref<64xi32, #tpu.memory_space<vmem>>) semaphore(%arg11 : memref<!tpu.dma_semaphore, #tpu.memory_space<semaphore_mem>>)
      %mul3A_184 = arith.constant 4 : i32
      %mul3A_185 = arith.muli %scan3A_144, %mul3A_184 : i32
      %add3A_186 = arith.constant 2 : i32
      %add3A_187 = arith.addi %mul3A_185, %add3A_186 : i32
      %sub3A_188 = arith.constant 4 : i32
      %sub3A_189 = arith.subi %add3A_187, %sub3A_188 : i32
      %dma_wait3A_190 = arith.constant 64 : i32
      %dma_wait3A_191 = tpu.memref_slice %arg5[%sub3A_189, %dma_wait3A_190] : memref<80x128xi32, #tpu.memory_space<vmem>> -> memref<1x64xi32, #tpu.memory_space<vmem>>
      %dma_wait3A_192 = tpu.memref_squeeze %dma_wait3A_191 : memref<1x64xi32, #tpu.memory_space<vmem>> -> memref<64xi32, #tpu.memory_space<vmem>>
      %dma_wait3A_193 = arith.constant 0 : i32
      %dma_wait3A_194 = arith.constant 0 : i32
      %dma_wait3A_195 = tpu.memref_slice %arg2[%dma_wait3A_193, %dma_wait3A_194] : memref<20480x128xf32, #tpu.memory_space<hbm>> -> memref<20480x128xf32, #tpu.memory_space<hbm>>
      tpu.wait_indirect_dma semaphore(%arg12 : memref<!tpu.dma_semaphore, #tpu.memory_space<semaphore_mem>>) src(%dma_wait3A_195 : memref<20480x128xf32, #tpu.memory_space<hbm>>) dst(%arg8 : memref<64x128xf32, #tpu.memory_space<vmem>>)
      %sub3A_196 = arith.constant 4 : i32
      %sub3A_197 = arith.subi %add3A_187, %sub3A_196 : i32
      "tpu.region"() ({
        %run_scoped3A_224 = tpu.sem_alloc : memref<!tpu.dma_semaphore, #tpu.memory_space<semaphore_mem>>
        %dma_start3A_225 = arith.constant 0 : i32
        %dma_start3A_226 = tpu.memref_slice %arg5[%sub3A_197, %dma_start3A_225] : memref<80x128xi32, #tpu.memory_space<vmem>> -> memref<1x64xi32, #tpu.memory_space<vmem>>
        %dma_start3A_227 = tpu.memref_squeeze %dma_start3A_226 : memref<1x64xi32, #tpu.memory_space<vmem>> -> memref<64xi32, #tpu.memory_space<vmem>>
        %dma_start3A_228 = arith.constant 0 : i32
        %dma_start3A_229 = arith.constant 0 : i32
        %dma_start3A_230 = tpu.memref_slice %arg15[%dma_start3A_228, %dma_start3A_229] : memref<10240x128xf32, #tpu.memory_space<vmem_shared>> -> memref<10240x128xf32, #tpu.memory_space<vmem_shared>>
        tpu.enqueue_indirect_dma source(%arg8 : memref<64x128xf32, #tpu.memory_space<vmem>>) target(%dma_start3A_230 : memref<10240x128xf32, #tpu.memory_space<vmem_shared>>) offsets(%dma_start3A_227 : memref<64xi32, #tpu.memory_space<vmem>>) semaphore(%run_scoped3A_224 : memref<!tpu.dma_semaphore, #tpu.memory_space<semaphore_mem>>) {add = true}
        %dma_wait3A_231 = arith.constant 0 : i32
        %dma_wait3A_232 = tpu.memref_slice %arg5[%sub3A_197, %dma_wait3A_231] : memref<80x128xi32, #tpu.memory_space<vmem>> -> memref<1x64xi32, #tpu.memory_space<vmem>>
        %dma_wait3A_233 = tpu.memref_squeeze %dma_wait3A_232 : memref<1x64xi32, #tpu.memory_space<vmem>> -> memref<64xi32, #tpu.memory_space<vmem>>
        %dma_wait3A_234 = arith.constant 0 : i32
        %dma_wait3A_235 = arith.constant 0 : i32
        %dma_wait3A_236 = tpu.memref_slice %arg15[%dma_wait3A_234, %dma_wait3A_235] : memref<10240x128xf32, #tpu.memory_space<vmem_shared>> -> memref<10240x128xf32, #tpu.memory_space<vmem_shared>>
        tpu.wait_indirect_dma semaphore(%run_scoped3A_224 : memref<!tpu.dma_semaphore, #tpu.memory_space<semaphore_mem>>) src(%arg8 : memref<64x128xf32, #tpu.memory_space<vmem>>) dst(%dma_wait3A_236 : memref<10240x128xf32, #tpu.memory_space<vmem_shared>>)
        tpu.yield
      }) : () -> ()
      %dma_start3A_198 = arith.constant 64 : i32
      %dma_start3A_199 = tpu.memref_slice %arg5[%add3A_187, %dma_start3A_198] : memref<80x128xi32, #tpu.memory_space<vmem>> -> memref<1x64xi32, #tpu.memory_space<vmem>>
      %dma_start3A_200 = tpu.memref_squeeze %dma_start3A_199 : memref<1x64xi32, #tpu.memory_space<vmem>> -> memref<64xi32, #tpu.memory_space<vmem>>
      %dma_start3A_201 = arith.constant 0 : i32
      %dma_start3A_202 = arith.constant 0 : i32
      %dma_start3A_203 = tpu.memref_slice %arg2[%dma_start3A_201, %dma_start3A_202] : memref<20480x128xf32, #tpu.memory_space<hbm>> -> memref<20480x128xf32, #tpu.memory_space<hbm>>
      tpu.enqueue_indirect_dma source(%dma_start3A_203 : memref<20480x128xf32, #tpu.memory_space<hbm>>) target(%arg8 : memref<64x128xf32, #tpu.memory_space<vmem>>) offsets(%dma_start3A_200 : memref<64xi32, #tpu.memory_space<vmem>>) semaphore(%arg12 : memref<!tpu.dma_semaphore, #tpu.memory_space<semaphore_mem>>)
      %mul3A_204 = arith.constant 4 : i32
      %mul3A_205 = arith.muli %scan3A_144, %mul3A_204 : i32
      %add3A_206 = arith.constant 3 : i32
      %add3A_207 = arith.addi %mul3A_205, %add3A_206 : i32
      %sub3A_208 = arith.constant 4 : i32
      %sub3A_209 = arith.subi %add3A_207, %sub3A_208 : i32
      %dma_wait3A_210 = arith.constant 64 : i32
      %dma_wait3A_211 = tpu.memref_slice %arg5[%sub3A_209, %dma_wait3A_210] : memref<80x128xi32, #tpu.memory_space<vmem>> -> memref<1x64xi32, #tpu.memory_space<vmem>>
      %dma_wait3A_212 = tpu.memref_squeeze %dma_wait3A_211 : memref<1x64xi32, #tpu.memory_space<vmem>> -> memref<64xi32, #tpu.memory_space<vmem>>
      %dma_wait3A_213 = arith.constant 0 : i32
      %dma_wait3A_214 = arith.constant 0 : i32
      %dma_wait3A_215 = tpu.memref_slice %arg2[%dma_wait3A_213, %dma_wait3A_214] : memref<20480x128xf32, #tpu.memory_space<hbm>> -> memref<20480x128xf32, #tpu.memory_space<hbm>>
      tpu.wait_indirect_dma semaphore(%arg13 : memref<!tpu.dma_semaphore, #tpu.memory_space<semaphore_mem>>) src(%dma_wait3A_215 : memref<20480x128xf32, #tpu.memory_space<hbm>>) dst(%arg9 : memref<64x128xf32, #tpu.memory_space<vmem>>)
      %sub3A_216 = arith.constant 4 : i32
      %sub3A_217 = arith.subi %add3A_207, %sub3A_216 : i32
      "tpu.region"() ({
        %run_scoped3A_224 = tpu.sem_alloc : memref<!tpu.dma_semaphore, #tpu.memory_space<semaphore_mem>>
        %dma_start3A_225 = arith.constant 0 : i32
        %dma_start3A_226 = tpu.memref_slice %arg5[%sub3A_217, %dma_start3A_225] : memref<80x128xi32, #tpu.memory_space<vmem>> -> memref<1x64xi32, #tpu.memory_space<vmem>>
        %dma_start3A_227 = tpu.memref_squeeze %dma_start3A_226 : memref<1x64xi32, #tpu.memory_space<vmem>> -> memref<64xi32, #tpu.memory_space<vmem>>
        %dma_start3A_228 = arith.constant 0 : i32
        %dma_start3A_229 = arith.constant 0 : i32
        %dma_start3A_230 = tpu.memref_slice %arg15[%dma_start3A_228, %dma_start3A_229] : memref<10240x128xf32, #tpu.memory_space<vmem_shared>> -> memref<10240x128xf32, #tpu.memory_space<vmem_shared>>
        tpu.enqueue_indirect_dma source(%arg9 : memref<64x128xf32, #tpu.memory_space<vmem>>) target(%dma_start3A_230 : memref<10240x128xf32, #tpu.memory_space<vmem_shared>>) offsets(%dma_start3A_227 : memref<64xi32, #tpu.memory_space<vmem>>) semaphore(%run_scoped3A_224 : memref<!tpu.dma_semaphore, #tpu.memory_space<semaphore_mem>>) {add = true}
        %dma_wait3A_231 = arith.constant 0 : i32
        %dma_wait3A_232 = tpu.memref_slice %arg5[%sub3A_217, %dma_wait3A_231] : memref<80x128xi32, #tpu.memory_space<vmem>> -> memref<1x64xi32, #tpu.memory_space<vmem>>
        %dma_wait3A_233 = tpu.memref_squeeze %dma_wait3A_232 : memref<1x64xi32, #tpu.memory_space<vmem>> -> memref<64xi32, #tpu.memory_space<vmem>>
        %dma_wait3A_234 = arith.constant 0 : i32
        %dma_wait3A_235 = arith.constant 0 : i32
        %dma_wait3A_236 = tpu.memref_slice %arg15[%dma_wait3A_234, %dma_wait3A_235] : memref<10240x128xf32, #tpu.memory_space<vmem_shared>> -> memref<10240x128xf32, #tpu.memory_space<vmem_shared>>
        tpu.wait_indirect_dma semaphore(%run_scoped3A_224 : memref<!tpu.dma_semaphore, #tpu.memory_space<semaphore_mem>>) src(%arg9 : memref<64x128xf32, #tpu.memory_space<vmem>>) dst(%dma_wait3A_236 : memref<10240x128xf32, #tpu.memory_space<vmem_shared>>)
        tpu.yield
      }) : () -> ()
      %dma_start3A_218 = arith.constant 64 : i32
      %dma_start3A_219 = tpu.memref_slice %arg5[%add3A_207, %dma_start3A_218] : memref<80x128xi32, #tpu.memory_space<vmem>> -> memref<1x64xi32, #tpu.memory_space<vmem>>
      %dma_start3A_220 = tpu.memref_squeeze %dma_start3A_219 : memref<1x64xi32, #tpu.memory_space<vmem>> -> memref<64xi32, #tpu.memory_space<vmem>>
      %dma_start3A_221 = arith.constant 0 : i32
      %dma_start3A_222 = arith.constant 0 : i32
      %dma_start3A_223 = tpu.memref_slice %arg2[%dma_start3A_221, %dma_start3A_222] : memref<20480x128xf32, #tpu.memory_space<hbm>> -> memref<20480x128xf32, #tpu.memory_space<hbm>>
      tpu.enqueue_indirect_dma source(%dma_start3A_223 : memref<20480x128xf32, #tpu.memory_space<hbm>>) target(%arg9 : memref<64x128xf32, #tpu.memory_space<vmem>>) offsets(%dma_start3A_220 : memref<64xi32, #tpu.memory_space<vmem>>) semaphore(%arg13 : memref<!tpu.dma_semaphore, #tpu.memory_space<semaphore_mem>>)
    }
    %scan3A_108 = arith.constant 19 : i32
    %dma_wait3A_109 = arith.constant 76 : i32
    %dma_wait3A_110 = arith.constant 64 : i32
    %dma_wait3A_111 = tpu.memref_slice %arg5[%dma_wait3A_109, %dma_wait3A_110] : memref<80x128xi32, #tpu.memory_space<vmem>> -> memref<1x64xi32, #tpu.memory_space<vmem>>
    %dma_wait3A_112 = tpu.memref_squeeze %dma_wait3A_111 : memref<1x64xi32, #tpu.memory_space<vmem>> -> memref<64xi32, #tpu.memory_space<vmem>>
    %dma_wait3A_113 = arith.constant 0 : i32
    %dma_wait3A_114 = arith.constant 0 : i32
    %dma_wait3A_115 = tpu.memref_slice %arg2[%dma_wait3A_113, %dma_wait3A_114] : memref<20480x128xf32, #tpu.memory_space<hbm>> -> memref<20480x128xf32, #tpu.memory_space<hbm>>
    tpu.wait_indirect_dma semaphore(%arg10 : memref<!tpu.dma_semaphore, #tpu.memory_space<semaphore_mem>>) src(%dma_wait3A_115 : memref<20480x128xf32, #tpu.memory_space<hbm>>) dst(%arg6 : memref<64x128xf32, #tpu.memory_space<vmem>>)
    %run_scoped3A_116 = arith.constant 76 : i32
    "tpu.region"() ({
      %run_scoped3A_144 = tpu.sem_alloc : memref<!tpu.dma_semaphore, #tpu.memory_space<semaphore_mem>>
      %dma_start3A_145 = arith.constant 0 : i32
      %dma_start3A_146 = tpu.memref_slice %arg5[%run_scoped3A_116, %dma_start3A_145] : memref<80x128xi32, #tpu.memory_space<vmem>> -> memref<1x64xi32, #tpu.memory_space<vmem>>
      %dma_start3A_147 = tpu.memref_squeeze %dma_start3A_146 : memref<1x64xi32, #tpu.memory_space<vmem>> -> memref<64xi32, #tpu.memory_space<vmem>>
      %dma_start3A_148 = arith.constant 0 : i32
      %dma_start3A_149 = arith.constant 0 : i32
      %dma_start3A_150 = tpu.memref_slice %arg15[%dma_start3A_148, %dma_start3A_149] : memref<10240x128xf32, #tpu.memory_space<vmem_shared>> -> memref<10240x128xf32, #tpu.memory_space<vmem_shared>>
      tpu.enqueue_indirect_dma source(%arg6 : memref<64x128xf32, #tpu.memory_space<vmem>>) target(%dma_start3A_150 : memref<10240x128xf32, #tpu.memory_space<vmem_shared>>) offsets(%dma_start3A_147 : memref<64xi32, #tpu.memory_space<vmem>>) semaphore(%run_scoped3A_144 : memref<!tpu.dma_semaphore, #tpu.memory_space<semaphore_mem>>) {add = true}
      %dma_wait3A_151 = arith.constant 0 : i32
      %dma_wait3A_152 = tpu.memref_slice %arg5[%run_scoped3A_116, %dma_wait3A_151] : memref<80x128xi32, #tpu.memory_space<vmem>> -> memref<1x64xi32, #tpu.memory_space<vmem>>
      %dma_wait3A_153 = tpu.memref_squeeze %dma_wait3A_152 : memref<1x64xi32, #tpu.memory_space<vmem>> -> memref<64xi32, #tpu.memory_space<vmem>>
      %dma_wait3A_154 = arith.constant 0 : i32
      %dma_wait3A_155 = arith.constant 0 : i32
      %dma_wait3A_156 = tpu.memref_slice %arg15[%dma_wait3A_154, %dma_wait3A_155] : memref<10240x128xf32, #tpu.memory_space<vmem_shared>> -> memref<10240x128xf32, #tpu.memory_space<vmem_shared>>
      tpu.wait_indirect_dma semaphore(%run_scoped3A_144 : memref<!tpu.dma_semaphore, #tpu.memory_space<semaphore_mem>>) src(%arg6 : memref<64x128xf32, #tpu.memory_space<vmem>>) dst(%dma_wait3A_156 : memref<10240x128xf32, #tpu.memory_space<vmem_shared>>)
      tpu.yield
    }) : () -> ()
    %dma_wait3A_117 = arith.constant 77 : i32
    %dma_wait3A_118 = arith.constant 64 : i32
    %dma_wait3A_119 = tpu.memref_slice %arg5[%dma_wait3A_117, %dma_wait3A_118] : memref<80x128xi32, #tpu.memory_space<vmem>> -> memref<1x64xi32, #tpu.memory_space<vmem>>
    %dma_wait3A_120 = tpu.memref_squeeze %dma_wait3A_119 : memref<1x64xi32, #tpu.memory_space<vmem>> -> memref<64xi32, #tpu.memory_space<vmem>>
    %dma_wait3A_121 = arith.constant 0 : i32
    %dma_wait3A_122 = arith.constant 0 : i32
    %dma_wait3A_123 = tpu.memref_slice %arg2[%dma_wait3A_121, %dma_wait3A_122] : memref<20480x128xf32, #tpu.memory_space<hbm>> -> memref<20480x128xf32, #tpu.memory_space<hbm>>
    tpu.wait_indirect_dma semaphore(%arg11 : memref<!tpu.dma_semaphore, #tpu.memory_space<semaphore_mem>>) src(%dma_wait3A_123 : memref<20480x128xf32, #tpu.memory_space<hbm>>) dst(%arg7 : memref<64x128xf32, #tpu.memory_space<vmem>>)
    %run_scoped3A_124 = arith.constant 77 : i32
    "tpu.region"() ({
      %run_scoped3A_144 = tpu.sem_alloc : memref<!tpu.dma_semaphore, #tpu.memory_space<semaphore_mem>>
      %dma_start3A_145 = arith.constant 0 : i32
      %dma_start3A_146 = tpu.memref_slice %arg5[%run_scoped3A_124, %dma_start3A_145] : memref<80x128xi32, #tpu.memory_space<vmem>> -> memref<1x64xi32, #tpu.memory_space<vmem>>
      %dma_start3A_147 = tpu.memref_squeeze %dma_start3A_146 : memref<1x64xi32, #tpu.memory_space<vmem>> -> memref<64xi32, #tpu.memory_space<vmem>>
      %dma_start3A_148 = arith.constant 0 : i32
      %dma_start3A_149 = arith.constant 0 : i32
      %dma_start3A_150 = tpu.memref_slice %arg15[%dma_start3A_148, %dma_start3A_149] : memref<10240x128xf32, #tpu.memory_space<vmem_shared>> -> memref<10240x128xf32, #tpu.memory_space<vmem_shared>>
      tpu.enqueue_indirect_dma source(%arg7 : memref<64x128xf32, #tpu.memory_space<vmem>>) target(%dma_start3A_150 : memref<10240x128xf32, #tpu.memory_space<vmem_shared>>) offsets(%dma_start3A_147 : memref<64xi32, #tpu.memory_space<vmem>>) semaphore(%run_scoped3A_144 : memref<!tpu.dma_semaphore, #tpu.memory_space<semaphore_mem>>) {add = true}
      %dma_wait3A_151 = arith.constant 0 : i32
      %dma_wait3A_152 = tpu.memref_slice %arg5[%run_scoped3A_124, %dma_wait3A_151] : memref<80x128xi32, #tpu.memory_space<vmem>> -> memref<1x64xi32, #tpu.memory_space<vmem>>
      %dma_wait3A_153 = tpu.memref_squeeze %dma_wait3A_152 : memref<1x64xi32, #tpu.memory_space<vmem>> -> memref<64xi32, #tpu.memory_space<vmem>>
      %dma_wait3A_154 = arith.constant 0 : i32
      %dma_wait3A_155 = arith.constant 0 : i32
      %dma_wait3A_156 = tpu.memref_slice %arg15[%dma_wait3A_154, %dma_wait3A_155] : memref<10240x128xf32, #tpu.memory_space<vmem_shared>> -> memref<10240x128xf32, #tpu.memory_space<vmem_shared>>
      tpu.wait_indirect_dma semaphore(%run_scoped3A_144 : memref<!tpu.dma_semaphore, #tpu.memory_space<semaphore_mem>>) src(%arg7 : memref<64x128xf32, #tpu.memory_space<vmem>>) dst(%dma_wait3A_156 : memref<10240x128xf32, #tpu.memory_space<vmem_shared>>)
      tpu.yield
    }) : () -> ()
    %dma_wait3A_125 = arith.constant 78 : i32
    %dma_wait3A_126 = arith.constant 64 : i32
    %dma_wait3A_127 = tpu.memref_slice %arg5[%dma_wait3A_125, %dma_wait3A_126] : memref<80x128xi32, #tpu.memory_space<vmem>> -> memref<1x64xi32, #tpu.memory_space<vmem>>
    %dma_wait3A_128 = tpu.memref_squeeze %dma_wait3A_127 : memref<1x64xi32, #tpu.memory_space<vmem>> -> memref<64xi32, #tpu.memory_space<vmem>>
    %dma_wait3A_129 = arith.constant 0 : i32
    %dma_wait3A_130 = arith.constant 0 : i32
    %dma_wait3A_131 = tpu.memref_slice %arg2[%dma_wait3A_129, %dma_wait3A_130] : memref<20480x128xf32, #tpu.memory_space<hbm>> -> memref<20480x128xf32, #tpu.memory_space<hbm>>
    tpu.wait_indirect_dma semaphore(%arg12 : memref<!tpu.dma_semaphore, #tpu.memory_space<semaphore_mem>>) src(%dma_wait3A_131 : memref<20480x128xf32, #tpu.memory_space<hbm>>) dst(%arg8 : memref<64x128xf32, #tpu.memory_space<vmem>>)
    %run_scoped3A_132 = arith.constant 78 : i32
    "tpu.region"() ({
      %run_scoped3A_144 = tpu.sem_alloc : memref<!tpu.dma_semaphore, #tpu.memory_space<semaphore_mem>>
      %dma_start3A_145 = arith.constant 0 : i32
      %dma_start3A_146 = tpu.memref_slice %arg5[%run_scoped3A_132, %dma_start3A_145] : memref<80x128xi32, #tpu.memory_space<vmem>> -> memref<1x64xi32, #tpu.memory_space<vmem>>
      %dma_start3A_147 = tpu.memref_squeeze %dma_start3A_146 : memref<1x64xi32, #tpu.memory_space<vmem>> -> memref<64xi32, #tpu.memory_space<vmem>>
      %dma_start3A_148 = arith.constant 0 : i32
      %dma_start3A_149 = arith.constant 0 : i32
      %dma_start3A_150 = tpu.memref_slice %arg15[%dma_start3A_148, %dma_start3A_149] : memref<10240x128xf32, #tpu.memory_space<vmem_shared>> -> memref<10240x128xf32, #tpu.memory_space<vmem_shared>>
      tpu.enqueue_indirect_dma source(%arg8 : memref<64x128xf32, #tpu.memory_space<vmem>>) target(%dma_start3A_150 : memref<10240x128xf32, #tpu.memory_space<vmem_shared>>) offsets(%dma_start3A_147 : memref<64xi32, #tpu.memory_space<vmem>>) semaphore(%run_scoped3A_144 : memref<!tpu.dma_semaphore, #tpu.memory_space<semaphore_mem>>) {add = true}
      %dma_wait3A_151 = arith.constant 0 : i32
      %dma_wait3A_152 = tpu.memref_slice %arg5[%run_scoped3A_132, %dma_wait3A_151] : memref<80x128xi32, #tpu.memory_space<vmem>> -> memref<1x64xi32, #tpu.memory_space<vmem>>
      %dma_wait3A_153 = tpu.memref_squeeze %dma_wait3A_152 : memref<1x64xi32, #tpu.memory_space<vmem>> -> memref<64xi32, #tpu.memory_space<vmem>>
      %dma_wait3A_154 = arith.constant 0 : i32
      %dma_wait3A_155 = arith.constant 0 : i32
      %dma_wait3A_156 = tpu.memref_slice %arg15[%dma_wait3A_154, %dma_wait3A_155] : memref<10240x128xf32, #tpu.memory_space<vmem_shared>> -> memref<10240x128xf32, #tpu.memory_space<vmem_shared>>
      tpu.wait_indirect_dma semaphore(%run_scoped3A_144 : memref<!tpu.dma_semaphore, #tpu.memory_space<semaphore_mem>>) src(%arg8 : memref<64x128xf32, #tpu.memory_space<vmem>>) dst(%dma_wait3A_156 : memref<10240x128xf32, #tpu.memory_space<vmem_shared>>)
      tpu.yield
    }) : () -> ()
    %dma_wait3A_133 = arith.constant 79 : i32
    %dma_wait3A_134 = arith.constant 64 : i32
    %dma_wait3A_135 = tpu.memref_slice %arg5[%dma_wait3A_133, %dma_wait3A_134] : memref<80x128xi32, #tpu.memory_space<vmem>> -> memref<1x64xi32, #tpu.memory_space<vmem>>
    %dma_wait3A_136 = tpu.memref_squeeze %dma_wait3A_135 : memref<1x64xi32, #tpu.memory_space<vmem>> -> memref<64xi32, #tpu.memory_space<vmem>>
    %dma_wait3A_137 = arith.constant 0 : i32
    %dma_wait3A_138 = arith.constant 0 : i32
    %dma_wait3A_139 = tpu.memref_slice %arg2[%dma_wait3A_137, %dma_wait3A_138] : memref<20480x128xf32, #tpu.memory_space<hbm>> -> memref<20480x128xf32, #tpu.memory_space<hbm>>
    tpu.wait_indirect_dma semaphore(%arg13 : memref<!tpu.dma_semaphore, #tpu.memory_space<semaphore_mem>>) src(%dma_wait3A_139 : memref<20480x128xf32, #tpu.memory_space<hbm>>) dst(%arg9 : memref<64x128xf32, #tpu.memory_space<vmem>>)
    %run_scoped3A_140 = arith.constant 79 : i32
    "tpu.region"() ({
      %run_scoped3A_144 = tpu.sem_alloc : memref<!tpu.dma_semaphore, #tpu.memory_space<semaphore_mem>>
      %dma_start3A_145 = arith.constant 0 : i32
      %dma_start3A_146 = tpu.memref_slice %arg5[%run_scoped3A_140, %dma_start3A_145] : memref<80x128xi32, #tpu.memory_space<vmem>> -> memref<1x64xi32, #tpu.memory_space<vmem>>
      %dma_start3A_147 = tpu.memref_squeeze %dma_start3A_146 : memref<1x64xi32, #tpu.memory_space<vmem>> -> memref<64xi32, #tpu.memory_space<vmem>>
      %dma_start3A_148 = arith.constant 0 : i32
      %dma_start3A_149 = arith.constant 0 : i32
      %dma_start3A_150 = tpu.memref_slice %arg15[%dma_start3A_148, %dma_start3A_149] : memref<10240x128xf32, #tpu.memory_space<vmem_shared>> -> memref<10240x128xf32, #tpu.memory_space<vmem_shared>>
      tpu.enqueue_indirect_dma source(%arg9 : memref<64x128xf32, #tpu.memory_space<vmem>>) target(%dma_start3A_150 : memref<10240x128xf32, #tpu.memory_space<vmem_shared>>) offsets(%dma_start3A_147 : memref<64xi32, #tpu.memory_space<vmem>>) semaphore(%run_scoped3A_144 : memref<!tpu.dma_semaphore, #tpu.memory_space<semaphore_mem>>) {add = true}
      %dma_wait3A_151 = arith.constant 0 : i32
      %dma_wait3A_152 = tpu.memref_slice %arg5[%run_scoped3A_140, %dma_wait3A_151] : memref<80x128xi32, #tpu.memory_space<vmem>> -> memref<1x64xi32, #tpu.memory_space<vmem>>
      %dma_wait3A_153 = tpu.memref_squeeze %dma_wait3A_152 : memref<1x64xi32, #tpu.memory_space<vmem>> -> memref<64xi32, #tpu.memory_space<vmem>>
      %dma_wait3A_154 = arith.constant 0 : i32
      %dma_wait3A_155 = arith.constant 0 : i32
      %dma_wait3A_156 = tpu.memref_slice %arg15[%dma_wait3A_154, %dma_wait3A_155] : memref<10240x128xf32, #tpu.memory_space<vmem_shared>> -> memref<10240x128xf32, #tpu.memory_space<vmem_shared>>
      tpu.wait_indirect_dma semaphore(%run_scoped3A_144 : memref<!tpu.dma_semaphore, #tpu.memory_space<semaphore_mem>>) src(%arg9 : memref<64x128xf32, #tpu.memory_space<vmem>>) dst(%dma_wait3A_156 : memref<10240x128xf32, #tpu.memory_space<vmem_shared>>)
      tpu.yield
    }) : () -> ()
    %barrier3A_141 = arith.constant 0 : index
    tpu.barrier barrier_id(%barrier3A_141)
    %mul3A_142 = arith.constant 640 : i32
    %mul3A_143 = arith.muli %arg1, %mul3A_142 : i32
    "tpu.region"() ({
      %run_scoped3A_144 = tpu.sem_alloc : memref<!tpu.dma_semaphore, #tpu.memory_space<semaphore_mem>>
      %dma_start3A_145 = arith.constant 0 : i32
      %dma_start3A_146 = tpu.memref_slice %arg4[%arg0, %mul3A_143, %dma_start3A_145] : memref<2x10240x128xf32, #tpu.memory_space<hbm>> -> memref<1x640x128xf32, #tpu.memory_space<hbm>>
      %dma_start3A_147 = tpu.memref_squeeze %dma_start3A_146 : memref<1x640x128xf32, #tpu.memory_space<hbm>> -> memref<640x128xf32, #tpu.memory_space<hbm>>
      %dma_start3A_148 = arith.constant 0 : i32
      %dma_start3A_149 = tpu.memref_slice %arg15[%mul3A_4, %dma_start3A_148] : memref<10240x128xf32, #tpu.memory_space<vmem_shared>> -> memref<640x128xf32, #tpu.memory_space<vmem_shared>>
      tpu.enqueue_dma source(%dma_start3A_149 : memref<640x128xf32, #tpu.memory_space<vmem_shared>>) target(%dma_start3A_147 : memref<640x128xf32, #tpu.memory_space<hbm>>) target_semaphore(%run_scoped3A_144 : memref<!tpu.dma_semaphore, #tpu.memory_space<semaphore_mem>>)
      %dma_wait3A_150 = arith.constant 0 : i32
      %dma_wait3A_151 = tpu.memref_slice %arg4[%arg0, %mul3A_143, %dma_wait3A_150] : memref<2x10240x128xf32, #tpu.memory_space<hbm>> -> memref<1x640x128xf32, #tpu.memory_space<hbm>>
      %dma_wait3A_152 = tpu.memref_squeeze %dma_wait3A_151 : memref<1x640x128xf32, #tpu.memory_space<hbm>> -> memref<640x128xf32, #tpu.memory_space<hbm>>
      %dma_wait3A_153 = arith.constant 0 : i32
      %dma_wait3A_154 = tpu.memref_slice %arg15[%mul3A_4, %dma_wait3A_153] : memref<10240x128xf32, #tpu.memory_space<vmem_shared>> -> memref<640x128xf32, #tpu.memory_space<vmem_shared>>
      tpu.wait_dma2 semaphore(%run_scoped3A_144 : memref<!tpu.dma_semaphore, #tpu.memory_space<semaphore_mem>>) src(%dma_wait3A_154 : memref<640x128xf32, #tpu.memory_space<vmem_shared>>) dst(%dma_wait3A_152 : memref<640x128xf32, #tpu.memory_space<hbm>>)
      tpu.yield
    }) : () -> ()
    return
  }
}

#map = affine_map<(d0, d1) -> (0, 0, 0)>
#map1 = affine_map<(d0, d1) -> (0, 0)>
module attributes {stable_mosaic.version = 14 : i64} {
  func.func @_deg_body(%arg0: i32, %arg1: i32, %arg2: memref<16x160x64xi32, #tpu.memory_space<hbm>>, %arg3: memref<10240x8xf32, #tpu.memory_space<hbm>>, %arg4: memref<2x10240x8xf32, #tpu.memory_space<hbm>>, %arg5: memref<160x64xi32, #tpu.memory_space<vmem>>, %arg6: memref<64x8xf32, #tpu.memory_space<vmem>>, %arg7: memref<!tpu.dma_semaphore, #tpu.memory_space<semaphore_mem>>, %arg8: memref<10240x8xf32, #tpu.memory_space<vmem_shared>>) attributes {dimension_semantics = [#tpu.dimension_semantics<core_parallel>, #tpu.dimension_semantics<subcore_parallel>], iteration_bounds = array<i64: 2, 16>, scalar_prefetch = 0 : i64, scratch_operands = 4 : i64, tpu.core_type = #tpu.core_type<sc_vector_subcore>, window_params = [{transform_indices = #map}, {transform_indices = #map1}, {transform_indices = #map}]} {
    "tpu.region"() ({
      %run_scoped3A = tpu.sem_alloc : memref<!tpu.dma_semaphore, #tpu.memory_space<semaphore_mem>>
      %dma_start3A = arith.constant 0 : i32
      %dma_start3A_19 = arith.constant 0 : i32
      %dma_start3A_20 = tpu.memref_slice %arg2[%arg1, %dma_start3A, %dma_start3A_19] : memref<16x160x64xi32, #tpu.memory_space<hbm>> -> memref<1x160x64xi32, #tpu.memory_space<hbm>>
      %dma_start3A_21 = tpu.memref_squeeze %dma_start3A_20 : memref<1x160x64xi32, #tpu.memory_space<hbm>> -> memref<160x64xi32, #tpu.memory_space<hbm>>
      %dma_start3A_22 = arith.constant 0 : i32
      %dma_start3A_23 = arith.constant 0 : i32
      %dma_start3A_24 = tpu.memref_slice %arg2[%arg1, %dma_start3A_22, %dma_start3A_23] : memref<16x160x64xi32, #tpu.memory_space<hbm>> -> memref<1x160x64xi32, #tpu.memory_space<hbm>>
      %dma_start3A_25 = tpu.memref_squeeze %dma_start3A_24 : memref<1x160x64xi32, #tpu.memory_space<hbm>> -> memref<160x64xi32, #tpu.memory_space<hbm>>
      tpu.enqueue_dma source(%dma_start3A_25 : memref<160x64xi32, #tpu.memory_space<hbm>>) target(%arg5 : memref<160x64xi32, #tpu.memory_space<vmem>>) target_semaphore(%run_scoped3A : memref<!tpu.dma_semaphore, #tpu.memory_space<semaphore_mem>>)
      %dma_wait3A = arith.constant 0 : i32
      %dma_wait3A_26 = arith.constant 0 : i32
      %dma_wait3A_27 = tpu.memref_slice %arg2[%arg1, %dma_wait3A, %dma_wait3A_26] : memref<16x160x64xi32, #tpu.memory_space<hbm>> -> memref<1x160x64xi32, #tpu.memory_space<hbm>>
      %dma_wait3A_28 = tpu.memref_squeeze %dma_wait3A_27 : memref<1x160x64xi32, #tpu.memory_space<hbm>> -> memref<160x64xi32, #tpu.memory_space<hbm>>
      %dma_wait3A_29 = arith.constant 0 : i32
      %dma_wait3A_30 = arith.constant 0 : i32
      %dma_wait3A_31 = tpu.memref_slice %arg2[%arg1, %dma_wait3A_29, %dma_wait3A_30] : memref<16x160x64xi32, #tpu.memory_space<hbm>> -> memref<1x160x64xi32, #tpu.memory_space<hbm>>
      %dma_wait3A_32 = tpu.memref_squeeze %dma_wait3A_31 : memref<1x160x64xi32, #tpu.memory_space<hbm>> -> memref<160x64xi32, #tpu.memory_space<hbm>>
      tpu.wait_dma2 semaphore(%run_scoped3A : memref<!tpu.dma_semaphore, #tpu.memory_space<semaphore_mem>>) src(%dma_wait3A_32 : memref<160x64xi32, #tpu.memory_space<hbm>>) dst(%arg5 : memref<160x64xi32, #tpu.memory_space<vmem>>)
      tpu.yield
    }) : () -> ()
    "tpu.region"() ({
      %run_scoped3A = tpu.sem_alloc : memref<!tpu.dma_semaphore, #tpu.memory_space<semaphore_mem>>
      %dma_start3A = arith.constant 0 : i32
      %dma_start3A_19 = arith.constant 0 : i32
      %dma_start3A_20 = tpu.memref_slice %arg3[%dma_start3A, %dma_start3A_19] : memref<10240x8xf32, #tpu.memory_space<hbm>> -> memref<64x8xf32, #tpu.memory_space<hbm>>
      %dma_start3A_21 = arith.constant 0 : i32
      %dma_start3A_22 = arith.constant 0 : i32
      %dma_start3A_23 = tpu.memref_slice %arg3[%dma_start3A_21, %dma_start3A_22] : memref<10240x8xf32, #tpu.memory_space<hbm>> -> memref<64x8xf32, #tpu.memory_space<hbm>>
      tpu.enqueue_dma source(%dma_start3A_23 : memref<64x8xf32, #tpu.memory_space<hbm>>) target(%arg6 : memref<64x8xf32, #tpu.memory_space<vmem>>) target_semaphore(%run_scoped3A : memref<!tpu.dma_semaphore, #tpu.memory_space<semaphore_mem>>)
      %dma_wait3A = arith.constant 0 : i32
      %dma_wait3A_24 = arith.constant 0 : i32
      %dma_wait3A_25 = tpu.memref_slice %arg3[%dma_wait3A, %dma_wait3A_24] : memref<10240x8xf32, #tpu.memory_space<hbm>> -> memref<64x8xf32, #tpu.memory_space<hbm>>
      %dma_wait3A_26 = arith.constant 0 : i32
      %dma_wait3A_27 = arith.constant 0 : i32
      %dma_wait3A_28 = tpu.memref_slice %arg3[%dma_wait3A_26, %dma_wait3A_27] : memref<10240x8xf32, #tpu.memory_space<hbm>> -> memref<64x8xf32, #tpu.memory_space<hbm>>
      tpu.wait_dma2 semaphore(%run_scoped3A : memref<!tpu.dma_semaphore, #tpu.memory_space<semaphore_mem>>) src(%dma_wait3A_28 : memref<64x8xf32, #tpu.memory_space<hbm>>) dst(%arg6 : memref<64x8xf32, #tpu.memory_space<vmem>>)
      tpu.yield
    }) : () -> ()
    %mul3A = arith.constant 640 : i32
    %mul3A_0 = arith.muli %arg1, %mul3A : i32
    %mul3A_1 = arith.constant 640 : i32
    %mul3A_2 = arith.muli %arg1, %mul3A_1 : i32
    "tpu.region"() ({
      %run_scoped3A = tpu.sem_alloc : memref<!tpu.dma_semaphore, #tpu.memory_space<semaphore_mem>>
      %dma_start3A = arith.constant 0 : i32
      %dma_start3A_19 = tpu.memref_slice %arg8[%mul3A_2, %dma_start3A] : memref<10240x8xf32, #tpu.memory_space<vmem_shared>> -> memref<640x8xf32, #tpu.memory_space<vmem_shared>>
      %dma_start3A_20 = arith.constant 0 : i32
      %dma_start3A_21 = tpu.memref_slice %arg3[%mul3A_0, %dma_start3A_20] : memref<10240x8xf32, #tpu.memory_space<hbm>> -> memref<640x8xf32, #tpu.memory_space<hbm>>
      tpu.enqueue_dma source(%dma_start3A_21 : memref<640x8xf32, #tpu.memory_space<hbm>>) target(%dma_start3A_19 : memref<640x8xf32, #tpu.memory_space<vmem_shared>>) target_semaphore(%run_scoped3A : memref<!tpu.dma_semaphore, #tpu.memory_space<semaphore_mem>>)
      %dma_wait3A = arith.constant 0 : i32
      %dma_wait3A_22 = tpu.memref_slice %arg8[%mul3A_2, %dma_wait3A] : memref<10240x8xf32, #tpu.memory_space<vmem_shared>> -> memref<640x8xf32, #tpu.memory_space<vmem_shared>>
      %dma_wait3A_23 = arith.constant 0 : i32
      %dma_wait3A_24 = tpu.memref_slice %arg3[%mul3A_0, %dma_wait3A_23] : memref<10240x8xf32, #tpu.memory_space<hbm>> -> memref<640x8xf32, #tpu.memory_space<hbm>>
      tpu.wait_dma2 semaphore(%run_scoped3A : memref<!tpu.dma_semaphore, #tpu.memory_space<semaphore_mem>>) src(%dma_wait3A_24 : memref<640x8xf32, #tpu.memory_space<hbm>>) dst(%dma_wait3A_22 : memref<640x8xf32, #tpu.memory_space<vmem_shared>>)
      tpu.yield
    }) : () -> ()
    %barrier3A = arith.constant 0 : index
    tpu.barrier barrier_id(%barrier3A)
    %scan3A = arith.constant 0 : i32
    %scan3A_3 = arith.constant 0 : i32
    %scan3A_4 = arith.constant 80 : i32
    %scan3A_5 = arith.addi %scan3A_3, %scan3A_4 : i32
    %scan3A_6 = arith.constant 1 : i32
    scf.for %scan3A_19 = %scan3A_3 to %scan3A_5 step %scan3A_6  : i32 {
      %mul3A_20 = arith.constant 80 : i32
      %mul3A_21 = arith.muli %arg0, %mul3A_20 : i32
      %add3A = arith.addi %mul3A_21, %scan3A_19 : i32
      %dma_start3A = arith.constant 0 : i32
      %dma_start3A_22 = tpu.memref_slice %arg5[%add3A, %dma_start3A] : memref<160x64xi32, #tpu.memory_space<vmem>> -> memref<1x64xi32, #tpu.memory_space<vmem>>
      %dma_start3A_23 = tpu.memref_squeeze %dma_start3A_22 : memref<1x64xi32, #tpu.memory_space<vmem>> -> memref<64xi32, #tpu.memory_space<vmem>>
      %dma_start3A_24 = arith.constant 0 : i32
      %dma_start3A_25 = arith.constant 0 : i32
      %dma_start3A_26 = tpu.memref_slice %arg8[%dma_start3A_24, %dma_start3A_25] : memref<10240x8xf32, #tpu.memory_space<vmem_shared>> -> memref<10240x8xf32, #tpu.memory_space<vmem_shared>>
      tpu.enqueue_indirect_dma source(%arg6 : memref<64x8xf32, #tpu.memory_space<vmem>>) target(%dma_start3A_26 : memref<10240x8xf32, #tpu.memory_space<vmem_shared>>) offsets(%dma_start3A_23 : memref<64xi32, #tpu.memory_space<vmem>>) semaphore(%arg7 : memref<!tpu.dma_semaphore, #tpu.memory_space<semaphore_mem>>) {add = true}
    }
    %scan3A_7 = arith.constant 80 : i32
    %scan3A_8 = arith.constant 0 : i32
    %scan3A_9 = arith.constant 0 : i32
    %scan3A_10 = arith.constant 80 : i32
    %scan3A_11 = arith.addi %scan3A_9, %scan3A_10 : i32
    %scan3A_12 = arith.constant 1 : i32
    scf.for %scan3A_19 = %scan3A_9 to %scan3A_11 step %scan3A_12  : i32 {
      %mul3A_20 = arith.constant 80 : i32
      %mul3A_21 = arith.muli %arg0, %mul3A_20 : i32
      %add3A = arith.addi %mul3A_21, %scan3A_19 : i32
      %dma_wait3A = arith.constant 0 : i32
      %dma_wait3A_22 = tpu.memref_slice %arg5[%add3A, %dma_wait3A] : memref<160x64xi32, #tpu.memory_space<vmem>> -> memref<1x64xi32, #tpu.memory_space<vmem>>
      %dma_wait3A_23 = tpu.memref_squeeze %dma_wait3A_22 : memref<1x64xi32, #tpu.memory_space<vmem>> -> memref<64xi32, #tpu.memory_space<vmem>>
      %dma_wait3A_24 = arith.constant 0 : i32
      %dma_wait3A_25 = arith.constant 0 : i32
      %dma_wait3A_26 = tpu.memref_slice %arg8[%dma_wait3A_24, %dma_wait3A_25] : memref<10240x8xf32, #tpu.memory_space<vmem_shared>> -> memref<10240x8xf32, #tpu.memory_space<vmem_shared>>
      tpu.wait_indirect_dma semaphore(%arg7 : memref<!tpu.dma_semaphore, #tpu.memory_space<semaphore_mem>>) src(%arg6 : memref<64x8xf32, #tpu.memory_space<vmem>>) dst(%dma_wait3A_26 : memref<10240x8xf32, #tpu.memory_space<vmem_shared>>)
    }
    %scan3A_13 = arith.constant 80 : i32
    %barrier3A_14 = arith.constant 0 : index
    tpu.barrier barrier_id(%barrier3A_14)
    %mul3A_15 = arith.constant 640 : i32
    %mul3A_16 = arith.muli %arg1, %mul3A_15 : i32
    %mul3A_17 = arith.constant 640 : i32
    %mul3A_18 = arith.muli %arg1, %mul3A_17 : i32
    "tpu.region"() ({
      %run_scoped3A = tpu.sem_alloc : memref<!tpu.dma_semaphore, #tpu.memory_space<semaphore_mem>>
      %dma_start3A = arith.constant 0 : i32
      %dma_start3A_19 = tpu.memref_slice %arg4[%arg0, %mul3A_18, %dma_start3A] : memref<2x10240x8xf32, #tpu.memory_space<hbm>> -> memref<1x640x8xf32, #tpu.memory_space<hbm>>
      %dma_start3A_20 = tpu.memref_squeeze %dma_start3A_19 : memref<1x640x8xf32, #tpu.memory_space<hbm>> -> memref<640x8xf32, #tpu.memory_space<hbm>>
      %dma_start3A_21 = arith.constant 0 : i32
      %dma_start3A_22 = tpu.memref_slice %arg8[%mul3A_16, %dma_start3A_21] : memref<10240x8xf32, #tpu.memory_space<vmem_shared>> -> memref<640x8xf32, #tpu.memory_space<vmem_shared>>
      tpu.enqueue_dma source(%dma_start3A_22 : memref<640x8xf32, #tpu.memory_space<vmem_shared>>) target(%dma_start3A_20 : memref<640x8xf32, #tpu.memory_space<hbm>>) target_semaphore(%run_scoped3A : memref<!tpu.dma_semaphore, #tpu.memory_space<semaphore_mem>>)
      %dma_wait3A = arith.constant 0 : i32
      %dma_wait3A_23 = tpu.memref_slice %arg4[%arg0, %mul3A_18, %dma_wait3A] : memref<2x10240x8xf32, #tpu.memory_space<hbm>> -> memref<1x640x8xf32, #tpu.memory_space<hbm>>
      %dma_wait3A_24 = tpu.memref_squeeze %dma_wait3A_23 : memref<1x640x8xf32, #tpu.memory_space<hbm>> -> memref<640x8xf32, #tpu.memory_space<hbm>>
      %dma_wait3A_25 = arith.constant 0 : i32
      %dma_wait3A_26 = tpu.memref_slice %arg8[%mul3A_16, %dma_wait3A_25] : memref<10240x8xf32, #tpu.memory_space<vmem_shared>> -> memref<640x8xf32, #tpu.memory_space<vmem_shared>>
      tpu.wait_dma2 semaphore(%run_scoped3A : memref<!tpu.dma_semaphore, #tpu.memory_space<semaphore_mem>>) src(%dma_wait3A_26 : memref<640x8xf32, #tpu.memory_space<vmem_shared>>) dst(%dma_wait3A_24 : memref<640x8xf32, #tpu.memory_space<hbm>>)
      tpu.yield
    }) : () -> ()
    return
  }
}

#map = affine_map<(d0, d1) -> (0, 0)>
#map1 = affine_map<(d0, d1) -> (0, 0, 0, 0)>
#map2 = affine_map<(d0, d1) -> (0, 0, 0)>
module attributes {stable_mosaic.version = 14 : i64} {
  func.func @_agg_body(%arg0: i32, %arg1: i32, %arg2: memref<20480x128xf32, #tpu.memory_space<hbm>>, %arg3: memref<2x16x160x128xi32, #tpu.memory_space<hbm>>, %arg4: memref<2x10240x128xf32, #tpu.memory_space<hbm>>, %arg5: memref<80x128xi32, #tpu.memory_space<vmem>>, %arg6: memref<64x128xf32, #tpu.memory_space<vmem>>, %arg7: memref<64x128xf32, #tpu.memory_space<vmem>>, %arg8: memref<64x128xf32, #tpu.memory_space<vmem>>, %arg9: memref<64x128xf32, #tpu.memory_space<vmem>>, %arg10: memref<!tpu.dma_semaphore, #tpu.memory_space<semaphore_mem>>, %arg11: memref<!tpu.dma_semaphore, #tpu.memory_space<semaphore_mem>>, %arg12: memref<!tpu.dma_semaphore, #tpu.memory_space<semaphore_mem>>, %arg13: memref<!tpu.dma_semaphore, #tpu.memory_space<semaphore_mem>>, %arg14: memref<!tpu.dma_semaphore, #tpu.memory_space<semaphore_mem>>, %arg15: memref<10240x128xf32, #tpu.memory_space<vmem_shared>>) attributes {dimension_semantics = [#tpu.dimension_semantics<core_parallel>, #tpu.dimension_semantics<subcore_parallel>], iteration_bounds = array<i64: 2, 16>, scalar_prefetch = 0 : i64, scratch_operands = 11 : i64, tpu.core_type = #tpu.core_type<sc_vector_subcore>, window_params = [{transform_indices = #map}, {transform_indices = #map1}, {transform_indices = #map2}]} {
    %mul3A = arith.constant 10240 : i32
    %mul3A_0 = arith.muli %arg0, %mul3A : i32
    %mul3A_1 = arith.constant 640 : i32
    %mul3A_2 = arith.muli %arg1, %mul3A_1 : i32
    %add3A = arith.addi %mul3A_0, %mul3A_2 : i32
    %mul3A_3 = arith.constant 640 : i32
    %mul3A_4 = arith.muli %arg1, %mul3A_3 : i32
    %dma_start3A = arith.constant 0 : i32
    %dma_start3A_5 = tpu.memref_slice %arg15[%mul3A_4, %dma_start3A] : memref<10240x128xf32, #tpu.memory_space<vmem_shared>> -> memref<640x128xf32, #tpu.memory_space<vmem_shared>>
    %dma_start3A_6 = arith.constant 0 : i32
    %dma_start3A_7 = tpu.memref_slice %arg2[%add3A, %dma_start3A_6] : memref<20480x128xf32, #tpu.memory_space<hbm>> -> memref<640x128xf32, #tpu.memory_space<hbm>>
    tpu.enqueue_dma source(%dma_start3A_7 : memref<640x128xf32, #tpu.memory_space<hbm>>) target(%dma_start3A_5 : memref<640x128xf32, #tpu.memory_space<vmem_shared>>) target_semaphore(%arg14 : memref<!tpu.dma_semaphore, #tpu.memory_space<semaphore_mem>>)
    "tpu.region"() ({
      %run_scoped3A_144 = tpu.sem_alloc : memref<!tpu.dma_semaphore, #tpu.memory_space<semaphore_mem>>
      %dma_start3A_145 = arith.constant 0 : i32
      %dma_start3A_146 = arith.constant 0 : i32
      %dma_start3A_147 = tpu.memref_slice %arg3[%arg0, %arg1, %dma_start3A_145, %dma_start3A_146] : memref<2x16x160x128xi32, #tpu.memory_space<hbm>> -> memref<1x1x80x128xi32, #tpu.memory_space<hbm>>
      %dma_start3A_148 = tpu.memref_squeeze %dma_start3A_147 : memref<1x1x80x128xi32, #tpu.memory_space<hbm>> -> memref<80x128xi32, #tpu.memory_space<hbm>>
      %dma_start3A_149 = arith.constant 0 : i32
      %dma_start3A_150 = arith.constant 0 : i32
      %dma_start3A_151 = tpu.memref_slice %arg3[%arg0, %arg1, %dma_start3A_149, %dma_start3A_150] : memref<2x16x160x128xi32, #tpu.memory_space<hbm>> -> memref<1x1x80x128xi32, #tpu.memory_space<hbm>>
      %dma_start3A_152 = tpu.memref_squeeze %dma_start3A_151 : memref<1x1x80x128xi32, #tpu.memory_space<hbm>> -> memref<80x128xi32, #tpu.memory_space<hbm>>
      tpu.enqueue_dma source(%dma_start3A_152 : memref<80x128xi32, #tpu.memory_space<hbm>>) target(%arg5 : memref<80x128xi32, #tpu.memory_space<vmem>>) target_semaphore(%run_scoped3A_144 : memref<!tpu.dma_semaphore, #tpu.memory_space<semaphore_mem>>)
      %dma_wait3A_153 = arith.constant 0 : i32
      %dma_wait3A_154 = arith.constant 0 : i32
      %dma_wait3A_155 = tpu.memref_slice %arg3[%arg0, %arg1, %dma_wait3A_153, %dma_wait3A_154] : memref<2x16x160x128xi32, #tpu.memory_space<hbm>> -> memref<1x1x80x128xi32, #tpu.memory_space<hbm>>
      %dma_wait3A_156 = tpu.memref_squeeze %dma_wait3A_155 : memref<1x1x80x128xi32, #tpu.memory_space<hbm>> -> memref<80x128xi32, #tpu.memory_space<hbm>>
      %dma_wait3A_157 = arith.constant 0 : i32
      %dma_wait3A_158 = arith.constant 0 : i32
      %dma_wait3A_159 = tpu.memref_slice %arg3[%arg0, %arg1, %dma_wait3A_157, %dma_wait3A_158] : memref<2x16x160x128xi32, #tpu.memory_space<hbm>> -> memref<1x1x80x128xi32, #tpu.memory_space<hbm>>
      %dma_wait3A_160 = tpu.memref_squeeze %dma_wait3A_159 : memref<1x1x80x128xi32, #tpu.memory_space<hbm>> -> memref<80x128xi32, #tpu.memory_space<hbm>>
      tpu.wait_dma2 semaphore(%run_scoped3A_144 : memref<!tpu.dma_semaphore, #tpu.memory_space<semaphore_mem>>) src(%dma_wait3A_160 : memref<80x128xi32, #tpu.memory_space<hbm>>) dst(%arg5 : memref<80x128xi32, #tpu.memory_space<vmem>>)
      tpu.yield
    }) : () -> ()
    %dma_start3A_8 = arith.constant 0 : i32
    %dma_start3A_9 = arith.constant 64 : i32
    %dma_start3A_10 = tpu.memref_slice %arg5[%dma_start3A_8, %dma_start3A_9] : memref<80x128xi32, #tpu.memory_space<vmem>> -> memref<1x64xi32, #tpu.memory_space<vmem>>
    %dma_start3A_11 = tpu.memref_squeeze %dma_start3A_10 : memref<1x64xi32, #tpu.memory_space<vmem>> -> memref<64xi32, #tpu.memory_space<vmem>>
    %dma_start3A_12 = arith.constant 0 : i32
    %dma_start3A_13 = arith.constant 0 : i32
    %dma_start3A_14 = tpu.memref_slice %arg2[%dma_start3A_12, %dma_start3A_13] : memref<20480x128xf32, #tpu.memory_space<hbm>> -> memref<20480x128xf32, #tpu.memory_space<hbm>>
    tpu.enqueue_indirect_dma source(%dma_start3A_14 : memref<20480x128xf32, #tpu.memory_space<hbm>>) target(%arg6 : memref<64x128xf32, #tpu.memory_space<vmem>>) offsets(%dma_start3A_11 : memref<64xi32, #tpu.memory_space<vmem>>) semaphore(%arg10 : memref<!tpu.dma_semaphore, #tpu.memory_space<semaphore_mem>>)
    %dma_start3A_15 = arith.constant 1 : i32
    %dma_start3A_16 = arith.constant 64 : i32
    %dma_start3A_17 = tpu.memref_slice %arg5[%dma_start3A_15, %dma_start3A_16] : memref<80x128xi32, #tpu.memory_space<vmem>> -> memref<1x64xi32, #tpu.memory_space<vmem>>
    %dma_start3A_18 = tpu.memref_squeeze %dma_start3A_17 : memref<1x64xi32, #tpu.memory_space<vmem>> -> memref<64xi32, #tpu.memory_space<vmem>>
    %dma_start3A_19 = arith.constant 0 : i32
    %dma_start3A_20 = arith.constant 0 : i32
    %dma_start3A_21 = tpu.memref_slice %arg2[%dma_start3A_19, %dma_start3A_20] : memref<20480x128xf32, #tpu.memory_space<hbm>> -> memref<20480x128xf32, #tpu.memory_space<hbm>>
    tpu.enqueue_indirect_dma source(%dma_start3A_21 : memref<20480x128xf32, #tpu.memory_space<hbm>>) target(%arg7 : memref<64x128xf32, #tpu.memory_space<vmem>>) offsets(%dma_start3A_18 : memref<64xi32, #tpu.memory_space<vmem>>) semaphore(%arg11 : memref<!tpu.dma_semaphore, #tpu.memory_space<semaphore_mem>>)
    %dma_start3A_22 = arith.constant 2 : i32
    %dma_start3A_23 = arith.constant 64 : i32
    %dma_start3A_24 = tpu.memref_slice %arg5[%dma_start3A_22, %dma_start3A_23] : memref<80x128xi32, #tpu.memory_space<vmem>> -> memref<1x64xi32, #tpu.memory_space<vmem>>
    %dma_start3A_25 = tpu.memref_squeeze %dma_start3A_24 : memref<1x64xi32, #tpu.memory_space<vmem>> -> memref<64xi32, #tpu.memory_space<vmem>>
    %dma_start3A_26 = arith.constant 0 : i32
    %dma_start3A_27 = arith.constant 0 : i32
    %dma_start3A_28 = tpu.memref_slice %arg2[%dma_start3A_26, %dma_start3A_27] : memref<20480x128xf32, #tpu.memory_space<hbm>> -> memref<20480x128xf32, #tpu.memory_space<hbm>>
    tpu.enqueue_indirect_dma source(%dma_start3A_28 : memref<20480x128xf32, #tpu.memory_space<hbm>>) target(%arg8 : memref<64x128xf32, #tpu.memory_space<vmem>>) offsets(%dma_start3A_25 : memref<64xi32, #tpu.memory_space<vmem>>) semaphore(%arg12 : memref<!tpu.dma_semaphore, #tpu.memory_space<semaphore_mem>>)
    %dma_start3A_29 = arith.constant 3 : i32
    %dma_start3A_30 = arith.constant 64 : i32
    %dma_start3A_31 = tpu.memref_slice %arg5[%dma_start3A_29, %dma_start3A_30] : memref<80x128xi32, #tpu.memory_space<vmem>> -> memref<1x64xi32, #tpu.memory_space<vmem>>
    %dma_start3A_32 = tpu.memref_squeeze %dma_start3A_31 : memref<1x64xi32, #tpu.memory_space<vmem>> -> memref<64xi32, #tpu.memory_space<vmem>>
    %dma_start3A_33 = arith.constant 0 : i32
    %dma_start3A_34 = arith.constant 0 : i32
    %dma_start3A_35 = tpu.memref_slice %arg2[%dma_start3A_33, %dma_start3A_34] : memref<20480x128xf32, #tpu.memory_space<hbm>> -> memref<20480x128xf32, #tpu.memory_space<hbm>>
    tpu.enqueue_indirect_dma source(%dma_start3A_35 : memref<20480x128xf32, #tpu.memory_space<hbm>>) target(%arg9 : memref<64x128xf32, #tpu.memory_space<vmem>>) offsets(%dma_start3A_32 : memref<64xi32, #tpu.memory_space<vmem>>) semaphore(%arg13 : memref<!tpu.dma_semaphore, #tpu.memory_space<semaphore_mem>>)
    %dma_wait3A = arith.constant 0 : i32
    %dma_wait3A_36 = tpu.memref_slice %arg15[%mul3A_4, %dma_wait3A] : memref<10240x128xf32, #tpu.memory_space<vmem_shared>> -> memref<640x128xf32, #tpu.memory_space<vmem_shared>>
    %dma_wait3A_37 = arith.constant 0 : i32
    %dma_wait3A_38 = tpu.memref_slice %arg2[%add3A, %dma_wait3A_37] : memref<20480x128xf32, #tpu.memory_space<hbm>> -> memref<640x128xf32, #tpu.memory_space<hbm>>
    tpu.wait_dma2 semaphore(%arg14 : memref<!tpu.dma_semaphore, #tpu.memory_space<semaphore_mem>>) src(%dma_wait3A_38 : memref<640x128xf32, #tpu.memory_space<hbm>>) dst(%dma_wait3A_36 : memref<640x128xf32, #tpu.memory_space<vmem_shared>>)
    %barrier3A = arith.constant 0 : index
    tpu.barrier barrier_id(%barrier3A)
    %scan3A = arith.constant 0 : i32
    %scan3A_39 = arith.constant 1 : i32
    %scan3A_40 = arith.constant 19 : i32
    %scan3A_41 = arith.addi %scan3A_39, %scan3A_40 : i32
    %scan3A_42 = arith.constant 1 : i32
    scf.for %scan3A_144 = %scan3A_39 to %scan3A_41 step %scan3A_42  : i32 {
      %mul3A_145 = arith.constant 4 : i32
      %mul3A_146 = arith.muli %scan3A_144, %mul3A_145 : i32
      %add3A_147 = arith.constant 0 : i32
      %add3A_148 = arith.addi %mul3A_146, %add3A_147 : i32
      %sub3A = arith.constant 4 : i32
      %sub3A_149 = arith.subi %add3A_148, %sub3A : i32
      %dma_wait3A_150 = arith.constant 64 : i32
      %dma_wait3A_151 = tpu.memref_slice %arg5[%sub3A_149, %dma_wait3A_150] : memref<80x128xi32, #tpu.memory_space<vmem>> -> memref<1x64xi32, #tpu.memory_space<vmem>>
      %dma_wait3A_152 = tpu.memref_squeeze %dma_wait3A_151 : memref<1x64xi32, #tpu.memory_space<vmem>> -> memref<64xi32, #tpu.memory_space<vmem>>
      %dma_wait3A_153 = arith.constant 0 : i32
      %dma_wait3A_154 = arith.constant 0 : i32
      %dma_wait3A_155 = tpu.memref_slice %arg2[%dma_wait3A_153, %dma_wait3A_154] : memref<20480x128xf32, #tpu.memory_space<hbm>> -> memref<20480x128xf32, #tpu.memory_space<hbm>>
      tpu.wait_indirect_dma semaphore(%arg10 : memref<!tpu.dma_semaphore, #tpu.memory_space<semaphore_mem>>) src(%dma_wait3A_155 : memref<20480x128xf32, #tpu.memory_space<hbm>>) dst(%arg6 : memref<64x128xf32, #tpu.memory_space<vmem>>)
      %sub3A_156 = arith.constant 4 : i32
      %sub3A_157 = arith.subi %add3A_148, %sub3A_156 : i32
      "tpu.region"() ({
        %run_scoped3A_224 = tpu.sem_alloc : memref<!tpu.dma_semaphore, #tpu.memory_space<semaphore_mem>>
        %dma_start3A_225 = arith.constant 0 : i32
        %dma_start3A_226 = tpu.memref_slice %arg5[%sub3A_157, %dma_start3A_225] : memref<80x128xi32, #tpu.memory_space<vmem>> -> memref<1x64xi32, #tpu.memory_space<vmem>>
        %dma_start3A_227 = tpu.memref_squeeze %dma_start3A_226 : memref<1x64xi32, #tpu.memory_space<vmem>> -> memref<64xi32, #tpu.memory_space<vmem>>
        %dma_start3A_228 = arith.constant 0 : i32
        %dma_start3A_229 = arith.constant 0 : i32
        %dma_start3A_230 = tpu.memref_slice %arg15[%dma_start3A_228, %dma_start3A_229] : memref<10240x128xf32, #tpu.memory_space<vmem_shared>> -> memref<10240x128xf32, #tpu.memory_space<vmem_shared>>
        tpu.enqueue_indirect_dma source(%arg6 : memref<64x128xf32, #tpu.memory_space<vmem>>) target(%dma_start3A_230 : memref<10240x128xf32, #tpu.memory_space<vmem_shared>>) offsets(%dma_start3A_227 : memref<64xi32, #tpu.memory_space<vmem>>) semaphore(%run_scoped3A_224 : memref<!tpu.dma_semaphore, #tpu.memory_space<semaphore_mem>>) {add = true}
        %dma_wait3A_231 = arith.constant 0 : i32
        %dma_wait3A_232 = tpu.memref_slice %arg5[%sub3A_157, %dma_wait3A_231] : memref<80x128xi32, #tpu.memory_space<vmem>> -> memref<1x64xi32, #tpu.memory_space<vmem>>
        %dma_wait3A_233 = tpu.memref_squeeze %dma_wait3A_232 : memref<1x64xi32, #tpu.memory_space<vmem>> -> memref<64xi32, #tpu.memory_space<vmem>>
        %dma_wait3A_234 = arith.constant 0 : i32
        %dma_wait3A_235 = arith.constant 0 : i32
        %dma_wait3A_236 = tpu.memref_slice %arg15[%dma_wait3A_234, %dma_wait3A_235] : memref<10240x128xf32, #tpu.memory_space<vmem_shared>> -> memref<10240x128xf32, #tpu.memory_space<vmem_shared>>
        tpu.wait_indirect_dma semaphore(%run_scoped3A_224 : memref<!tpu.dma_semaphore, #tpu.memory_space<semaphore_mem>>) src(%arg6 : memref<64x128xf32, #tpu.memory_space<vmem>>) dst(%dma_wait3A_236 : memref<10240x128xf32, #tpu.memory_space<vmem_shared>>)
        tpu.yield
      }) : () -> ()
      %dma_start3A_158 = arith.constant 64 : i32
      %dma_start3A_159 = tpu.memref_slice %arg5[%add3A_148, %dma_start3A_158] : memref<80x128xi32, #tpu.memory_space<vmem>> -> memref<1x64xi32, #tpu.memory_space<vmem>>
      %dma_start3A_160 = tpu.memref_squeeze %dma_start3A_159 : memref<1x64xi32, #tpu.memory_space<vmem>> -> memref<64xi32, #tpu.memory_space<vmem>>
      %dma_start3A_161 = arith.constant 0 : i32
      %dma_start3A_162 = arith.constant 0 : i32
      %dma_start3A_163 = tpu.memref_slice %arg2[%dma_start3A_161, %dma_start3A_162] : memref<20480x128xf32, #tpu.memory_space<hbm>> -> memref<20480x128xf32, #tpu.memory_space<hbm>>
      tpu.enqueue_indirect_dma source(%dma_start3A_163 : memref<20480x128xf32, #tpu.memory_space<hbm>>) target(%arg6 : memref<64x128xf32, #tpu.memory_space<vmem>>) offsets(%dma_start3A_160 : memref<64xi32, #tpu.memory_space<vmem>>) semaphore(%arg10 : memref<!tpu.dma_semaphore, #tpu.memory_space<semaphore_mem>>)
      %mul3A_164 = arith.constant 4 : i32
      %mul3A_165 = arith.muli %scan3A_144, %mul3A_164 : i32
      %add3A_166 = arith.constant 1 : i32
      %add3A_167 = arith.addi %mul3A_165, %add3A_166 : i32
      %sub3A_168 = arith.constant 4 : i32
      %sub3A_169 = arith.subi %add3A_167, %sub3A_168 : i32
      %dma_wait3A_170 = arith.constant 64 : i32
      %dma_wait3A_171 = tpu.memref_slice %arg5[%sub3A_169, %dma_wait3A_170] : memref<80x128xi32, #tpu.memory_space<vmem>> -> memref<1x64xi32, #tpu.memory_space<vmem>>
      %dma_wait3A_172 = tpu.memref_squeeze %dma_wait3A_171 : memref<1x64xi32, #tpu.memory_space<vmem>> -> memref<64xi32, #tpu.memory_space<vmem>>
      %dma_wait3A_173 = arith.constant 0 : i32
      %dma_wait3A_174 = arith.constant 0 : i32
      %dma_wait3A_175 = tpu.memref_slice %arg2[%dma_wait3A_173, %dma_wait3A_174] : memref<20480x128xf32, #tpu.memory_space<hbm>> -> memref<20480x128xf32, #tpu.memory_space<hbm>>
      tpu.wait_indirect_dma semaphore(%arg11 : memref<!tpu.dma_semaphore, #tpu.memory_space<semaphore_mem>>) src(%dma_wait3A_175 : memref<20480x128xf32, #tpu.memory_space<hbm>>) dst(%arg7 : memref<64x128xf32, #tpu.memory_space<vmem>>)
      %sub3A_176 = arith.constant 4 : i32
      %sub3A_177 = arith.subi %add3A_167, %sub3A_176 : i32
      "tpu.region"() ({
        %run_scoped3A_224 = tpu.sem_alloc : memref<!tpu.dma_semaphore, #tpu.memory_space<semaphore_mem>>
        %dma_start3A_225 = arith.constant 0 : i32
        %dma_start3A_226 = tpu.memref_slice %arg5[%sub3A_177, %dma_start3A_225] : memref<80x128xi32, #tpu.memory_space<vmem>> -> memref<1x64xi32, #tpu.memory_space<vmem>>
        %dma_start3A_227 = tpu.memref_squeeze %dma_start3A_226 : memref<1x64xi32, #tpu.memory_space<vmem>> -> memref<64xi32, #tpu.memory_space<vmem>>
        %dma_start3A_228 = arith.constant 0 : i32
        %dma_start3A_229 = arith.constant 0 : i32
        %dma_start3A_230 = tpu.memref_slice %arg15[%dma_start3A_228, %dma_start3A_229] : memref<10240x128xf32, #tpu.memory_space<vmem_shared>> -> memref<10240x128xf32, #tpu.memory_space<vmem_shared>>
        tpu.enqueue_indirect_dma source(%arg7 : memref<64x128xf32, #tpu.memory_space<vmem>>) target(%dma_start3A_230 : memref<10240x128xf32, #tpu.memory_space<vmem_shared>>) offsets(%dma_start3A_227 : memref<64xi32, #tpu.memory_space<vmem>>) semaphore(%run_scoped3A_224 : memref<!tpu.dma_semaphore, #tpu.memory_space<semaphore_mem>>) {add = true}
        %dma_wait3A_231 = arith.constant 0 : i32
        %dma_wait3A_232 = tpu.memref_slice %arg5[%sub3A_177, %dma_wait3A_231] : memref<80x128xi32, #tpu.memory_space<vmem>> -> memref<1x64xi32, #tpu.memory_space<vmem>>
        %dma_wait3A_233 = tpu.memref_squeeze %dma_wait3A_232 : memref<1x64xi32, #tpu.memory_space<vmem>> -> memref<64xi32, #tpu.memory_space<vmem>>
        %dma_wait3A_234 = arith.constant 0 : i32
        %dma_wait3A_235 = arith.constant 0 : i32
        %dma_wait3A_236 = tpu.memref_slice %arg15[%dma_wait3A_234, %dma_wait3A_235] : memref<10240x128xf32, #tpu.memory_space<vmem_shared>> -> memref<10240x128xf32, #tpu.memory_space<vmem_shared>>
        tpu.wait_indirect_dma semaphore(%run_scoped3A_224 : memref<!tpu.dma_semaphore, #tpu.memory_space<semaphore_mem>>) src(%arg7 : memref<64x128xf32, #tpu.memory_space<vmem>>) dst(%dma_wait3A_236 : memref<10240x128xf32, #tpu.memory_space<vmem_shared>>)
        tpu.yield
      }) : () -> ()
      %dma_start3A_178 = arith.constant 64 : i32
      %dma_start3A_179 = tpu.memref_slice %arg5[%add3A_167, %dma_start3A_178] : memref<80x128xi32, #tpu.memory_space<vmem>> -> memref<1x64xi32, #tpu.memory_space<vmem>>
      %dma_start3A_180 = tpu.memref_squeeze %dma_start3A_179 : memref<1x64xi32, #tpu.memory_space<vmem>> -> memref<64xi32, #tpu.memory_space<vmem>>
      %dma_start3A_181 = arith.constant 0 : i32
      %dma_start3A_182 = arith.constant 0 : i32
      %dma_start3A_183 = tpu.memref_slice %arg2[%dma_start3A_181, %dma_start3A_182] : memref<20480x128xf32, #tpu.memory_space<hbm>> -> memref<20480x128xf32, #tpu.memory_space<hbm>>
      tpu.enqueue_indirect_dma source(%dma_start3A_183 : memref<20480x128xf32, #tpu.memory_space<hbm>>) target(%arg7 : memref<64x128xf32, #tpu.memory_space<vmem>>) offsets(%dma_start3A_180 : memref<64xi32, #tpu.memory_space<vmem>>) semaphore(%arg11 : memref<!tpu.dma_semaphore, #tpu.memory_space<semaphore_mem>>)
      %mul3A_184 = arith.constant 4 : i32
      %mul3A_185 = arith.muli %scan3A_144, %mul3A_184 : i32
      %add3A_186 = arith.constant 2 : i32
      %add3A_187 = arith.addi %mul3A_185, %add3A_186 : i32
      %sub3A_188 = arith.constant 4 : i32
      %sub3A_189 = arith.subi %add3A_187, %sub3A_188 : i32
      %dma_wait3A_190 = arith.constant 64 : i32
      %dma_wait3A_191 = tpu.memref_slice %arg5[%sub3A_189, %dma_wait3A_190] : memref<80x128xi32, #tpu.memory_space<vmem>> -> memref<1x64xi32, #tpu.memory_space<vmem>>
      %dma_wait3A_192 = tpu.memref_squeeze %dma_wait3A_191 : memref<1x64xi32, #tpu.memory_space<vmem>> -> memref<64xi32, #tpu.memory_space<vmem>>
      %dma_wait3A_193 = arith.constant 0 : i32
      %dma_wait3A_194 = arith.constant 0 : i32
      %dma_wait3A_195 = tpu.memref_slice %arg2[%dma_wait3A_193, %dma_wait3A_194] : memref<20480x128xf32, #tpu.memory_space<hbm>> -> memref<20480x128xf32, #tpu.memory_space<hbm>>
      tpu.wait_indirect_dma semaphore(%arg12 : memref<!tpu.dma_semaphore, #tpu.memory_space<semaphore_mem>>) src(%dma_wait3A_195 : memref<20480x128xf32, #tpu.memory_space<hbm>>) dst(%arg8 : memref<64x128xf32, #tpu.memory_space<vmem>>)
      %sub3A_196 = arith.constant 4 : i32
      %sub3A_197 = arith.subi %add3A_187, %sub3A_196 : i32
      "tpu.region"() ({
        %run_scoped3A_224 = tpu.sem_alloc : memref<!tpu.dma_semaphore, #tpu.memory_space<semaphore_mem>>
        %dma_start3A_225 = arith.constant 0 : i32
        %dma_start3A_226 = tpu.memref_slice %arg5[%sub3A_197, %dma_start3A_225] : memref<80x128xi32, #tpu.memory_space<vmem>> -> memref<1x64xi32, #tpu.memory_space<vmem>>
        %dma_start3A_227 = tpu.memref_squeeze %dma_start3A_226 : memref<1x64xi32, #tpu.memory_space<vmem>> -> memref<64xi32, #tpu.memory_space<vmem>>
        %dma_start3A_228 = arith.constant 0 : i32
        %dma_start3A_229 = arith.constant 0 : i32
        %dma_start3A_230 = tpu.memref_slice %arg15[%dma_start3A_228, %dma_start3A_229] : memref<10240x128xf32, #tpu.memory_space<vmem_shared>> -> memref<10240x128xf32, #tpu.memory_space<vmem_shared>>
        tpu.enqueue_indirect_dma source(%arg8 : memref<64x128xf32, #tpu.memory_space<vmem>>) target(%dma_start3A_230 : memref<10240x128xf32, #tpu.memory_space<vmem_shared>>) offsets(%dma_start3A_227 : memref<64xi32, #tpu.memory_space<vmem>>) semaphore(%run_scoped3A_224 : memref<!tpu.dma_semaphore, #tpu.memory_space<semaphore_mem>>) {add = true}
        %dma_wait3A_231 = arith.constant 0 : i32
        %dma_wait3A_232 = tpu.memref_slice %arg5[%sub3A_197, %dma_wait3A_231] : memref<80x128xi32, #tpu.memory_space<vmem>> -> memref<1x64xi32, #tpu.memory_space<vmem>>
        %dma_wait3A_233 = tpu.memref_squeeze %dma_wait3A_232 : memref<1x64xi32, #tpu.memory_space<vmem>> -> memref<64xi32, #tpu.memory_space<vmem>>
        %dma_wait3A_234 = arith.constant 0 : i32
        %dma_wait3A_235 = arith.constant 0 : i32
        %dma_wait3A_236 = tpu.memref_slice %arg15[%dma_wait3A_234, %dma_wait3A_235] : memref<10240x128xf32, #tpu.memory_space<vmem_shared>> -> memref<10240x128xf32, #tpu.memory_space<vmem_shared>>
        tpu.wait_indirect_dma semaphore(%run_scoped3A_224 : memref<!tpu.dma_semaphore, #tpu.memory_space<semaphore_mem>>) src(%arg8 : memref<64x128xf32, #tpu.memory_space<vmem>>) dst(%dma_wait3A_236 : memref<10240x128xf32, #tpu.memory_space<vmem_shared>>)
        tpu.yield
      }) : () -> ()
      %dma_start3A_198 = arith.constant 64 : i32
      %dma_start3A_199 = tpu.memref_slice %arg5[%add3A_187, %dma_start3A_198] : memref<80x128xi32, #tpu.memory_space<vmem>> -> memref<1x64xi32, #tpu.memory_space<vmem>>
      %dma_start3A_200 = tpu.memref_squeeze %dma_start3A_199 : memref<1x64xi32, #tpu.memory_space<vmem>> -> memref<64xi32, #tpu.memory_space<vmem>>
      %dma_start3A_201 = arith.constant 0 : i32
      %dma_start3A_202 = arith.constant 0 : i32
      %dma_start3A_203 = tpu.memref_slice %arg2[%dma_start3A_201, %dma_start3A_202] : memref<20480x128xf32, #tpu.memory_space<hbm>> -> memref<20480x128xf32, #tpu.memory_space<hbm>>
      tpu.enqueue_indirect_dma source(%dma_start3A_203 : memref<20480x128xf32, #tpu.memory_space<hbm>>) target(%arg8 : memref<64x128xf32, #tpu.memory_space<vmem>>) offsets(%dma_start3A_200 : memref<64xi32, #tpu.memory_space<vmem>>) semaphore(%arg12 : memref<!tpu.dma_semaphore, #tpu.memory_space<semaphore_mem>>)
      %mul3A_204 = arith.constant 4 : i32
      %mul3A_205 = arith.muli %scan3A_144, %mul3A_204 : i32
      %add3A_206 = arith.constant 3 : i32
      %add3A_207 = arith.addi %mul3A_205, %add3A_206 : i32
      %sub3A_208 = arith.constant 4 : i32
      %sub3A_209 = arith.subi %add3A_207, %sub3A_208 : i32
      %dma_wait3A_210 = arith.constant 64 : i32
      %dma_wait3A_211 = tpu.memref_slice %arg5[%sub3A_209, %dma_wait3A_210] : memref<80x128xi32, #tpu.memory_space<vmem>> -> memref<1x64xi32, #tpu.memory_space<vmem>>
      %dma_wait3A_212 = tpu.memref_squeeze %dma_wait3A_211 : memref<1x64xi32, #tpu.memory_space<vmem>> -> memref<64xi32, #tpu.memory_space<vmem>>
      %dma_wait3A_213 = arith.constant 0 : i32
      %dma_wait3A_214 = arith.constant 0 : i32
      %dma_wait3A_215 = tpu.memref_slice %arg2[%dma_wait3A_213, %dma_wait3A_214] : memref<20480x128xf32, #tpu.memory_space<hbm>> -> memref<20480x128xf32, #tpu.memory_space<hbm>>
      tpu.wait_indirect_dma semaphore(%arg13 : memref<!tpu.dma_semaphore, #tpu.memory_space<semaphore_mem>>) src(%dma_wait3A_215 : memref<20480x128xf32, #tpu.memory_space<hbm>>) dst(%arg9 : memref<64x128xf32, #tpu.memory_space<vmem>>)
      %sub3A_216 = arith.constant 4 : i32
      %sub3A_217 = arith.subi %add3A_207, %sub3A_216 : i32
      "tpu.region"() ({
        %run_scoped3A_224 = tpu.sem_alloc : memref<!tpu.dma_semaphore, #tpu.memory_space<semaphore_mem>>
        %dma_start3A_225 = arith.constant 0 : i32
        %dma_start3A_226 = tpu.memref_slice %arg5[%sub3A_217, %dma_start3A_225] : memref<80x128xi32, #tpu.memory_space<vmem>> -> memref<1x64xi32, #tpu.memory_space<vmem>>
        %dma_start3A_227 = tpu.memref_squeeze %dma_start3A_226 : memref<1x64xi32, #tpu.memory_space<vmem>> -> memref<64xi32, #tpu.memory_space<vmem>>
        %dma_start3A_228 = arith.constant 0 : i32
        %dma_start3A_229 = arith.constant 0 : i32
        %dma_start3A_230 = tpu.memref_slice %arg15[%dma_start3A_228, %dma_start3A_229] : memref<10240x128xf32, #tpu.memory_space<vmem_shared>> -> memref<10240x128xf32, #tpu.memory_space<vmem_shared>>
        tpu.enqueue_indirect_dma source(%arg9 : memref<64x128xf32, #tpu.memory_space<vmem>>) target(%dma_start3A_230 : memref<10240x128xf32, #tpu.memory_space<vmem_shared>>) offsets(%dma_start3A_227 : memref<64xi32, #tpu.memory_space<vmem>>) semaphore(%run_scoped3A_224 : memref<!tpu.dma_semaphore, #tpu.memory_space<semaphore_mem>>) {add = true}
        %dma_wait3A_231 = arith.constant 0 : i32
        %dma_wait3A_232 = tpu.memref_slice %arg5[%sub3A_217, %dma_wait3A_231] : memref<80x128xi32, #tpu.memory_space<vmem>> -> memref<1x64xi32, #tpu.memory_space<vmem>>
        %dma_wait3A_233 = tpu.memref_squeeze %dma_wait3A_232 : memref<1x64xi32, #tpu.memory_space<vmem>> -> memref<64xi32, #tpu.memory_space<vmem>>
        %dma_wait3A_234 = arith.constant 0 : i32
        %dma_wait3A_235 = arith.constant 0 : i32
        %dma_wait3A_236 = tpu.memref_slice %arg15[%dma_wait3A_234, %dma_wait3A_235] : memref<10240x128xf32, #tpu.memory_space<vmem_shared>> -> memref<10240x128xf32, #tpu.memory_space<vmem_shared>>
        tpu.wait_indirect_dma semaphore(%run_scoped3A_224 : memref<!tpu.dma_semaphore, #tpu.memory_space<semaphore_mem>>) src(%arg9 : memref<64x128xf32, #tpu.memory_space<vmem>>) dst(%dma_wait3A_236 : memref<10240x128xf32, #tpu.memory_space<vmem_shared>>)
        tpu.yield
      }) : () -> ()
      %dma_start3A_218 = arith.constant 64 : i32
      %dma_start3A_219 = tpu.memref_slice %arg5[%add3A_207, %dma_start3A_218] : memref<80x128xi32, #tpu.memory_space<vmem>> -> memref<1x64xi32, #tpu.memory_space<vmem>>
      %dma_start3A_220 = tpu.memref_squeeze %dma_start3A_219 : memref<1x64xi32, #tpu.memory_space<vmem>> -> memref<64xi32, #tpu.memory_space<vmem>>
      %dma_start3A_221 = arith.constant 0 : i32
      %dma_start3A_222 = arith.constant 0 : i32
      %dma_start3A_223 = tpu.memref_slice %arg2[%dma_start3A_221, %dma_start3A_222] : memref<20480x128xf32, #tpu.memory_space<hbm>> -> memref<20480x128xf32, #tpu.memory_space<hbm>>
      tpu.enqueue_indirect_dma source(%dma_start3A_223 : memref<20480x128xf32, #tpu.memory_space<hbm>>) target(%arg9 : memref<64x128xf32, #tpu.memory_space<vmem>>) offsets(%dma_start3A_220 : memref<64xi32, #tpu.memory_space<vmem>>) semaphore(%arg13 : memref<!tpu.dma_semaphore, #tpu.memory_space<semaphore_mem>>)
    }
    %scan3A_43 = arith.constant 19 : i32
    %dma_wait3A_44 = arith.constant 76 : i32
    %dma_wait3A_45 = arith.constant 64 : i32
    %dma_wait3A_46 = tpu.memref_slice %arg5[%dma_wait3A_44, %dma_wait3A_45] : memref<80x128xi32, #tpu.memory_space<vmem>> -> memref<1x64xi32, #tpu.memory_space<vmem>>
    %dma_wait3A_47 = tpu.memref_squeeze %dma_wait3A_46 : memref<1x64xi32, #tpu.memory_space<vmem>> -> memref<64xi32, #tpu.memory_space<vmem>>
    %dma_wait3A_48 = arith.constant 0 : i32
    %dma_wait3A_49 = arith.constant 0 : i32
    %dma_wait3A_50 = tpu.memref_slice %arg2[%dma_wait3A_48, %dma_wait3A_49] : memref<20480x128xf32, #tpu.memory_space<hbm>> -> memref<20480x128xf32, #tpu.memory_space<hbm>>
    tpu.wait_indirect_dma semaphore(%arg10 : memref<!tpu.dma_semaphore, #tpu.memory_space<semaphore_mem>>) src(%dma_wait3A_50 : memref<20480x128xf32, #tpu.memory_space<hbm>>) dst(%arg6 : memref<64x128xf32, #tpu.memory_space<vmem>>)
    %run_scoped3A = arith.constant 76 : i32
    "tpu.region"() ({
      %run_scoped3A_144 = tpu.sem_alloc : memref<!tpu.dma_semaphore, #tpu.memory_space<semaphore_mem>>
      %dma_start3A_145 = arith.constant 0 : i32
      %dma_start3A_146 = tpu.memref_slice %arg5[%run_scoped3A, %dma_start3A_145] : memref<80x128xi32, #tpu.memory_space<vmem>> -> memref<1x64xi32, #tpu.memory_space<vmem>>
      %dma_start3A_147 = tpu.memref_squeeze %dma_start3A_146 : memref<1x64xi32, #tpu.memory_space<vmem>> -> memref<64xi32, #tpu.memory_space<vmem>>
      %dma_start3A_148 = arith.constant 0 : i32
      %dma_start3A_149 = arith.constant 0 : i32
      %dma_start3A_150 = tpu.memref_slice %arg15[%dma_start3A_148, %dma_start3A_149] : memref<10240x128xf32, #tpu.memory_space<vmem_shared>> -> memref<10240x128xf32, #tpu.memory_space<vmem_shared>>
      tpu.enqueue_indirect_dma source(%arg6 : memref<64x128xf32, #tpu.memory_space<vmem>>) target(%dma_start3A_150 : memref<10240x128xf32, #tpu.memory_space<vmem_shared>>) offsets(%dma_start3A_147 : memref<64xi32, #tpu.memory_space<vmem>>) semaphore(%run_scoped3A_144 : memref<!tpu.dma_semaphore, #tpu.memory_space<semaphore_mem>>) {add = true}
      %dma_wait3A_151 = arith.constant 0 : i32
      %dma_wait3A_152 = tpu.memref_slice %arg5[%run_scoped3A, %dma_wait3A_151] : memref<80x128xi32, #tpu.memory_space<vmem>> -> memref<1x64xi32, #tpu.memory_space<vmem>>
      %dma_wait3A_153 = tpu.memref_squeeze %dma_wait3A_152 : memref<1x64xi32, #tpu.memory_space<vmem>> -> memref<64xi32, #tpu.memory_space<vmem>>
      %dma_wait3A_154 = arith.constant 0 : i32
      %dma_wait3A_155 = arith.constant 0 : i32
      %dma_wait3A_156 = tpu.memref_slice %arg15[%dma_wait3A_154, %dma_wait3A_155] : memref<10240x128xf32, #tpu.memory_space<vmem_shared>> -> memref<10240x128xf32, #tpu.memory_space<vmem_shared>>
      tpu.wait_indirect_dma semaphore(%run_scoped3A_144 : memref<!tpu.dma_semaphore, #tpu.memory_space<semaphore_mem>>) src(%arg6 : memref<64x128xf32, #tpu.memory_space<vmem>>) dst(%dma_wait3A_156 : memref<10240x128xf32, #tpu.memory_space<vmem_shared>>)
      tpu.yield
    }) : () -> ()
    %dma_wait3A_51 = arith.constant 77 : i32
    %dma_wait3A_52 = arith.constant 64 : i32
    %dma_wait3A_53 = tpu.memref_slice %arg5[%dma_wait3A_51, %dma_wait3A_52] : memref<80x128xi32, #tpu.memory_space<vmem>> -> memref<1x64xi32, #tpu.memory_space<vmem>>
    %dma_wait3A_54 = tpu.memref_squeeze %dma_wait3A_53 : memref<1x64xi32, #tpu.memory_space<vmem>> -> memref<64xi32, #tpu.memory_space<vmem>>
    %dma_wait3A_55 = arith.constant 0 : i32
    %dma_wait3A_56 = arith.constant 0 : i32
    %dma_wait3A_57 = tpu.memref_slice %arg2[%dma_wait3A_55, %dma_wait3A_56] : memref<20480x128xf32, #tpu.memory_space<hbm>> -> memref<20480x128xf32, #tpu.memory_space<hbm>>
    tpu.wait_indirect_dma semaphore(%arg11 : memref<!tpu.dma_semaphore, #tpu.memory_space<semaphore_mem>>) src(%dma_wait3A_57 : memref<20480x128xf32, #tpu.memory_space<hbm>>) dst(%arg7 : memref<64x128xf32, #tpu.memory_space<vmem>>)
    %run_scoped3A_58 = arith.constant 77 : i32
    "tpu.region"() ({
      %run_scoped3A_144 = tpu.sem_alloc : memref<!tpu.dma_semaphore, #tpu.memory_space<semaphore_mem>>
      %dma_start3A_145 = arith.constant 0 : i32
      %dma_start3A_146 = tpu.memref_slice %arg5[%run_scoped3A_58, %dma_start3A_145] : memref<80x128xi32, #tpu.memory_space<vmem>> -> memref<1x64xi32, #tpu.memory_space<vmem>>
      %dma_start3A_147 = tpu.memref_squeeze %dma_start3A_146 : memref<1x64xi32, #tpu.memory_space<vmem>> -> memref<64xi32, #tpu.memory_space<vmem>>
      %dma_start3A_148 = arith.constant 0 : i32
      %dma_start3A_149 = arith.constant 0 : i32
      %dma_start3A_150 = tpu.memref_slice %arg15[%dma_start3A_148, %dma_start3A_149] : memref<10240x128xf32, #tpu.memory_space<vmem_shared>> -> memref<10240x128xf32, #tpu.memory_space<vmem_shared>>
      tpu.enqueue_indirect_dma source(%arg7 : memref<64x128xf32, #tpu.memory_space<vmem>>) target(%dma_start3A_150 : memref<10240x128xf32, #tpu.memory_space<vmem_shared>>) offsets(%dma_start3A_147 : memref<64xi32, #tpu.memory_space<vmem>>) semaphore(%run_scoped3A_144 : memref<!tpu.dma_semaphore, #tpu.memory_space<semaphore_mem>>) {add = true}
      %dma_wait3A_151 = arith.constant 0 : i32
      %dma_wait3A_152 = tpu.memref_slice %arg5[%run_scoped3A_58, %dma_wait3A_151] : memref<80x128xi32, #tpu.memory_space<vmem>> -> memref<1x64xi32, #tpu.memory_space<vmem>>
      %dma_wait3A_153 = tpu.memref_squeeze %dma_wait3A_152 : memref<1x64xi32, #tpu.memory_space<vmem>> -> memref<64xi32, #tpu.memory_space<vmem>>
      %dma_wait3A_154 = arith.constant 0 : i32
      %dma_wait3A_155 = arith.constant 0 : i32
      %dma_wait3A_156 = tpu.memref_slice %arg15[%dma_wait3A_154, %dma_wait3A_155] : memref<10240x128xf32, #tpu.memory_space<vmem_shared>> -> memref<10240x128xf32, #tpu.memory_space<vmem_shared>>
      tpu.wait_indirect_dma semaphore(%run_scoped3A_144 : memref<!tpu.dma_semaphore, #tpu.memory_space<semaphore_mem>>) src(%arg7 : memref<64x128xf32, #tpu.memory_space<vmem>>) dst(%dma_wait3A_156 : memref<10240x128xf32, #tpu.memory_space<vmem_shared>>)
      tpu.yield
    }) : () -> ()
    %dma_wait3A_59 = arith.constant 78 : i32
    %dma_wait3A_60 = arith.constant 64 : i32
    %dma_wait3A_61 = tpu.memref_slice %arg5[%dma_wait3A_59, %dma_wait3A_60] : memref<80x128xi32, #tpu.memory_space<vmem>> -> memref<1x64xi32, #tpu.memory_space<vmem>>
    %dma_wait3A_62 = tpu.memref_squeeze %dma_wait3A_61 : memref<1x64xi32, #tpu.memory_space<vmem>> -> memref<64xi32, #tpu.memory_space<vmem>>
    %dma_wait3A_63 = arith.constant 0 : i32
    %dma_wait3A_64 = arith.constant 0 : i32
    %dma_wait3A_65 = tpu.memref_slice %arg2[%dma_wait3A_63, %dma_wait3A_64] : memref<20480x128xf32, #tpu.memory_space<hbm>> -> memref<20480x128xf32, #tpu.memory_space<hbm>>
    tpu.wait_indirect_dma semaphore(%arg12 : memref<!tpu.dma_semaphore, #tpu.memory_space<semaphore_mem>>) src(%dma_wait3A_65 : memref<20480x128xf32, #tpu.memory_space<hbm>>) dst(%arg8 : memref<64x128xf32, #tpu.memory_space<vmem>>)
    %run_scoped3A_66 = arith.constant 78 : i32
    "tpu.region"() ({
      %run_scoped3A_144 = tpu.sem_alloc : memref<!tpu.dma_semaphore, #tpu.memory_space<semaphore_mem>>
      %dma_start3A_145 = arith.constant 0 : i32
      %dma_start3A_146 = tpu.memref_slice %arg5[%run_scoped3A_66, %dma_start3A_145] : memref<80x128xi32, #tpu.memory_space<vmem>> -> memref<1x64xi32, #tpu.memory_space<vmem>>
      %dma_start3A_147 = tpu.memref_squeeze %dma_start3A_146 : memref<1x64xi32, #tpu.memory_space<vmem>> -> memref<64xi32, #tpu.memory_space<vmem>>
      %dma_start3A_148 = arith.constant 0 : i32
      %dma_start3A_149 = arith.constant 0 : i32
      %dma_start3A_150 = tpu.memref_slice %arg15[%dma_start3A_148, %dma_start3A_149] : memref<10240x128xf32, #tpu.memory_space<vmem_shared>> -> memref<10240x128xf32, #tpu.memory_space<vmem_shared>>
      tpu.enqueue_indirect_dma source(%arg8 : memref<64x128xf32, #tpu.memory_space<vmem>>) target(%dma_start3A_150 : memref<10240x128xf32, #tpu.memory_space<vmem_shared>>) offsets(%dma_start3A_147 : memref<64xi32, #tpu.memory_space<vmem>>) semaphore(%run_scoped3A_144 : memref<!tpu.dma_semaphore, #tpu.memory_space<semaphore_mem>>) {add = true}
      %dma_wait3A_151 = arith.constant 0 : i32
      %dma_wait3A_152 = tpu.memref_slice %arg5[%run_scoped3A_66, %dma_wait3A_151] : memref<80x128xi32, #tpu.memory_space<vmem>> -> memref<1x64xi32, #tpu.memory_space<vmem>>
      %dma_wait3A_153 = tpu.memref_squeeze %dma_wait3A_152 : memref<1x64xi32, #tpu.memory_space<vmem>> -> memref<64xi32, #tpu.memory_space<vmem>>
      %dma_wait3A_154 = arith.constant 0 : i32
      %dma_wait3A_155 = arith.constant 0 : i32
      %dma_wait3A_156 = tpu.memref_slice %arg15[%dma_wait3A_154, %dma_wait3A_155] : memref<10240x128xf32, #tpu.memory_space<vmem_shared>> -> memref<10240x128xf32, #tpu.memory_space<vmem_shared>>
      tpu.wait_indirect_dma semaphore(%run_scoped3A_144 : memref<!tpu.dma_semaphore, #tpu.memory_space<semaphore_mem>>) src(%arg8 : memref<64x128xf32, #tpu.memory_space<vmem>>) dst(%dma_wait3A_156 : memref<10240x128xf32, #tpu.memory_space<vmem_shared>>)
      tpu.yield
    }) : () -> ()
    %dma_wait3A_67 = arith.constant 79 : i32
    %dma_wait3A_68 = arith.constant 64 : i32
    %dma_wait3A_69 = tpu.memref_slice %arg5[%dma_wait3A_67, %dma_wait3A_68] : memref<80x128xi32, #tpu.memory_space<vmem>> -> memref<1x64xi32, #tpu.memory_space<vmem>>
    %dma_wait3A_70 = tpu.memref_squeeze %dma_wait3A_69 : memref<1x64xi32, #tpu.memory_space<vmem>> -> memref<64xi32, #tpu.memory_space<vmem>>
    %dma_wait3A_71 = arith.constant 0 : i32
    %dma_wait3A_72 = arith.constant 0 : i32
    %dma_wait3A_73 = tpu.memref_slice %arg2[%dma_wait3A_71, %dma_wait3A_72] : memref<20480x128xf32, #tpu.memory_space<hbm>> -> memref<20480x128xf32, #tpu.memory_space<hbm>>
    tpu.wait_indirect_dma semaphore(%arg13 : memref<!tpu.dma_semaphore, #tpu.memory_space<semaphore_mem>>) src(%dma_wait3A_73 : memref<20480x128xf32, #tpu.memory_space<hbm>>) dst(%arg9 : memref<64x128xf32, #tpu.memory_space<vmem>>)
    %run_scoped3A_74 = arith.constant 79 : i32
    "tpu.region"() ({
      %run_scoped3A_144 = tpu.sem_alloc : memref<!tpu.dma_semaphore, #tpu.memory_space<semaphore_mem>>
      %dma_start3A_145 = arith.constant 0 : i32
      %dma_start3A_146 = tpu.memref_slice %arg5[%run_scoped3A_74, %dma_start3A_145] : memref<80x128xi32, #tpu.memory_space<vmem>> -> memref<1x64xi32, #tpu.memory_space<vmem>>
      %dma_start3A_147 = tpu.memref_squeeze %dma_start3A_146 : memref<1x64xi32, #tpu.memory_space<vmem>> -> memref<64xi32, #tpu.memory_space<vmem>>
      %dma_start3A_148 = arith.constant 0 : i32
      %dma_start3A_149 = arith.constant 0 : i32
      %dma_start3A_150 = tpu.memref_slice %arg15[%dma_start3A_148, %dma_start3A_149] : memref<10240x128xf32, #tpu.memory_space<vmem_shared>> -> memref<10240x128xf32, #tpu.memory_space<vmem_shared>>
      tpu.enqueue_indirect_dma source(%arg9 : memref<64x128xf32, #tpu.memory_space<vmem>>) target(%dma_start3A_150 : memref<10240x128xf32, #tpu.memory_space<vmem_shared>>) offsets(%dma_start3A_147 : memref<64xi32, #tpu.memory_space<vmem>>) semaphore(%run_scoped3A_144 : memref<!tpu.dma_semaphore, #tpu.memory_space<semaphore_mem>>) {add = true}
      %dma_wait3A_151 = arith.constant 0 : i32
      %dma_wait3A_152 = tpu.memref_slice %arg5[%run_scoped3A_74, %dma_wait3A_151] : memref<80x128xi32, #tpu.memory_space<vmem>> -> memref<1x64xi32, #tpu.memory_space<vmem>>
      %dma_wait3A_153 = tpu.memref_squeeze %dma_wait3A_152 : memref<1x64xi32, #tpu.memory_space<vmem>> -> memref<64xi32, #tpu.memory_space<vmem>>
      %dma_wait3A_154 = arith.constant 0 : i32
      %dma_wait3A_155 = arith.constant 0 : i32
      %dma_wait3A_156 = tpu.memref_slice %arg15[%dma_wait3A_154, %dma_wait3A_155] : memref<10240x128xf32, #tpu.memory_space<vmem_shared>> -> memref<10240x128xf32, #tpu.memory_space<vmem_shared>>
      tpu.wait_indirect_dma semaphore(%run_scoped3A_144 : memref<!tpu.dma_semaphore, #tpu.memory_space<semaphore_mem>>) src(%arg9 : memref<64x128xf32, #tpu.memory_space<vmem>>) dst(%dma_wait3A_156 : memref<10240x128xf32, #tpu.memory_space<vmem_shared>>)
      tpu.yield
    }) : () -> ()
    "tpu.region"() ({
      %run_scoped3A_144 = tpu.sem_alloc : memref<!tpu.dma_semaphore, #tpu.memory_space<semaphore_mem>>
      %dma_start3A_145 = arith.constant 80 : i32
      %dma_start3A_146 = arith.constant 0 : i32
      %dma_start3A_147 = tpu.memref_slice %arg3[%arg0, %arg1, %dma_start3A_145, %dma_start3A_146] : memref<2x16x160x128xi32, #tpu.memory_space<hbm>> -> memref<1x1x80x128xi32, #tpu.memory_space<hbm>>
      %dma_start3A_148 = tpu.memref_squeeze %dma_start3A_147 : memref<1x1x80x128xi32, #tpu.memory_space<hbm>> -> memref<80x128xi32, #tpu.memory_space<hbm>>
      %dma_start3A_149 = arith.constant 80 : i32
      %dma_start3A_150 = arith.constant 0 : i32
      %dma_start3A_151 = tpu.memref_slice %arg3[%arg0, %arg1, %dma_start3A_149, %dma_start3A_150] : memref<2x16x160x128xi32, #tpu.memory_space<hbm>> -> memref<1x1x80x128xi32, #tpu.memory_space<hbm>>
      %dma_start3A_152 = tpu.memref_squeeze %dma_start3A_151 : memref<1x1x80x128xi32, #tpu.memory_space<hbm>> -> memref<80x128xi32, #tpu.memory_space<hbm>>
      tpu.enqueue_dma source(%dma_start3A_152 : memref<80x128xi32, #tpu.memory_space<hbm>>) target(%arg5 : memref<80x128xi32, #tpu.memory_space<vmem>>) target_semaphore(%run_scoped3A_144 : memref<!tpu.dma_semaphore, #tpu.memory_space<semaphore_mem>>)
      %dma_wait3A_153 = arith.constant 80 : i32
      %dma_wait3A_154 = arith.constant 0 : i32
      %dma_wait3A_155 = tpu.memref_slice %arg3[%arg0, %arg1, %dma_wait3A_153, %dma_wait3A_154] : memref<2x16x160x128xi32, #tpu.memory_space<hbm>> -> memref<1x1x80x128xi32, #tpu.memory_space<hbm>>
      %dma_wait3A_156 = tpu.memref_squeeze %dma_wait3A_155 : memref<1x1x80x128xi32, #tpu.memory_space<hbm>> -> memref<80x128xi32, #tpu.memory_space<hbm>>
      %dma_wait3A_157 = arith.constant 80 : i32
      %dma_wait3A_158 = arith.constant 0 : i32
      %dma_wait3A_159 = tpu.memref_slice %arg3[%arg0, %arg1, %dma_wait3A_157, %dma_wait3A_158] : memref<2x16x160x128xi32, #tpu.memory_space<hbm>> -> memref<1x1x80x128xi32, #tpu.memory_space<hbm>>
      %dma_wait3A_160 = tpu.memref_squeeze %dma_wait3A_159 : memref<1x1x80x128xi32, #tpu.memory_space<hbm>> -> memref<80x128xi32, #tpu.memory_space<hbm>>
      tpu.wait_dma2 semaphore(%run_scoped3A_144 : memref<!tpu.dma_semaphore, #tpu.memory_space<semaphore_mem>>) src(%dma_wait3A_160 : memref<80x128xi32, #tpu.memory_space<hbm>>) dst(%arg5 : memref<80x128xi32, #tpu.memory_space<vmem>>)
      tpu.yield
    }) : () -> ()
    %dma_start3A_75 = arith.constant 0 : i32
    %dma_start3A_76 = arith.constant 64 : i32
    %dma_start3A_77 = tpu.memref_slice %arg5[%dma_start3A_75, %dma_start3A_76] : memref<80x128xi32, #tpu.memory_space<vmem>> -> memref<1x64xi32, #tpu.memory_space<vmem>>
    %dma_start3A_78 = tpu.memref_squeeze %dma_start3A_77 : memref<1x64xi32, #tpu.memory_space<vmem>> -> memref<64xi32, #tpu.memory_space<vmem>>
    %dma_start3A_79 = arith.constant 0 : i32
    %dma_start3A_80 = arith.constant 0 : i32
    %dma_start3A_81 = tpu.memref_slice %arg2[%dma_start3A_79, %dma_start3A_80] : memref<20480x128xf32, #tpu.memory_space<hbm>> -> memref<20480x128xf32, #tpu.memory_space<hbm>>
    tpu.enqueue_indirect_dma source(%dma_start3A_81 : memref<20480x128xf32, #tpu.memory_space<hbm>>) target(%arg6 : memref<64x128xf32, #tpu.memory_space<vmem>>) offsets(%dma_start3A_78 : memref<64xi32, #tpu.memory_space<vmem>>) semaphore(%arg10 : memref<!tpu.dma_semaphore, #tpu.memory_space<semaphore_mem>>)
    %dma_start3A_82 = arith.constant 1 : i32
    %dma_start3A_83 = arith.constant 64 : i32
    %dma_start3A_84 = tpu.memref_slice %arg5[%dma_start3A_82, %dma_start3A_83] : memref<80x128xi32, #tpu.memory_space<vmem>> -> memref<1x64xi32, #tpu.memory_space<vmem>>
    %dma_start3A_85 = tpu.memref_squeeze %dma_start3A_84 : memref<1x64xi32, #tpu.memory_space<vmem>> -> memref<64xi32, #tpu.memory_space<vmem>>
    %dma_start3A_86 = arith.constant 0 : i32
    %dma_start3A_87 = arith.constant 0 : i32
    %dma_start3A_88 = tpu.memref_slice %arg2[%dma_start3A_86, %dma_start3A_87] : memref<20480x128xf32, #tpu.memory_space<hbm>> -> memref<20480x128xf32, #tpu.memory_space<hbm>>
    tpu.enqueue_indirect_dma source(%dma_start3A_88 : memref<20480x128xf32, #tpu.memory_space<hbm>>) target(%arg7 : memref<64x128xf32, #tpu.memory_space<vmem>>) offsets(%dma_start3A_85 : memref<64xi32, #tpu.memory_space<vmem>>) semaphore(%arg11 : memref<!tpu.dma_semaphore, #tpu.memory_space<semaphore_mem>>)
    %dma_start3A_89 = arith.constant 2 : i32
    %dma_start3A_90 = arith.constant 64 : i32
    %dma_start3A_91 = tpu.memref_slice %arg5[%dma_start3A_89, %dma_start3A_90] : memref<80x128xi32, #tpu.memory_space<vmem>> -> memref<1x64xi32, #tpu.memory_space<vmem>>
    %dma_start3A_92 = tpu.memref_squeeze %dma_start3A_91 : memref<1x64xi32, #tpu.memory_space<vmem>> -> memref<64xi32, #tpu.memory_space<vmem>>
    %dma_start3A_93 = arith.constant 0 : i32
    %dma_start3A_94 = arith.constant 0 : i32
    %dma_start3A_95 = tpu.memref_slice %arg2[%dma_start3A_93, %dma_start3A_94] : memref<20480x128xf32, #tpu.memory_space<hbm>> -> memref<20480x128xf32, #tpu.memory_space<hbm>>
    tpu.enqueue_indirect_dma source(%dma_start3A_95 : memref<20480x128xf32, #tpu.memory_space<hbm>>) target(%arg8 : memref<64x128xf32, #tpu.memory_space<vmem>>) offsets(%dma_start3A_92 : memref<64xi32, #tpu.memory_space<vmem>>) semaphore(%arg12 : memref<!tpu.dma_semaphore, #tpu.memory_space<semaphore_mem>>)
    %dma_start3A_96 = arith.constant 3 : i32
    %dma_start3A_97 = arith.constant 64 : i32
    %dma_start3A_98 = tpu.memref_slice %arg5[%dma_start3A_96, %dma_start3A_97] : memref<80x128xi32, #tpu.memory_space<vmem>> -> memref<1x64xi32, #tpu.memory_space<vmem>>
    %dma_start3A_99 = tpu.memref_squeeze %dma_start3A_98 : memref<1x64xi32, #tpu.memory_space<vmem>> -> memref<64xi32, #tpu.memory_space<vmem>>
    %dma_start3A_100 = arith.constant 0 : i32
    %dma_start3A_101 = arith.constant 0 : i32
    %dma_start3A_102 = tpu.memref_slice %arg2[%dma_start3A_100, %dma_start3A_101] : memref<20480x128xf32, #tpu.memory_space<hbm>> -> memref<20480x128xf32, #tpu.memory_space<hbm>>
    tpu.enqueue_indirect_dma source(%dma_start3A_102 : memref<20480x128xf32, #tpu.memory_space<hbm>>) target(%arg9 : memref<64x128xf32, #tpu.memory_space<vmem>>) offsets(%dma_start3A_99 : memref<64xi32, #tpu.memory_space<vmem>>) semaphore(%arg13 : memref<!tpu.dma_semaphore, #tpu.memory_space<semaphore_mem>>)
    %scan3A_103 = arith.constant 0 : i32
    %scan3A_104 = arith.constant 1 : i32
    %scan3A_105 = arith.constant 19 : i32
    %scan3A_106 = arith.addi %scan3A_104, %scan3A_105 : i32
    %scan3A_107 = arith.constant 1 : i32
    scf.for %scan3A_144 = %scan3A_104 to %scan3A_106 step %scan3A_107  : i32 {
      %mul3A_145 = arith.constant 4 : i32
      %mul3A_146 = arith.muli %scan3A_144, %mul3A_145 : i32
      %add3A_147 = arith.constant 0 : i32
      %add3A_148 = arith.addi %mul3A_146, %add3A_147 : i32
      %sub3A = arith.constant 4 : i32
      %sub3A_149 = arith.subi %add3A_148, %sub3A : i32
      %dma_wait3A_150 = arith.constant 64 : i32
      %dma_wait3A_151 = tpu.memref_slice %arg5[%sub3A_149, %dma_wait3A_150] : memref<80x128xi32, #tpu.memory_space<vmem>> -> memref<1x64xi32, #tpu.memory_space<vmem>>
      %dma_wait3A_152 = tpu.memref_squeeze %dma_wait3A_151 : memref<1x64xi32, #tpu.memory_space<vmem>> -> memref<64xi32, #tpu.memory_space<vmem>>
      %dma_wait3A_153 = arith.constant 0 : i32
      %dma_wait3A_154 = arith.constant 0 : i32
      %dma_wait3A_155 = tpu.memref_slice %arg2[%dma_wait3A_153, %dma_wait3A_154] : memref<20480x128xf32, #tpu.memory_space<hbm>> -> memref<20480x128xf32, #tpu.memory_space<hbm>>
      tpu.wait_indirect_dma semaphore(%arg10 : memref<!tpu.dma_semaphore, #tpu.memory_space<semaphore_mem>>) src(%dma_wait3A_155 : memref<20480x128xf32, #tpu.memory_space<hbm>>) dst(%arg6 : memref<64x128xf32, #tpu.memory_space<vmem>>)
      %sub3A_156 = arith.constant 4 : i32
      %sub3A_157 = arith.subi %add3A_148, %sub3A_156 : i32
      "tpu.region"() ({
        %run_scoped3A_224 = tpu.sem_alloc : memref<!tpu.dma_semaphore, #tpu.memory_space<semaphore_mem>>
        %dma_start3A_225 = arith.constant 0 : i32
        %dma_start3A_226 = tpu.memref_slice %arg5[%sub3A_157, %dma_start3A_225] : memref<80x128xi32, #tpu.memory_space<vmem>> -> memref<1x64xi32, #tpu.memory_space<vmem>>
        %dma_start3A_227 = tpu.memref_squeeze %dma_start3A_226 : memref<1x64xi32, #tpu.memory_space<vmem>> -> memref<64xi32, #tpu.memory_space<vmem>>
        %dma_start3A_228 = arith.constant 0 : i32
        %dma_start3A_229 = arith.constant 0 : i32
        %dma_start3A_230 = tpu.memref_slice %arg15[%dma_start3A_228, %dma_start3A_229] : memref<10240x128xf32, #tpu.memory_space<vmem_shared>> -> memref<10240x128xf32, #tpu.memory_space<vmem_shared>>
        tpu.enqueue_indirect_dma source(%arg6 : memref<64x128xf32, #tpu.memory_space<vmem>>) target(%dma_start3A_230 : memref<10240x128xf32, #tpu.memory_space<vmem_shared>>) offsets(%dma_start3A_227 : memref<64xi32, #tpu.memory_space<vmem>>) semaphore(%run_scoped3A_224 : memref<!tpu.dma_semaphore, #tpu.memory_space<semaphore_mem>>) {add = true}
        %dma_wait3A_231 = arith.constant 0 : i32
        %dma_wait3A_232 = tpu.memref_slice %arg5[%sub3A_157, %dma_wait3A_231] : memref<80x128xi32, #tpu.memory_space<vmem>> -> memref<1x64xi32, #tpu.memory_space<vmem>>
        %dma_wait3A_233 = tpu.memref_squeeze %dma_wait3A_232 : memref<1x64xi32, #tpu.memory_space<vmem>> -> memref<64xi32, #tpu.memory_space<vmem>>
        %dma_wait3A_234 = arith.constant 0 : i32
        %dma_wait3A_235 = arith.constant 0 : i32
        %dma_wait3A_236 = tpu.memref_slice %arg15[%dma_wait3A_234, %dma_wait3A_235] : memref<10240x128xf32, #tpu.memory_space<vmem_shared>> -> memref<10240x128xf32, #tpu.memory_space<vmem_shared>>
        tpu.wait_indirect_dma semaphore(%run_scoped3A_224 : memref<!tpu.dma_semaphore, #tpu.memory_space<semaphore_mem>>) src(%arg6 : memref<64x128xf32, #tpu.memory_space<vmem>>) dst(%dma_wait3A_236 : memref<10240x128xf32, #tpu.memory_space<vmem_shared>>)
        tpu.yield
      }) : () -> ()
      %dma_start3A_158 = arith.constant 64 : i32
      %dma_start3A_159 = tpu.memref_slice %arg5[%add3A_148, %dma_start3A_158] : memref<80x128xi32, #tpu.memory_space<vmem>> -> memref<1x64xi32, #tpu.memory_space<vmem>>
      %dma_start3A_160 = tpu.memref_squeeze %dma_start3A_159 : memref<1x64xi32, #tpu.memory_space<vmem>> -> memref<64xi32, #tpu.memory_space<vmem>>
      %dma_start3A_161 = arith.constant 0 : i32
      %dma_start3A_162 = arith.constant 0 : i32
      %dma_start3A_163 = tpu.memref_slice %arg2[%dma_start3A_161, %dma_start3A_162] : memref<20480x128xf32, #tpu.memory_space<hbm>> -> memref<20480x128xf32, #tpu.memory_space<hbm>>
      tpu.enqueue_indirect_dma source(%dma_start3A_163 : memref<20480x128xf32, #tpu.memory_space<hbm>>) target(%arg6 : memref<64x128xf32, #tpu.memory_space<vmem>>) offsets(%dma_start3A_160 : memref<64xi32, #tpu.memory_space<vmem>>) semaphore(%arg10 : memref<!tpu.dma_semaphore, #tpu.memory_space<semaphore_mem>>)
      %mul3A_164 = arith.constant 4 : i32
      %mul3A_165 = arith.muli %scan3A_144, %mul3A_164 : i32
      %add3A_166 = arith.constant 1 : i32
      %add3A_167 = arith.addi %mul3A_165, %add3A_166 : i32
      %sub3A_168 = arith.constant 4 : i32
      %sub3A_169 = arith.subi %add3A_167, %sub3A_168 : i32
      %dma_wait3A_170 = arith.constant 64 : i32
      %dma_wait3A_171 = tpu.memref_slice %arg5[%sub3A_169, %dma_wait3A_170] : memref<80x128xi32, #tpu.memory_space<vmem>> -> memref<1x64xi32, #tpu.memory_space<vmem>>
      %dma_wait3A_172 = tpu.memref_squeeze %dma_wait3A_171 : memref<1x64xi32, #tpu.memory_space<vmem>> -> memref<64xi32, #tpu.memory_space<vmem>>
      %dma_wait3A_173 = arith.constant 0 : i32
      %dma_wait3A_174 = arith.constant 0 : i32
      %dma_wait3A_175 = tpu.memref_slice %arg2[%dma_wait3A_173, %dma_wait3A_174] : memref<20480x128xf32, #tpu.memory_space<hbm>> -> memref<20480x128xf32, #tpu.memory_space<hbm>>
      tpu.wait_indirect_dma semaphore(%arg11 : memref<!tpu.dma_semaphore, #tpu.memory_space<semaphore_mem>>) src(%dma_wait3A_175 : memref<20480x128xf32, #tpu.memory_space<hbm>>) dst(%arg7 : memref<64x128xf32, #tpu.memory_space<vmem>>)
      %sub3A_176 = arith.constant 4 : i32
      %sub3A_177 = arith.subi %add3A_167, %sub3A_176 : i32
      "tpu.region"() ({
        %run_scoped3A_224 = tpu.sem_alloc : memref<!tpu.dma_semaphore, #tpu.memory_space<semaphore_mem>>
        %dma_start3A_225 = arith.constant 0 : i32
        %dma_start3A_226 = tpu.memref_slice %arg5[%sub3A_177, %dma_start3A_225] : memref<80x128xi32, #tpu.memory_space<vmem>> -> memref<1x64xi32, #tpu.memory_space<vmem>>
        %dma_start3A_227 = tpu.memref_squeeze %dma_start3A_226 : memref<1x64xi32, #tpu.memory_space<vmem>> -> memref<64xi32, #tpu.memory_space<vmem>>
        %dma_start3A_228 = arith.constant 0 : i32
        %dma_start3A_229 = arith.constant 0 : i32
        %dma_start3A_230 = tpu.memref_slice %arg15[%dma_start3A_228, %dma_start3A_229] : memref<10240x128xf32, #tpu.memory_space<vmem_shared>> -> memref<10240x128xf32, #tpu.memory_space<vmem_shared>>
        tpu.enqueue_indirect_dma source(%arg7 : memref<64x128xf32, #tpu.memory_space<vmem>>) target(%dma_start3A_230 : memref<10240x128xf32, #tpu.memory_space<vmem_shared>>) offsets(%dma_start3A_227 : memref<64xi32, #tpu.memory_space<vmem>>) semaphore(%run_scoped3A_224 : memref<!tpu.dma_semaphore, #tpu.memory_space<semaphore_mem>>) {add = true}
        %dma_wait3A_231 = arith.constant 0 : i32
        %dma_wait3A_232 = tpu.memref_slice %arg5[%sub3A_177, %dma_wait3A_231] : memref<80x128xi32, #tpu.memory_space<vmem>> -> memref<1x64xi32, #tpu.memory_space<vmem>>
        %dma_wait3A_233 = tpu.memref_squeeze %dma_wait3A_232 : memref<1x64xi32, #tpu.memory_space<vmem>> -> memref<64xi32, #tpu.memory_space<vmem>>
        %dma_wait3A_234 = arith.constant 0 : i32
        %dma_wait3A_235 = arith.constant 0 : i32
        %dma_wait3A_236 = tpu.memref_slice %arg15[%dma_wait3A_234, %dma_wait3A_235] : memref<10240x128xf32, #tpu.memory_space<vmem_shared>> -> memref<10240x128xf32, #tpu.memory_space<vmem_shared>>
        tpu.wait_indirect_dma semaphore(%run_scoped3A_224 : memref<!tpu.dma_semaphore, #tpu.memory_space<semaphore_mem>>) src(%arg7 : memref<64x128xf32, #tpu.memory_space<vmem>>) dst(%dma_wait3A_236 : memref<10240x128xf32, #tpu.memory_space<vmem_shared>>)
        tpu.yield
      }) : () -> ()
      %dma_start3A_178 = arith.constant 64 : i32
      %dma_start3A_179 = tpu.memref_slice %arg5[%add3A_167, %dma_start3A_178] : memref<80x128xi32, #tpu.memory_space<vmem>> -> memref<1x64xi32, #tpu.memory_space<vmem>>
      %dma_start3A_180 = tpu.memref_squeeze %dma_start3A_179 : memref<1x64xi32, #tpu.memory_space<vmem>> -> memref<64xi32, #tpu.memory_space<vmem>>
      %dma_start3A_181 = arith.constant 0 : i32
      %dma_start3A_182 = arith.constant 0 : i32
      %dma_start3A_183 = tpu.memref_slice %arg2[%dma_start3A_181, %dma_start3A_182] : memref<20480x128xf32, #tpu.memory_space<hbm>> -> memref<20480x128xf32, #tpu.memory_space<hbm>>
      tpu.enqueue_indirect_dma source(%dma_start3A_183 : memref<20480x128xf32, #tpu.memory_space<hbm>>) target(%arg7 : memref<64x128xf32, #tpu.memory_space<vmem>>) offsets(%dma_start3A_180 : memref<64xi32, #tpu.memory_space<vmem>>) semaphore(%arg11 : memref<!tpu.dma_semaphore, #tpu.memory_space<semaphore_mem>>)
      %mul3A_184 = arith.constant 4 : i32
      %mul3A_185 = arith.muli %scan3A_144, %mul3A_184 : i32
      %add3A_186 = arith.constant 2 : i32
      %add3A_187 = arith.addi %mul3A_185, %add3A_186 : i32
      %sub3A_188 = arith.constant 4 : i32
      %sub3A_189 = arith.subi %add3A_187, %sub3A_188 : i32
      %dma_wait3A_190 = arith.constant 64 : i32
      %dma_wait3A_191 = tpu.memref_slice %arg5[%sub3A_189, %dma_wait3A_190] : memref<80x128xi32, #tpu.memory_space<vmem>> -> memref<1x64xi32, #tpu.memory_space<vmem>>
      %dma_wait3A_192 = tpu.memref_squeeze %dma_wait3A_191 : memref<1x64xi32, #tpu.memory_space<vmem>> -> memref<64xi32, #tpu.memory_space<vmem>>
      %dma_wait3A_193 = arith.constant 0 : i32
      %dma_wait3A_194 = arith.constant 0 : i32
      %dma_wait3A_195 = tpu.memref_slice %arg2[%dma_wait3A_193, %dma_wait3A_194] : memref<20480x128xf32, #tpu.memory_space<hbm>> -> memref<20480x128xf32, #tpu.memory_space<hbm>>
      tpu.wait_indirect_dma semaphore(%arg12 : memref<!tpu.dma_semaphore, #tpu.memory_space<semaphore_mem>>) src(%dma_wait3A_195 : memref<20480x128xf32, #tpu.memory_space<hbm>>) dst(%arg8 : memref<64x128xf32, #tpu.memory_space<vmem>>)
      %sub3A_196 = arith.constant 4 : i32
      %sub3A_197 = arith.subi %add3A_187, %sub3A_196 : i32
      "tpu.region"() ({
        %run_scoped3A_224 = tpu.sem_alloc : memref<!tpu.dma_semaphore, #tpu.memory_space<semaphore_mem>>
        %dma_start3A_225 = arith.constant 0 : i32
        %dma_start3A_226 = tpu.memref_slice %arg5[%sub3A_197, %dma_start3A_225] : memref<80x128xi32, #tpu.memory_space<vmem>> -> memref<1x64xi32, #tpu.memory_space<vmem>>
        %dma_start3A_227 = tpu.memref_squeeze %dma_start3A_226 : memref<1x64xi32, #tpu.memory_space<vmem>> -> memref<64xi32, #tpu.memory_space<vmem>>
        %dma_start3A_228 = arith.constant 0 : i32
        %dma_start3A_229 = arith.constant 0 : i32
        %dma_start3A_230 = tpu.memref_slice %arg15[%dma_start3A_228, %dma_start3A_229] : memref<10240x128xf32, #tpu.memory_space<vmem_shared>> -> memref<10240x128xf32, #tpu.memory_space<vmem_shared>>
        tpu.enqueue_indirect_dma source(%arg8 : memref<64x128xf32, #tpu.memory_space<vmem>>) target(%dma_start3A_230 : memref<10240x128xf32, #tpu.memory_space<vmem_shared>>) offsets(%dma_start3A_227 : memref<64xi32, #tpu.memory_space<vmem>>) semaphore(%run_scoped3A_224 : memref<!tpu.dma_semaphore, #tpu.memory_space<semaphore_mem>>) {add = true}
        %dma_wait3A_231 = arith.constant 0 : i32
        %dma_wait3A_232 = tpu.memref_slice %arg5[%sub3A_197, %dma_wait3A_231] : memref<80x128xi32, #tpu.memory_space<vmem>> -> memref<1x64xi32, #tpu.memory_space<vmem>>
        %dma_wait3A_233 = tpu.memref_squeeze %dma_wait3A_232 : memref<1x64xi32, #tpu.memory_space<vmem>> -> memref<64xi32, #tpu.memory_space<vmem>>
        %dma_wait3A_234 = arith.constant 0 : i32
        %dma_wait3A_235 = arith.constant 0 : i32
        %dma_wait3A_236 = tpu.memref_slice %arg15[%dma_wait3A_234, %dma_wait3A_235] : memref<10240x128xf32, #tpu.memory_space<vmem_shared>> -> memref<10240x128xf32, #tpu.memory_space<vmem_shared>>
        tpu.wait_indirect_dma semaphore(%run_scoped3A_224 : memref<!tpu.dma_semaphore, #tpu.memory_space<semaphore_mem>>) src(%arg8 : memref<64x128xf32, #tpu.memory_space<vmem>>) dst(%dma_wait3A_236 : memref<10240x128xf32, #tpu.memory_space<vmem_shared>>)
        tpu.yield
      }) : () -> ()
      %dma_start3A_198 = arith.constant 64 : i32
      %dma_start3A_199 = tpu.memref_slice %arg5[%add3A_187, %dma_start3A_198] : memref<80x128xi32, #tpu.memory_space<vmem>> -> memref<1x64xi32, #tpu.memory_space<vmem>>
      %dma_start3A_200 = tpu.memref_squeeze %dma_start3A_199 : memref<1x64xi32, #tpu.memory_space<vmem>> -> memref<64xi32, #tpu.memory_space<vmem>>
      %dma_start3A_201 = arith.constant 0 : i32
      %dma_start3A_202 = arith.constant 0 : i32
      %dma_start3A_203 = tpu.memref_slice %arg2[%dma_start3A_201, %dma_start3A_202] : memref<20480x128xf32, #tpu.memory_space<hbm>> -> memref<20480x128xf32, #tpu.memory_space<hbm>>
      tpu.enqueue_indirect_dma source(%dma_start3A_203 : memref<20480x128xf32, #tpu.memory_space<hbm>>) target(%arg8 : memref<64x128xf32, #tpu.memory_space<vmem>>) offsets(%dma_start3A_200 : memref<64xi32, #tpu.memory_space<vmem>>) semaphore(%arg12 : memref<!tpu.dma_semaphore, #tpu.memory_space<semaphore_mem>>)
      %mul3A_204 = arith.constant 4 : i32
      %mul3A_205 = arith.muli %scan3A_144, %mul3A_204 : i32
      %add3A_206 = arith.constant 3 : i32
      %add3A_207 = arith.addi %mul3A_205, %add3A_206 : i32
      %sub3A_208 = arith.constant 4 : i32
      %sub3A_209 = arith.subi %add3A_207, %sub3A_208 : i32
      %dma_wait3A_210 = arith.constant 64 : i32
      %dma_wait3A_211 = tpu.memref_slice %arg5[%sub3A_209, %dma_wait3A_210] : memref<80x128xi32, #tpu.memory_space<vmem>> -> memref<1x64xi32, #tpu.memory_space<vmem>>
      %dma_wait3A_212 = tpu.memref_squeeze %dma_wait3A_211 : memref<1x64xi32, #tpu.memory_space<vmem>> -> memref<64xi32, #tpu.memory_space<vmem>>
      %dma_wait3A_213 = arith.constant 0 : i32
      %dma_wait3A_214 = arith.constant 0 : i32
      %dma_wait3A_215 = tpu.memref_slice %arg2[%dma_wait3A_213, %dma_wait3A_214] : memref<20480x128xf32, #tpu.memory_space<hbm>> -> memref<20480x128xf32, #tpu.memory_space<hbm>>
      tpu.wait_indirect_dma semaphore(%arg13 : memref<!tpu.dma_semaphore, #tpu.memory_space<semaphore_mem>>) src(%dma_wait3A_215 : memref<20480x128xf32, #tpu.memory_space<hbm>>) dst(%arg9 : memref<64x128xf32, #tpu.memory_space<vmem>>)
      %sub3A_216 = arith.constant 4 : i32
      %sub3A_217 = arith.subi %add3A_207, %sub3A_216 : i32
      "tpu.region"() ({
        %run_scoped3A_224 = tpu.sem_alloc : memref<!tpu.dma_semaphore, #tpu.memory_space<semaphore_mem>>
        %dma_start3A_225 = arith.constant 0 : i32
        %dma_start3A_226 = tpu.memref_slice %arg5[%sub3A_217, %dma_start3A_225] : memref<80x128xi32, #tpu.memory_space<vmem>> -> memref<1x64xi32, #tpu.memory_space<vmem>>
        %dma_start3A_227 = tpu.memref_squeeze %dma_start3A_226 : memref<1x64xi32, #tpu.memory_space<vmem>> -> memref<64xi32, #tpu.memory_space<vmem>>
        %dma_start3A_228 = arith.constant 0 : i32
        %dma_start3A_229 = arith.constant 0 : i32
        %dma_start3A_230 = tpu.memref_slice %arg15[%dma_start3A_228, %dma_start3A_229] : memref<10240x128xf32, #tpu.memory_space<vmem_shared>> -> memref<10240x128xf32, #tpu.memory_space<vmem_shared>>
        tpu.enqueue_indirect_dma source(%arg9 : memref<64x128xf32, #tpu.memory_space<vmem>>) target(%dma_start3A_230 : memref<10240x128xf32, #tpu.memory_space<vmem_shared>>) offsets(%dma_start3A_227 : memref<64xi32, #tpu.memory_space<vmem>>) semaphore(%run_scoped3A_224 : memref<!tpu.dma_semaphore, #tpu.memory_space<semaphore_mem>>) {add = true}
        %dma_wait3A_231 = arith.constant 0 : i32
        %dma_wait3A_232 = tpu.memref_slice %arg5[%sub3A_217, %dma_wait3A_231] : memref<80x128xi32, #tpu.memory_space<vmem>> -> memref<1x64xi32, #tpu.memory_space<vmem>>
        %dma_wait3A_233 = tpu.memref_squeeze %dma_wait3A_232 : memref<1x64xi32, #tpu.memory_space<vmem>> -> memref<64xi32, #tpu.memory_space<vmem>>
        %dma_wait3A_234 = arith.constant 0 : i32
        %dma_wait3A_235 = arith.constant 0 : i32
        %dma_wait3A_236 = tpu.memref_slice %arg15[%dma_wait3A_234, %dma_wait3A_235] : memref<10240x128xf32, #tpu.memory_space<vmem_shared>> -> memref<10240x128xf32, #tpu.memory_space<vmem_shared>>
        tpu.wait_indirect_dma semaphore(%run_scoped3A_224 : memref<!tpu.dma_semaphore, #tpu.memory_space<semaphore_mem>>) src(%arg9 : memref<64x128xf32, #tpu.memory_space<vmem>>) dst(%dma_wait3A_236 : memref<10240x128xf32, #tpu.memory_space<vmem_shared>>)
        tpu.yield
      }) : () -> ()
      %dma_start3A_218 = arith.constant 64 : i32
      %dma_start3A_219 = tpu.memref_slice %arg5[%add3A_207, %dma_start3A_218] : memref<80x128xi32, #tpu.memory_space<vmem>> -> memref<1x64xi32, #tpu.memory_space<vmem>>
      %dma_start3A_220 = tpu.memref_squeeze %dma_start3A_219 : memref<1x64xi32, #tpu.memory_space<vmem>> -> memref<64xi32, #tpu.memory_space<vmem>>
      %dma_start3A_221 = arith.constant 0 : i32
      %dma_start3A_222 = arith.constant 0 : i32
      %dma_start3A_223 = tpu.memref_slice %arg2[%dma_start3A_221, %dma_start3A_222] : memref<20480x128xf32, #tpu.memory_space<hbm>> -> memref<20480x128xf32, #tpu.memory_space<hbm>>
      tpu.enqueue_indirect_dma source(%dma_start3A_223 : memref<20480x128xf32, #tpu.memory_space<hbm>>) target(%arg9 : memref<64x128xf32, #tpu.memory_space<vmem>>) offsets(%dma_start3A_220 : memref<64xi32, #tpu.memory_space<vmem>>) semaphore(%arg13 : memref<!tpu.dma_semaphore, #tpu.memory_space<semaphore_mem>>)
    }
    %scan3A_108 = arith.constant 19 : i32
    %dma_wait3A_109 = arith.constant 76 : i32
    %dma_wait3A_110 = arith.constant 64 : i32
    %dma_wait3A_111 = tpu.memref_slice %arg5[%dma_wait3A_109, %dma_wait3A_110] : memref<80x128xi32, #tpu.memory_space<vmem>> -> memref<1x64xi32, #tpu.memory_space<vmem>>
    %dma_wait3A_112 = tpu.memref_squeeze %dma_wait3A_111 : memref<1x64xi32, #tpu.memory_space<vmem>> -> memref<64xi32, #tpu.memory_space<vmem>>
    %dma_wait3A_113 = arith.constant 0 : i32
    %dma_wait3A_114 = arith.constant 0 : i32
    %dma_wait3A_115 = tpu.memref_slice %arg2[%dma_wait3A_113, %dma_wait3A_114] : memref<20480x128xf32, #tpu.memory_space<hbm>> -> memref<20480x128xf32, #tpu.memory_space<hbm>>
    tpu.wait_indirect_dma semaphore(%arg10 : memref<!tpu.dma_semaphore, #tpu.memory_space<semaphore_mem>>) src(%dma_wait3A_115 : memref<20480x128xf32, #tpu.memory_space<hbm>>) dst(%arg6 : memref<64x128xf32, #tpu.memory_space<vmem>>)
    %run_scoped3A_116 = arith.constant 76 : i32
    "tpu.region"() ({
      %run_scoped3A_144 = tpu.sem_alloc : memref<!tpu.dma_semaphore, #tpu.memory_space<semaphore_mem>>
      %dma_start3A_145 = arith.constant 0 : i32
      %dma_start3A_146 = tpu.memref_slice %arg5[%run_scoped3A_116, %dma_start3A_145] : memref<80x128xi32, #tpu.memory_space<vmem>> -> memref<1x64xi32, #tpu.memory_space<vmem>>
      %dma_start3A_147 = tpu.memref_squeeze %dma_start3A_146 : memref<1x64xi32, #tpu.memory_space<vmem>> -> memref<64xi32, #tpu.memory_space<vmem>>
      %dma_start3A_148 = arith.constant 0 : i32
      %dma_start3A_149 = arith.constant 0 : i32
      %dma_start3A_150 = tpu.memref_slice %arg15[%dma_start3A_148, %dma_start3A_149] : memref<10240x128xf32, #tpu.memory_space<vmem_shared>> -> memref<10240x128xf32, #tpu.memory_space<vmem_shared>>
      tpu.enqueue_indirect_dma source(%arg6 : memref<64x128xf32, #tpu.memory_space<vmem>>) target(%dma_start3A_150 : memref<10240x128xf32, #tpu.memory_space<vmem_shared>>) offsets(%dma_start3A_147 : memref<64xi32, #tpu.memory_space<vmem>>) semaphore(%run_scoped3A_144 : memref<!tpu.dma_semaphore, #tpu.memory_space<semaphore_mem>>) {add = true}
      %dma_wait3A_151 = arith.constant 0 : i32
      %dma_wait3A_152 = tpu.memref_slice %arg5[%run_scoped3A_116, %dma_wait3A_151] : memref<80x128xi32, #tpu.memory_space<vmem>> -> memref<1x64xi32, #tpu.memory_space<vmem>>
      %dma_wait3A_153 = tpu.memref_squeeze %dma_wait3A_152 : memref<1x64xi32, #tpu.memory_space<vmem>> -> memref<64xi32, #tpu.memory_space<vmem>>
      %dma_wait3A_154 = arith.constant 0 : i32
      %dma_wait3A_155 = arith.constant 0 : i32
      %dma_wait3A_156 = tpu.memref_slice %arg15[%dma_wait3A_154, %dma_wait3A_155] : memref<10240x128xf32, #tpu.memory_space<vmem_shared>> -> memref<10240x128xf32, #tpu.memory_space<vmem_shared>>
      tpu.wait_indirect_dma semaphore(%run_scoped3A_144 : memref<!tpu.dma_semaphore, #tpu.memory_space<semaphore_mem>>) src(%arg6 : memref<64x128xf32, #tpu.memory_space<vmem>>) dst(%dma_wait3A_156 : memref<10240x128xf32, #tpu.memory_space<vmem_shared>>)
      tpu.yield
    }) : () -> ()
    %dma_wait3A_117 = arith.constant 77 : i32
    %dma_wait3A_118 = arith.constant 64 : i32
    %dma_wait3A_119 = tpu.memref_slice %arg5[%dma_wait3A_117, %dma_wait3A_118] : memref<80x128xi32, #tpu.memory_space<vmem>> -> memref<1x64xi32, #tpu.memory_space<vmem>>
    %dma_wait3A_120 = tpu.memref_squeeze %dma_wait3A_119 : memref<1x64xi32, #tpu.memory_space<vmem>> -> memref<64xi32, #tpu.memory_space<vmem>>
    %dma_wait3A_121 = arith.constant 0 : i32
    %dma_wait3A_122 = arith.constant 0 : i32
    %dma_wait3A_123 = tpu.memref_slice %arg2[%dma_wait3A_121, %dma_wait3A_122] : memref<20480x128xf32, #tpu.memory_space<hbm>> -> memref<20480x128xf32, #tpu.memory_space<hbm>>
    tpu.wait_indirect_dma semaphore(%arg11 : memref<!tpu.dma_semaphore, #tpu.memory_space<semaphore_mem>>) src(%dma_wait3A_123 : memref<20480x128xf32, #tpu.memory_space<hbm>>) dst(%arg7 : memref<64x128xf32, #tpu.memory_space<vmem>>)
    %run_scoped3A_124 = arith.constant 77 : i32
    "tpu.region"() ({
      %run_scoped3A_144 = tpu.sem_alloc : memref<!tpu.dma_semaphore, #tpu.memory_space<semaphore_mem>>
      %dma_start3A_145 = arith.constant 0 : i32
      %dma_start3A_146 = tpu.memref_slice %arg5[%run_scoped3A_124, %dma_start3A_145] : memref<80x128xi32, #tpu.memory_space<vmem>> -> memref<1x64xi32, #tpu.memory_space<vmem>>
      %dma_start3A_147 = tpu.memref_squeeze %dma_start3A_146 : memref<1x64xi32, #tpu.memory_space<vmem>> -> memref<64xi32, #tpu.memory_space<vmem>>
      %dma_start3A_148 = arith.constant 0 : i32
      %dma_start3A_149 = arith.constant 0 : i32
      %dma_start3A_150 = tpu.memref_slice %arg15[%dma_start3A_148, %dma_start3A_149] : memref<10240x128xf32, #tpu.memory_space<vmem_shared>> -> memref<10240x128xf32, #tpu.memory_space<vmem_shared>>
      tpu.enqueue_indirect_dma source(%arg7 : memref<64x128xf32, #tpu.memory_space<vmem>>) target(%dma_start3A_150 : memref<10240x128xf32, #tpu.memory_space<vmem_shared>>) offsets(%dma_start3A_147 : memref<64xi32, #tpu.memory_space<vmem>>) semaphore(%run_scoped3A_144 : memref<!tpu.dma_semaphore, #tpu.memory_space<semaphore_mem>>) {add = true}
      %dma_wait3A_151 = arith.constant 0 : i32
      %dma_wait3A_152 = tpu.memref_slice %arg5[%run_scoped3A_124, %dma_wait3A_151] : memref<80x128xi32, #tpu.memory_space<vmem>> -> memref<1x64xi32, #tpu.memory_space<vmem>>
      %dma_wait3A_153 = tpu.memref_squeeze %dma_wait3A_152 : memref<1x64xi32, #tpu.memory_space<vmem>> -> memref<64xi32, #tpu.memory_space<vmem>>
      %dma_wait3A_154 = arith.constant 0 : i32
      %dma_wait3A_155 = arith.constant 0 : i32
      %dma_wait3A_156 = tpu.memref_slice %arg15[%dma_wait3A_154, %dma_wait3A_155] : memref<10240x128xf32, #tpu.memory_space<vmem_shared>> -> memref<10240x128xf32, #tpu.memory_space<vmem_shared>>
      tpu.wait_indirect_dma semaphore(%run_scoped3A_144 : memref<!tpu.dma_semaphore, #tpu.memory_space<semaphore_mem>>) src(%arg7 : memref<64x128xf32, #tpu.memory_space<vmem>>) dst(%dma_wait3A_156 : memref<10240x128xf32, #tpu.memory_space<vmem_shared>>)
      tpu.yield
    }) : () -> ()
    %dma_wait3A_125 = arith.constant 78 : i32
    %dma_wait3A_126 = arith.constant 64 : i32
    %dma_wait3A_127 = tpu.memref_slice %arg5[%dma_wait3A_125, %dma_wait3A_126] : memref<80x128xi32, #tpu.memory_space<vmem>> -> memref<1x64xi32, #tpu.memory_space<vmem>>
    %dma_wait3A_128 = tpu.memref_squeeze %dma_wait3A_127 : memref<1x64xi32, #tpu.memory_space<vmem>> -> memref<64xi32, #tpu.memory_space<vmem>>
    %dma_wait3A_129 = arith.constant 0 : i32
    %dma_wait3A_130 = arith.constant 0 : i32
    %dma_wait3A_131 = tpu.memref_slice %arg2[%dma_wait3A_129, %dma_wait3A_130] : memref<20480x128xf32, #tpu.memory_space<hbm>> -> memref<20480x128xf32, #tpu.memory_space<hbm>>
    tpu.wait_indirect_dma semaphore(%arg12 : memref<!tpu.dma_semaphore, #tpu.memory_space<semaphore_mem>>) src(%dma_wait3A_131 : memref<20480x128xf32, #tpu.memory_space<hbm>>) dst(%arg8 : memref<64x128xf32, #tpu.memory_space<vmem>>)
    %run_scoped3A_132 = arith.constant 78 : i32
    "tpu.region"() ({
      %run_scoped3A_144 = tpu.sem_alloc : memref<!tpu.dma_semaphore, #tpu.memory_space<semaphore_mem>>
      %dma_start3A_145 = arith.constant 0 : i32
      %dma_start3A_146 = tpu.memref_slice %arg5[%run_scoped3A_132, %dma_start3A_145] : memref<80x128xi32, #tpu.memory_space<vmem>> -> memref<1x64xi32, #tpu.memory_space<vmem>>
      %dma_start3A_147 = tpu.memref_squeeze %dma_start3A_146 : memref<1x64xi32, #tpu.memory_space<vmem>> -> memref<64xi32, #tpu.memory_space<vmem>>
      %dma_start3A_148 = arith.constant 0 : i32
      %dma_start3A_149 = arith.constant 0 : i32
      %dma_start3A_150 = tpu.memref_slice %arg15[%dma_start3A_148, %dma_start3A_149] : memref<10240x128xf32, #tpu.memory_space<vmem_shared>> -> memref<10240x128xf32, #tpu.memory_space<vmem_shared>>
      tpu.enqueue_indirect_dma source(%arg8 : memref<64x128xf32, #tpu.memory_space<vmem>>) target(%dma_start3A_150 : memref<10240x128xf32, #tpu.memory_space<vmem_shared>>) offsets(%dma_start3A_147 : memref<64xi32, #tpu.memory_space<vmem>>) semaphore(%run_scoped3A_144 : memref<!tpu.dma_semaphore, #tpu.memory_space<semaphore_mem>>) {add = true}
      %dma_wait3A_151 = arith.constant 0 : i32
      %dma_wait3A_152 = tpu.memref_slice %arg5[%run_scoped3A_132, %dma_wait3A_151] : memref<80x128xi32, #tpu.memory_space<vmem>> -> memref<1x64xi32, #tpu.memory_space<vmem>>
      %dma_wait3A_153 = tpu.memref_squeeze %dma_wait3A_152 : memref<1x64xi32, #tpu.memory_space<vmem>> -> memref<64xi32, #tpu.memory_space<vmem>>
      %dma_wait3A_154 = arith.constant 0 : i32
      %dma_wait3A_155 = arith.constant 0 : i32
      %dma_wait3A_156 = tpu.memref_slice %arg15[%dma_wait3A_154, %dma_wait3A_155] : memref<10240x128xf32, #tpu.memory_space<vmem_shared>> -> memref<10240x128xf32, #tpu.memory_space<vmem_shared>>
      tpu.wait_indirect_dma semaphore(%run_scoped3A_144 : memref<!tpu.dma_semaphore, #tpu.memory_space<semaphore_mem>>) src(%arg8 : memref<64x128xf32, #tpu.memory_space<vmem>>) dst(%dma_wait3A_156 : memref<10240x128xf32, #tpu.memory_space<vmem_shared>>)
      tpu.yield
    }) : () -> ()
    %dma_wait3A_133 = arith.constant 79 : i32
    %dma_wait3A_134 = arith.constant 64 : i32
    %dma_wait3A_135 = tpu.memref_slice %arg5[%dma_wait3A_133, %dma_wait3A_134] : memref<80x128xi32, #tpu.memory_space<vmem>> -> memref<1x64xi32, #tpu.memory_space<vmem>>
    %dma_wait3A_136 = tpu.memref_squeeze %dma_wait3A_135 : memref<1x64xi32, #tpu.memory_space<vmem>> -> memref<64xi32, #tpu.memory_space<vmem>>
    %dma_wait3A_137 = arith.constant 0 : i32
    %dma_wait3A_138 = arith.constant 0 : i32
    %dma_wait3A_139 = tpu.memref_slice %arg2[%dma_wait3A_137, %dma_wait3A_138] : memref<20480x128xf32, #tpu.memory_space<hbm>> -> memref<20480x128xf32, #tpu.memory_space<hbm>>
    tpu.wait_indirect_dma semaphore(%arg13 : memref<!tpu.dma_semaphore, #tpu.memory_space<semaphore_mem>>) src(%dma_wait3A_139 : memref<20480x128xf32, #tpu.memory_space<hbm>>) dst(%arg9 : memref<64x128xf32, #tpu.memory_space<vmem>>)
    %run_scoped3A_140 = arith.constant 79 : i32
    "tpu.region"() ({
      %run_scoped3A_144 = tpu.sem_alloc : memref<!tpu.dma_semaphore, #tpu.memory_space<semaphore_mem>>
      %dma_start3A_145 = arith.constant 0 : i32
      %dma_start3A_146 = tpu.memref_slice %arg5[%run_scoped3A_140, %dma_start3A_145] : memref<80x128xi32, #tpu.memory_space<vmem>> -> memref<1x64xi32, #tpu.memory_space<vmem>>
      %dma_start3A_147 = tpu.memref_squeeze %dma_start3A_146 : memref<1x64xi32, #tpu.memory_space<vmem>> -> memref<64xi32, #tpu.memory_space<vmem>>
      %dma_start3A_148 = arith.constant 0 : i32
      %dma_start3A_149 = arith.constant 0 : i32
      %dma_start3A_150 = tpu.memref_slice %arg15[%dma_start3A_148, %dma_start3A_149] : memref<10240x128xf32, #tpu.memory_space<vmem_shared>> -> memref<10240x128xf32, #tpu.memory_space<vmem_shared>>
      tpu.enqueue_indirect_dma source(%arg9 : memref<64x128xf32, #tpu.memory_space<vmem>>) target(%dma_start3A_150 : memref<10240x128xf32, #tpu.memory_space<vmem_shared>>) offsets(%dma_start3A_147 : memref<64xi32, #tpu.memory_space<vmem>>) semaphore(%run_scoped3A_144 : memref<!tpu.dma_semaphore, #tpu.memory_space<semaphore_mem>>) {add = true}
      %dma_wait3A_151 = arith.constant 0 : i32
      %dma_wait3A_152 = tpu.memref_slice %arg5[%run_scoped3A_140, %dma_wait3A_151] : memref<80x128xi32, #tpu.memory_space<vmem>> -> memref<1x64xi32, #tpu.memory_space<vmem>>
      %dma_wait3A_153 = tpu.memref_squeeze %dma_wait3A_152 : memref<1x64xi32, #tpu.memory_space<vmem>> -> memref<64xi32, #tpu.memory_space<vmem>>
      %dma_wait3A_154 = arith.constant 0 : i32
      %dma_wait3A_155 = arith.constant 0 : i32
      %dma_wait3A_156 = tpu.memref_slice %arg15[%dma_wait3A_154, %dma_wait3A_155] : memref<10240x128xf32, #tpu.memory_space<vmem_shared>> -> memref<10240x128xf32, #tpu.memory_space<vmem_shared>>
      tpu.wait_indirect_dma semaphore(%run_scoped3A_144 : memref<!tpu.dma_semaphore, #tpu.memory_space<semaphore_mem>>) src(%arg9 : memref<64x128xf32, #tpu.memory_space<vmem>>) dst(%dma_wait3A_156 : memref<10240x128xf32, #tpu.memory_space<vmem_shared>>)
      tpu.yield
    }) : () -> ()
    %barrier3A_141 = arith.constant 0 : index
    tpu.barrier barrier_id(%barrier3A_141)
    %mul3A_142 = arith.constant 640 : i32
    %mul3A_143 = arith.muli %arg1, %mul3A_142 : i32
    "tpu.region"() ({
      %run_scoped3A_144 = tpu.sem_alloc : memref<!tpu.dma_semaphore, #tpu.memory_space<semaphore_mem>>
      %dma_start3A_145 = arith.constant 0 : i32
      %dma_start3A_146 = tpu.memref_slice %arg4[%arg0, %mul3A_143, %dma_start3A_145] : memref<2x10240x128xf32, #tpu.memory_space<hbm>> -> memref<1x640x128xf32, #tpu.memory_space<hbm>>
      %dma_start3A_147 = tpu.memref_squeeze %dma_start3A_146 : memref<1x640x128xf32, #tpu.memory_space<hbm>> -> memref<640x128xf32, #tpu.memory_space<hbm>>
      %dma_start3A_148 = arith.constant 0 : i32
      %dma_start3A_149 = tpu.memref_slice %arg15[%mul3A_4, %dma_start3A_148] : memref<10240x128xf32, #tpu.memory_space<vmem_shared>> -> memref<640x128xf32, #tpu.memory_space<vmem_shared>>
      tpu.enqueue_dma source(%dma_start3A_149 : memref<640x128xf32, #tpu.memory_space<vmem_shared>>) target(%dma_start3A_147 : memref<640x128xf32, #tpu.memory_space<hbm>>) target_semaphore(%run_scoped3A_144 : memref<!tpu.dma_semaphore, #tpu.memory_space<semaphore_mem>>)
      %dma_wait3A_150 = arith.constant 0 : i32
      %dma_wait3A_151 = tpu.memref_slice %arg4[%arg0, %mul3A_143, %dma_wait3A_150] : memref<2x10240x128xf32, #tpu.memory_space<hbm>> -> memref<1x640x128xf32, #tpu.memory_space<hbm>>
      %dma_wait3A_152 = tpu.memref_squeeze %dma_wait3A_151 : memref<1x640x128xf32, #tpu.memory_space<hbm>> -> memref<640x128xf32, #tpu.memory_space<hbm>>
      %dma_wait3A_153 = arith.constant 0 : i32
      %dma_wait3A_154 = tpu.memref_slice %arg15[%mul3A_4, %dma_wait3A_153] : memref<10240x128xf32, #tpu.memory_space<vmem_shared>> -> memref<640x128xf32, #tpu.memory_space<vmem_shared>>
      tpu.wait_dma2 semaphore(%run_scoped3A_144 : memref<!tpu.dma_semaphore, #tpu.memory_space<semaphore_mem>>) src(%dma_wait3A_154 : memref<640x128xf32, #tpu.memory_space<vmem_shared>>) dst(%dma_wait3A_152 : memref<640x128xf32, #tpu.memory_space<hbm>>)
      tpu.yield
    }) : () -> ()
    return
  }
}

module attributes {stable_mosaic.version = 14 : i64} {
  func.func @_tc1_body(%arg0: i32, %arg1: memref<512x256xf32, #tpu.memory_space<vmem>>, %arg2: memref<256x256xf32, #tpu.memory_space<vmem>>, %arg3: memref<2x512x8xf32, #tpu.memory_space<vmem>>, %arg4: memref<2x512x128xf32, #tpu.memory_space<vmem>>, %arg5: memref<512x128xf32, #tpu.memory_space<vmem>>) attributes {dimension_semantics = [#tpu.dimension_semantics<arbitrary>], iteration_bounds = array<i64: 20>, scalar_prefetch = 0 : i64, scratch_operands = 0 : i64, tpu.core_type = #tpu.core_type<tc>, window_params = [{transform_indices = @transform_0, window_bounds = array<i64: 512, 256>}, {pipeline_mode = #tpu.pipeline_mode<synchronous>, transform_indices = @transform_1, window_bounds = array<i64: 256, 256>}, {transform_indices = @transform_2, window_bounds = array<i64: 2, 512, 8>}, {transform_indices = @transform_3, window_bounds = array<i64: 2, 512, 128>}, {transform_indices = @transform_4, window_bounds = array<i64: 512, 128>}]} {
    %get3A = arith.constant 0 : index
    %get3A_0 = arith.constant 0 : index
    %get3A_1 = arith.constant 0 : index
    %get3A_2 = vector.load %arg3[%get3A, %get3A_0, %get3A_1] : memref<2x512x8xf32, #tpu.memory_space<vmem>>, vector<2x512x8xf32>
    %slice3A = vector.extract_strided_slice %get3A_2 {offsets = [0, 0, 0], sizes = [1, 512, 1], strides = [1, 1, 1]} : vector<2x512x8xf32> to vector<1x512x1xf32>
    %squeeze3A = vector.shape_cast %slice3A : vector<1x512x1xf32> to vector<512x1xf32>
    %slice3A_3 = vector.extract_strided_slice %get3A_2 {offsets = [1, 0, 0], sizes = [1, 512, 1], strides = [1, 1, 1]} : vector<2x512x8xf32> to vector<1x512x1xf32>
    %squeeze3A_4 = vector.shape_cast %slice3A_3 : vector<1x512x1xf32> to vector<512x1xf32>
    %add3A = arith.addf %squeeze3A, %squeeze3A_4 : vector<512x1xf32>
    %sub3A = arith.constant 1.000000e+00 : f32
    %sub3A_5 = vector.broadcast %sub3A : f32 to vector<512x1xf32>
    %sub3A_6 = arith.subf %add3A, %sub3A_5 : vector<512x1xf32>
    %rsqrt3A = math.rsqrt %sub3A_6 : vector<512x1xf32>
    %get3A_7 = arith.constant 0 : index
    %get3A_8 = arith.constant 0 : index
    %get3A_9 = vector.load %arg1[%get3A_7, %get3A_8] : memref<512x256xf32, #tpu.memory_space<vmem>>, vector<512x256xf32>
    %get3A_10 = arith.constant 0 : index
    %get3A_11 = arith.constant 0 : index
    %get3A_12 = vector.load %arg2[%get3A_10, %get3A_11] : memref<256x256xf32, #tpu.memory_space<vmem>>, vector<256x256xf32>
    %dot_general3A = arith.constant dense<0.000000e+00> : vector<512x256xf32>
    %dot_general3A_13 = tpu.matmul %get3A_9, %get3A_12, %dot_general3A {dimension_numbers = #tpu.dot_dimension_numbers<[1], [0], [0], [1], [0, 0, 1, 1], [], []>, transpose_lhs_hint = false} : vector<512x256xf32>, vector<256x256xf32>, vector<512x256xf32> -> vector<512x256xf32>
    %mul3A = vector.broadcast %rsqrt3A : vector<512x1xf32> to vector<512x256xf32>
    %mul3A_14 = arith.mulf %dot_general3A_13, %mul3A : vector<512x256xf32>
    %slice3A_15 = vector.extract_strided_slice %mul3A_14 {offsets = [0, 0], sizes = [512, 128], strides = [1, 1]} : vector<512x256xf32> to vector<512x128xf32>
    %swap3A = arith.constant 0 : index
    %swap3A_16 = arith.constant 0 : index
    %swap3A_17 = arith.constant 0 : index
    %swap3A_18 = vector.load %arg4[%swap3A, %swap3A_16, %swap3A_17] : memref<2x512x128xf32, #tpu.memory_space<vmem>>, vector<1x512x128xf32>
    %swap3A_19 = vector.shape_cast %swap3A_18 : vector<1x512x128xf32> to vector<512x128xf32>
    %swap3A_20 = vector.shape_cast %slice3A_15 : vector<512x128xf32> to vector<1x512x128xf32>
    tpu.vector_store %arg4[%swap3A, %swap3A_16, %swap3A_17], %swap3A_20 {strides = array<i32>} : memref<2x512x128xf32, #tpu.memory_space<vmem>>, vector<1x512x128xf32>,
    %slice3A_21 = vector.extract_strided_slice %mul3A_14 {offsets = [0, 128], sizes = [512, 128], strides = [1, 1]} : vector<512x256xf32> to vector<512x128xf32>
    %swap3A_22 = arith.constant 1 : index
    %swap3A_23 = arith.constant 0 : index
    %swap3A_24 = arith.constant 0 : index
    %swap3A_25 = vector.load %arg4[%swap3A_22, %swap3A_23, %swap3A_24] : memref<2x512x128xf32, #tpu.memory_space<vmem>>, vector<1x512x128xf32>
    %swap3A_26 = vector.shape_cast %swap3A_25 : vector<1x512x128xf32> to vector<512x128xf32>
    %swap3A_27 = vector.shape_cast %slice3A_21 : vector<512x128xf32> to vector<1x512x128xf32>
    tpu.vector_store %arg4[%swap3A_22, %swap3A_23, %swap3A_24], %swap3A_27 {strides = array<i32>} : memref<2x512x128xf32, #tpu.memory_space<vmem>>, vector<1x512x128xf32>,
    %broadcast_in_dim3A = vector.shape_cast %rsqrt3A : vector<512x1xf32> to vector<512x1xf32>
    %broadcast_in_dim3A_28 = vector.broadcast %broadcast_in_dim3A : vector<512x1xf32> to vector<512x128xf32>
    %swap3A_29 = arith.constant 0 : index
    %swap3A_30 = arith.constant 0 : index
    %swap3A_31 = vector.load %arg5[%swap3A_29, %swap3A_30] : memref<512x128xf32, #tpu.memory_space<vmem>>, vector<512x128xf32>
    tpu.vector_store %arg5[%swap3A_29, %swap3A_30], %broadcast_in_dim3A_28 {strides = array<i32>} : memref<512x128xf32, #tpu.memory_space<vmem>>, vector<512x128xf32>,
    return
  }
  func.func @transform_0(%arg0: i32) -> (i32, i32) {
    %c0_i32 = arith.constant 0 : i32
    %c0_i32_0 = arith.constant 0 : i32
    return %arg0, %c0_i32 : i32, i32
  }
  func.func @transform_1(%arg0: i32) -> (i32, i32) {
    %c0_i32 = arith.constant 0 : i32
    %c0_i32_0 = arith.constant 0 : i32
    %c0_i32_1 = arith.constant 0 : i32
    return %c0_i32, %c0_i32_0 : i32, i32
  }
  func.func @transform_2(%arg0: i32) -> (i32, i32, i32) {
    %c0_i32 = arith.constant 0 : i32
    %c0_i32_0 = arith.constant 0 : i32
    %c0_i32_1 = arith.constant 0 : i32
    return %c0_i32, %arg0, %c0_i32_0 : i32, i32, i32
  }
  func.func @transform_3(%arg0: i32) -> (i32, i32, i32) {
    %c0_i32 = arith.constant 0 : i32
    %c0_i32_0 = arith.constant 0 : i32
    %c0_i32_1 = arith.constant 0 : i32
    return %c0_i32, %arg0, %c0_i32_0 : i32, i32, i32
  }
  func.func @transform_4(%arg0: i32) -> (i32, i32) {
    %c0_i32 = arith.constant 0 : i32
    %c0_i32_0 = arith.constant 0 : i32
    return %arg0, %c0_i32 : i32, i32
  }
}

module attributes {stable_mosaic.version = 14 : i64} {
  func.func @_tc2_body(%arg0: i32, %arg1: memref<2x512x128xf32, #tpu.memory_space<vmem>>, %arg2: memref<512x128xf32, #tpu.memory_space<vmem>>, %arg3: memref<1x256xf32, #tpu.memory_space<vmem>>, %arg4: memref<256x256xf32, #tpu.memory_space<vmem>>, %arg5: memref<2x512x128xf32, #tpu.memory_space<vmem>>) attributes {dimension_semantics = [#tpu.dimension_semantics<arbitrary>], iteration_bounds = array<i64: 20>, scalar_prefetch = 0 : i64, scratch_operands = 0 : i64, tpu.core_type = #tpu.core_type<tc>, window_params = [{transform_indices = @transform_0, window_bounds = array<i64: 2, 512, 128>}, {transform_indices = @transform_1, window_bounds = array<i64: 512, 128>}, {pipeline_mode = #tpu.pipeline_mode<synchronous>, transform_indices = @transform_2, window_bounds = array<i64: 1, 256>}, {pipeline_mode = #tpu.pipeline_mode<synchronous>, transform_indices = @transform_3, window_bounds = array<i64: 256, 256>}, {transform_indices = @transform_4, window_bounds = array<i64: 2, 512, 128>}]} {
    %get3A = arith.constant 0 : index
    %get3A_0 = arith.constant 0 : index
    %get3A_1 = arith.constant 0 : index
    %get3A_2 = vector.load %arg1[%get3A, %get3A_0, %get3A_1] : memref<2x512x128xf32, #tpu.memory_space<vmem>>, vector<2x512x128xf32>
    %get3A_3 = arith.constant 0 : index
    %get3A_4 = arith.constant 0 : index
    %get3A_5 = vector.load %arg2[%get3A_3, %get3A_4] : memref<512x128xf32, #tpu.memory_space<vmem>>, vector<512x128xf32>
    %slice3A = vector.extract_strided_slice %get3A_2 {offsets = [0, 0, 0], sizes = [1, 512, 128], strides = [1, 1, 1]} : vector<2x512x128xf32> to vector<1x512x128xf32>
    %squeeze3A = vector.shape_cast %slice3A : vector<1x512x128xf32> to vector<512x128xf32>
    %mul3A = arith.mulf %squeeze3A, %get3A_5 : vector<512x128xf32>
    %get3A_6 = arith.constant 0 : index
    %get3A_7 = arith.constant 0 : index
    %get3A_8 = vector.load %arg3[%get3A_6, %get3A_7] : memref<1x256xf32, #tpu.memory_space<vmem>>, vector<1x128xf32>
    %add3A = vector.broadcast %get3A_8 : vector<1x128xf32> to vector<512x128xf32>
    %add3A_9 = arith.addf %mul3A, %add3A : vector<512x128xf32>
    %max3A = arith.constant 0.000000e+00 : f32
    %max3A_10 = vector.broadcast %max3A : f32 to vector<512x128xf32>
    %max3A_11 = arith.maximumf %add3A_9, %max3A_10 : vector<512x128xf32>
    %slice3A_12 = vector.extract_strided_slice %get3A_2 {offsets = [1, 0, 0], sizes = [1, 512, 128], strides = [1, 1, 1]} : vector<2x512x128xf32> to vector<1x512x128xf32>
    %squeeze3A_13 = vector.shape_cast %slice3A_12 : vector<1x512x128xf32> to vector<512x128xf32>
    %mul3A_14 = arith.mulf %squeeze3A_13, %get3A_5 : vector<512x128xf32>
    %get3A_15 = arith.constant 0 : index
    %get3A_16 = arith.constant 128 : index
    %get3A_17 = vector.load %arg3[%get3A_15, %get3A_16] : memref<1x256xf32, #tpu.memory_space<vmem>>, vector<1x128xf32>
    %add3A_18 = vector.broadcast %get3A_17 : vector<1x128xf32> to vector<512x128xf32>
    %add3A_19 = arith.addf %mul3A_14, %add3A_18 : vector<512x128xf32>
    %max3A_20 = arith.constant 0.000000e+00 : f32
    %max3A_21 = vector.broadcast %max3A_20 : f32 to vector<512x128xf32>
    %max3A_22 = arith.maximumf %add3A_19, %max3A_21 : vector<512x128xf32>
    %concatenate3A = tpu.concatenate %max3A_11, %max3A_22 in 1 : vector<512x128xf32>, vector<512x128xf32> -> vector<512x256xf32>
    %get3A_23 = arith.constant 0 : index
    %get3A_24 = arith.constant 0 : index
    %get3A_25 = vector.load %arg4[%get3A_23, %get3A_24] : memref<256x256xf32, #tpu.memory_space<vmem>>, vector<256x256xf32>
    %dot_general3A = arith.constant dense<0.000000e+00> : vector<512x256xf32>
    %dot_general3A_26 = tpu.matmul %concatenate3A, %get3A_25, %dot_general3A {dimension_numbers = #tpu.dot_dimension_numbers<[1], [0], [0], [1], [0, 0, 1, 1], [], []>, transpose_lhs_hint = false} : vector<512x256xf32>, vector<256x256xf32>, vector<512x256xf32> -> vector<512x256xf32>
    %slice3A_27 = vector.extract_strided_slice %dot_general3A_26 {offsets = [0, 0], sizes = [512, 128], strides = [1, 1]} : vector<512x256xf32> to vector<512x128xf32>
    %mul3A_28 = arith.mulf %slice3A_27, %get3A_5 : vector<512x128xf32>
    %swap3A = arith.constant 0 : index
    %swap3A_29 = arith.constant 0 : index
    %swap3A_30 = arith.constant 0 : index
    %swap3A_31 = vector.load %arg5[%swap3A, %swap3A_29, %swap3A_30] : memref<2x512x128xf32, #tpu.memory_space<vmem>>, vector<1x512x128xf32>
    %swap3A_32 = vector.shape_cast %swap3A_31 : vector<1x512x128xf32> to vector<512x128xf32>
    %swap3A_33 = vector.shape_cast %mul3A_28 : vector<512x128xf32> to vector<1x512x128xf32>
    tpu.vector_store %arg5[%swap3A, %swap3A_29, %swap3A_30], %swap3A_33 {strides = array<i32>} : memref<2x512x128xf32, #tpu.memory_space<vmem>>, vector<1x512x128xf32>,
    %slice3A_34 = vector.extract_strided_slice %dot_general3A_26 {offsets = [0, 128], sizes = [512, 128], strides = [1, 1]} : vector<512x256xf32> to vector<512x128xf32>
    %mul3A_35 = arith.mulf %slice3A_34, %get3A_5 : vector<512x128xf32>
    %swap3A_36 = arith.constant 1 : index
    %swap3A_37 = arith.constant 0 : index
    %swap3A_38 = arith.constant 0 : index
    %swap3A_39 = vector.load %arg5[%swap3A_36, %swap3A_37, %swap3A_38] : memref<2x512x128xf32, #tpu.memory_space<vmem>>, vector<1x512x128xf32>
    %swap3A_40 = vector.shape_cast %swap3A_39 : vector<1x512x128xf32> to vector<512x128xf32>
    %swap3A_41 = vector.shape_cast %mul3A_35 : vector<512x128xf32> to vector<1x512x128xf32>
    tpu.vector_store %arg5[%swap3A_36, %swap3A_37, %swap3A_38], %swap3A_41 {strides = array<i32>} : memref<2x512x128xf32, #tpu.memory_space<vmem>>, vector<1x512x128xf32>,
    return
  }
  func.func @transform_0(%arg0: i32) -> (i32, i32, i32) {
    %c0_i32 = arith.constant 0 : i32
    %c0_i32_0 = arith.constant 0 : i32
    %c0_i32_1 = arith.constant 0 : i32
    return %c0_i32, %arg0, %c0_i32_0 : i32, i32, i32
  }
  func.func @transform_1(%arg0: i32) -> (i32, i32) {
    %c0_i32 = arith.constant 0 : i32
    %c0_i32_0 = arith.constant 0 : i32
    return %arg0, %c0_i32 : i32, i32
  }
  func.func @transform_2(%arg0: i32) -> (i32, i32) {
    %c0_i32 = arith.constant 0 : i32
    %c0_i32_0 = arith.constant 0 : i32
    %c0_i32_1 = arith.constant 0 : i32
    return %c0_i32, %c0_i32_0 : i32, i32
  }
  func.func @transform_3(%arg0: i32) -> (i32, i32) {
    %c0_i32 = arith.constant 0 : i32
    %c0_i32_0 = arith.constant 0 : i32
    %c0_i32_1 = arith.constant 0 : i32
    return %c0_i32, %c0_i32_0 : i32, i32
  }
  func.func @transform_4(%arg0: i32) -> (i32, i32, i32) {
    %c0_i32 = arith.constant 0 : i32
    %c0_i32_0 = arith.constant 0 : i32
    %c0_i32_1 = arith.constant 0 : i32
    return %c0_i32, %arg0, %c0_i32_0 : i32, i32, i32
  }
}

module attributes {stable_mosaic.version = 14 : i64} {
  func.func @_tc3_body(%arg0: i32, %arg1: memref<2x1000x128xf32, #tpu.memory_space<vmem>>, %arg2: memref<1000x128xf32, #tpu.memory_space<vmem>>, %arg3: memref<1x256xf32, #tpu.memory_space<vmem>>, %arg4: memref<1000x256xf32, #tpu.memory_space<vmem>>) attributes {dimension_semantics = [#tpu.dimension_semantics<arbitrary>], iteration_bounds = array<i64: 10>, scalar_prefetch = 0 : i64, scratch_operands = 0 : i64, tpu.core_type = #tpu.core_type<tc>, window_params = [{transform_indices = @transform_0, window_bounds = array<i64: 2, 1000, 128>}, {transform_indices = @transform_1, window_bounds = array<i64: 1000, 128>}, {pipeline_mode = #tpu.pipeline_mode<synchronous>, transform_indices = @transform_2, window_bounds = array<i64: 1, 256>}, {transform_indices = @transform_3, window_bounds = array<i64: 1000, 256>}]} {
    %get3A = arith.constant 0 : index
    %get3A_0 = arith.constant 0 : index
    %get3A_1 = arith.constant 0 : index
    %get3A_2 = vector.load %arg1[%get3A, %get3A_0, %get3A_1] : memref<2x1000x128xf32, #tpu.memory_space<vmem>>, vector<2x1000x128xf32>
    %get3A_3 = arith.constant 0 : index
    %get3A_4 = arith.constant 0 : index
    %get3A_5 = vector.load %arg2[%get3A_3, %get3A_4] : memref<1000x128xf32, #tpu.memory_space<vmem>>, vector<1000x128xf32>
    %slice3A = vector.extract_strided_slice %get3A_2 {offsets = [0, 0, 0], sizes = [1, 1000, 128], strides = [1, 1, 1]} : vector<2x1000x128xf32> to vector<1x1000x128xf32>
    %squeeze3A = vector.shape_cast %slice3A : vector<1x1000x128xf32> to vector<1000x128xf32>
    %mul3A = arith.mulf %squeeze3A, %get3A_5 : vector<1000x128xf32>
    %get3A_6 = arith.constant 0 : index
    %get3A_7 = arith.constant 0 : index
    %get3A_8 = vector.load %arg3[%get3A_6, %get3A_7] : memref<1x256xf32, #tpu.memory_space<vmem>>, vector<1x128xf32>
    %add3A = vector.broadcast %get3A_8 : vector<1x128xf32> to vector<1000x128xf32>
    %add3A_9 = arith.addf %mul3A, %add3A : vector<1000x128xf32>
    %slice3A_10 = vector.extract_strided_slice %get3A_2 {offsets = [1, 0, 0], sizes = [1, 1000, 128], strides = [1, 1, 1]} : vector<2x1000x128xf32> to vector<1x1000x128xf32>
    %squeeze3A_11 = vector.shape_cast %slice3A_10 : vector<1x1000x128xf32> to vector<1000x128xf32>
    %mul3A_12 = arith.mulf %squeeze3A_11, %get3A_5 : vector<1000x128xf32>
    %get3A_13 = arith.constant 0 : index
    %get3A_14 = arith.constant 128 : index
    %get3A_15 = vector.load %arg3[%get3A_13, %get3A_14] : memref<1x256xf32, #tpu.memory_space<vmem>>, vector<1x128xf32>
    %add3A_16 = vector.broadcast %get3A_15 : vector<1x128xf32> to vector<1000x128xf32>
    %add3A_17 = arith.addf %mul3A_12, %add3A_16 : vector<1000x128xf32>
    %reduce_max3A = arith.constant dense<0xFF800000> : vector<1000xf32>
    %reduce_max3A_18 = vector.multi_reduction <maximumf>, %add3A_9, %reduce_max3A [1] : vector<1000x128xf32> to vector<1000xf32>
    %broadcast_in_dim3A = vector.shape_cast %reduce_max3A_18 : vector<1000xf32> to vector<1000x1xf32>
    %reduce_max3A_19 = arith.constant dense<0xFF800000> : vector<1000xf32>
    %reduce_max3A_20 = vector.multi_reduction <maximumf>, %add3A_17, %reduce_max3A_19 [1] : vector<1000x128xf32> to vector<1000xf32>
    %broadcast_in_dim3A_21 = vector.shape_cast %reduce_max3A_20 : vector<1000xf32> to vector<1000x1xf32>
    %max3A = arith.maximumf %broadcast_in_dim3A, %broadcast_in_dim3A_21 : vector<1000x1xf32>
    %sub3A = vector.broadcast %max3A : vector<1000x1xf32> to vector<1000x128xf32>
    %sub3A_22 = arith.subf %add3A_9, %sub3A : vector<1000x128xf32>
    %exp3A = math.exp %sub3A_22 : vector<1000x128xf32>
    %reduce_sum3A = arith.constant dense<0.000000e+00> : vector<1000xf32>
    %reduce_sum3A_23 = vector.multi_reduction <add>, %exp3A, %reduce_sum3A [1] : vector<1000x128xf32> to vector<1000xf32>
    %broadcast_in_dim3A_24 = vector.shape_cast %reduce_sum3A_23 : vector<1000xf32> to vector<1000x1xf32>
    %sub3A_25 = vector.broadcast %max3A : vector<1000x1xf32> to vector<1000x128xf32>
    %sub3A_26 = arith.subf %add3A_17, %sub3A_25 : vector<1000x128xf32>
    %exp3A_27 = math.exp %sub3A_26 : vector<1000x128xf32>
    %reduce_sum3A_28 = arith.constant dense<0.000000e+00> : vector<1000xf32>
    %reduce_sum3A_29 = vector.multi_reduction <add>, %exp3A_27, %reduce_sum3A_28 [1] : vector<1000x128xf32> to vector<1000xf32>
    %broadcast_in_dim3A_30 = vector.shape_cast %reduce_sum3A_29 : vector<1000xf32> to vector<1000x1xf32>
    %add3A_31 = arith.addf %broadcast_in_dim3A_24, %broadcast_in_dim3A_30 : vector<1000x1xf32>
    %log3A = math.log %add3A_31 : vector<1000x1xf32>
    %add3A_32 = arith.addf %log3A, %max3A : vector<1000x1xf32>
    %sub3A_33 = vector.broadcast %add3A_32 : vector<1000x1xf32> to vector<1000x128xf32>
    %sub3A_34 = arith.subf %add3A_9, %sub3A_33 : vector<1000x128xf32>
    %swap3A = arith.constant 0 : index
    %swap3A_35 = arith.constant 0 : index
    %swap3A_36 = vector.load %arg4[%swap3A, %swap3A_35] : memref<1000x256xf32, #tpu.memory_space<vmem>>, vector<1000x128xf32>
    tpu.vector_store %arg4[%swap3A, %swap3A_35], %sub3A_34 {strides = array<i32>} : memref<1000x256xf32, #tpu.memory_space<vmem>>, vector<1000x128xf32>,
    %sub3A_37 = vector.broadcast %add3A_32 : vector<1000x1xf32> to vector<1000x128xf32>
    %sub3A_38 = arith.subf %add3A_17, %sub3A_37 : vector<1000x128xf32>
    %swap3A_39 = arith.constant 0 : index
    %swap3A_40 = arith.constant 128 : index
    %swap3A_41 = vector.load %arg4[%swap3A_39, %swap3A_40] : memref<1000x256xf32, #tpu.memory_space<vmem>>, vector<1000x128xf32>
    tpu.vector_store %arg4[%swap3A_39, %swap3A_40], %sub3A_38 {strides = array<i32>} : memref<1000x256xf32, #tpu.memory_space<vmem>>, vector<1000x128xf32>,
    return
  }
  func.func @transform_0(%arg0: i32) -> (i32, i32, i32) {
    %c0_i32 = arith.constant 0 : i32
    %c0_i32_0 = arith.constant 0 : i32
    %c0_i32_1 = arith.constant 0 : i32
    return %c0_i32, %arg0, %c0_i32_0 : i32, i32, i32
  }
  func.func @transform_1(%arg0: i32) -> (i32, i32) {
    %c0_i32 = arith.constant 0 : i32
    %c0_i32_0 = arith.constant 0 : i32
    return %arg0, %c0_i32 : i32, i32
  }
  func.func @transform_2(%arg0: i32) -> (i32, i32) {
    %c0_i32 = arith.constant 0 : i32
    %c0_i32_0 = arith.constant 0 : i32
    %c0_i32_1 = arith.constant 0 : i32
    return %c0_i32, %c0_i32_0 : i32, i32
  }
  func.func @transform_3(%arg0: i32) -> (i32, i32) {
    %c0_i32 = arith.constant 0 : i32
    %c0_i32_0 = arith.constant 0 : i32
    return %arg0, %c0_i32 : i32, i32
  }
}

</mosaic_0001>

<sc_bundles>
// kernel: kernel.11.cloned.1.call-start
scs
__scs_entry_jumppad:
0x0: {  	(pc) =	sbr.rel $0x88, $3  }
0x1: {  	(tag) =	ssettag $0x0;
	lr =	simm.s32 $0x1  }
0x2: {  	[smem:$0x3F9B] =	sst lr;
	_ =	strace $0xD0000000  }
0x3: {  	_ = 	snop  }
0x4: {  	_ = 	snop  }
0x5: {  	_ = 	snop  }
0x6: {  	_ = 	snop  }
0x7: {  	_ = 	snop  }
__scs_overlays_trampoline_lowered:
0x8: {  	[smem:$0x3FAA] =	sst s0  }
0x9: {  	[smem:$0x3FAB] =	sst s1  }
0xa: {  	[smem:$0x3FAC] =	sst s2  }
0xb: {  	[smem:$0x3FAD] =	sst s3  }
0xc: {  	[smem:$0x3FAE] =	sst s4  }
0xd: {  	[smem:$0x3FAF] =	sst s5  }
0xe: {  	[smem:$0x3FB0] =	sst s6  }
0xf: {  	[smem:$0x3FB1] =	sst s7  }
0x10: {  	[smem:$0x3FB2] =	sst s8  }
0x11: {  	[smem:$0x3FB3] =	sst s9;
	s0 =	simm.s32 @!p0 $0x0  }
0x12: {  	s1 =	sld [smem:$0x3F99];
	s0 =	simm.s32 @p0 $0x1  }
0x13: {  	[smem:$0x3FB4] =	sst s0;
	s0 =	simm.s32 @!p1 $0x0  }
0x14: {  	s2 =	sld [smem:$0x3F98];
	s0 =	simm.s32 @p1 $0x1  }
0x15: {  	[smem:$0x3FB5] =	sst s0;
	s0 =	simm.s32 @!p2 $0x0  }
0x16: {  	s3 =	sld [smem:$0x3FDB];
	s0 =	simm.s32 @p2 $0x1  }
0x17: {  	s4 =	simm.s32 $0x1BF5;
	[smem:$0x3FB7] =	sst s0  }
0x18: {  	s0 =	sld [smem:$0x3F9A];
	_ =	swait.ge [sflag:s4], $0x0  }
0x19: {  	s7 =	sld [smem:$0x3F9B]  }
0x1a: {  	s8 =	sadd.s32 $0xFFFFE003, lr  }
0x1b: {  	s9 =	sadd.s32 $0xFFFFFEF7, lr;
	s5 =	simm.s32 $0xFFFFFFFF;
	p2 =	slt.u32 s8, $0xFFFFF086  }
0x1c: {  	p1 =	slt.u32 s9, $0xF7A;
	s5 =	simm.s32 @!p2 $0x0  }
0x1d: {  	s5 =	simm.s32 @p1 $0x1;
	p0 =	seq.s32 s7, s2  }
0x1e: {  	s7 =	smul.u32 @!p0 $0xF7A, s2;
	p2 =	seq.s32 @!p0 s5, $0x0  }
0x1f: {  	s9 =	smul.u32 $0xF7A, s1;
	s8 =	simm.s32 @!p0 $0x1BF5;
	p2 =	por !p2, p0  }
0x20: {  	[sflag:s8] =	ssyncset.s32 @!p0 $0xFFFFF086;
	s6 =	sadd.s32 @!p0 s3, s7;
	s7 =	simm.s32 @!p0 $0x108  }
0x21: {  	s3 =	sadd.s32 s3, s9;
	s6 =	sadd.s32 @!p0 $0x88, s6;
	s7 =	simm.s32 @p2 $0x1082  }
0x22: {  	[simem:s7], [sflag:s8] =	dma.local @!p0 [hbm:s6], $0xF7A  }
0x23: {  	s9 =	sor.u32 $0xD0000000, s2;
	s6 =	simm.s32 $0x108;
	_ =	swait.ge @!p0 [sflag:s8], $0x0  }
0x24: {  	s3 =	sadd.s32 $0x88, s3;
	s6 =	simm.s32 @!p1 $0x1082;
	[sflag:s4] =	ssyncset.s32 $0xFFFFF086  }
0x25: {  	[simem:s6], [sflag:s4] =	dma.local [hbm:s3], $0xF7A  }
0x26: {  	[smem:$0x3F9B] =	sst s1;
	(tag) =	ssettag s2;
	_ =	strace s9  }
0x27: {  	s1 =	sld [smem:$0x3FAB]  }
0x28: {  	s2 =	sld [smem:$0x3FAC]  }
0x29: {  	s4 =	sld [smem:$0x3FAE]  }
0x2a: {  	p0 =	seq.s32 s5, $0x0;
	s5 =	sld [smem:$0x3FAF]  }
0x2b: {  	s6 =	sld [smem:$0x3FB0]  }
0x2c: {  	s7 =	sld [smem:$0x3FB1]  }
0x2d: {  	s3 =	simm.s32 $0x108;
	s8 =	sld [smem:$0x3FB2]  }
0x2e: {  	s3 =	simm.s32 @!p0 $0x1082;
	s9 =	sld [smem:$0x3FB3]  }
0x2f: {  	lr =	sadd.s32 s0, s3;
	s0 =	sld [smem:$0x3FAA]  }
0x30: {  	s3 =	sld [smem:$0x3FAD]  }
0x31: {  	[smem:$0x3FB6] =	sst s10  }
0x32: {  	s10 =	sld [smem:$0x3FB4];
	_ =	sdelay $0x3  }
0x33: {  	p0 =	seq.s32 s10, $0x1;
	s10 =	sld [smem:$0x3FB6];
	_ =	sdelay $0x3  }
0x34: {  	[smem:$0x3FB6] =	sst s10  }
0x35: {  	s10 =	sld [smem:$0x3FB5];
	_ =	sdelay $0x3  }
0x36: {  	p1 =	seq.s32 s10, $0x1;
	s10 =	sld [smem:$0x3FB6];
	_ =	sdelay $0x3  }
0x37: {  	[smem:$0x3FB6] =	sst s10  }
0x38: {  	s10 =	sld [smem:$0x3FB7]  }
0x39: {  	_ = 	snop;
	(pc) =	sbr.ind lr, $3  }
0x3a: {  	_ = 	snop  }
0x3b: {  	_ = 	snop  }
0x3c: {  	p2 =	seq.s32 s10, $0x1;
	s10 =	sld [smem:$0x3FB6]  }
0x3d: {  	_ =	shalt  }
0x3e: {  	_ =	shalt  }
0x3f: {  	_ =	shalt  }
0x40: {  	_ =	shalt  }
0x41: {  	_ =	shalt  }
0x42: {  	_ =	shalt  }
0x43: {  	_ =	shalt  }
0x44: {  	_ =	shalt  }
0x45: {  	_ =	shalt  }
0x46: {  	_ =	shalt  }
0x47: {  	_ =	shalt  }
0x48: {  	_ =	shalt  }
0x49: {  	_ =	shalt  }
0x4a: {  	_ =	shalt  }
0x4b: {  	_ =	shalt  }
0x4c: {  	_ =	shalt  }
0x4d: {  	_ =	shalt  }
0x4e: {  	_ =	shalt  }
0x4f: {  	_ =	shalt  }
0x50: {  	_ =	shalt  }
0x51: {  	_ =	shalt  }
0x52: {  	_ =	shalt  }
0x53: {  	_ =	shalt  }
0x54: {  	_ =	shalt  }
0x55: {  	_ =	shalt  }
0x56: {  	_ =	shalt  }
0x57: {  	_ =	shalt  }
0x58: {  	_ =	shalt  }
0x59: {  	_ =	shalt  }
0x5a: {  	_ =	shalt  }
0x5b: {  	_ =	shalt  }
0x5c: {  	_ =	shalt  }
0x5d: {  	_ =	shalt  }
0x5e: {  	_ =	shalt  }
0x5f: {  	_ =	shalt  }
0x60: {  	_ =	shalt  }
0x61: {  	_ =	shalt  }
0x62: {  	_ =	shalt  }
0x63: {  	_ =	shalt  }
0x64: {  	_ =	shalt  }
0x65: {  	_ =	shalt  }
0x66: {  	_ =	shalt  }
0x67: {  	_ =	shalt  }
0x68: {  	_ =	shalt  }
0x69: {  	_ =	shalt  }
0x6a: {  	_ =	shalt  }
0x6b: {  	_ =	shalt  }
0x6c: {  	_ =	shalt  }
0x6d: {  	_ =	shalt  }
0x6e: {  	_ =	shalt  }
0x6f: {  	_ =	shalt  }
0x70: {  	_ =	shalt  }
0x71: {  	_ =	shalt  }
0x72: {  	_ =	shalt  }
0x73: {  	_ =	shalt  }
0x74: {  	_ =	shalt  }
0x75: {  	_ =	shalt  }
0x76: {  	_ =	shalt  }
0x77: {  	_ =	shalt  }
0x78: {  	_ =	shalt  }
0x79: {  	_ =	shalt  }
0x7a: {  	_ =	shalt  }
0x7b: {  	_ =	shalt  }
0x7c: {  	_ =	shalt  }
0x7d: {  	_ =	shalt  }
0x7e: {  	_ =	shalt  }
0x7f: {  	_ =	shalt  }
0x80: {  	_ =	shalt  }
0x81: {  	_ =	shalt  }
0x82: {  	_ =	shalt  }
0x83: {  	_ =	shalt  }
0x84: {  	_ =	shalt  }
0x85: {  	_ =	shalt  }
0x86: {  	_ =	shalt  }
0x87: {  	_ =	shalt  }
.Lfunc_end0:
.L_simem_size_0:
called_computation.1_lowered:
.L_overlay_start_0:
0x88: {  	s2 =	sld [smem:$0x3FD9]  }
0x89: {  	s3 =	sld [smem:$0x3FFE];
	_ =	sdelay $0x1  }
0x8a: {  	s1 =	srdreg.scid  }
0x8b: {  	s0 =	sand.u32 $0x1, s1  }
0x8c: {  	s16 =	sshll.u32 s0, $0xA;
	s2 =	sadd.s32 s3, s2  }
0x8d: {  	s2 =	sadd.s32 s2, s16  }
0x8e: {  	[smem:$0x3FC2] =	sst s2  }
0x8f: {  	_ = 	snop  }
0x90: {  	(tm) =	ssettm $0x1  }
0x91: {  	s17 =	sld [smem:$0x3FFB];
	_ =	sdelay $0x3  }
0x92: {  	_ =	strace s17  }
0x93: {  	s2 =	sld [smem:$0x3FFC];
	_ =	sdelay $0x3  }
0x94: {  	_ =	strace s2  }
0x95: {  	s2 =	sld [smem:$0x3FFD];
	_ =	sdelay $0x3  }
0x96: {  	_ =	strace s2  }
0x97: {  	_ =	strace $0x8FFFFFFF  }
0x98: {  	s18 =	sld [smem:$0x3FDB];
	_ =	sdelay $0x1  }
0x99: {  	s19 =	simm.s32 $_scs_section_size  }
0x9a: {  	s4 =	simm.s32 $_size__tile_overlayer_lowered;
	s5 =	simm.s32 $_tile_overlayer_lowered  }
0x9b: {  	s22 =	simm.s32 $0x1BFF;
	s21 =	sshll.u32 s5, $0x1;
	s2 =	sadd.s32 s19, s18  }
0x9c: {  	s6 =	simm.s32 $0x0;
	s20 =	sshll.u32 s4, $0x1;
	s4 =	sadd.s32 s21, s2  }
0x9d: {  	[timem:s6], [sflag:s22] =	dma.local [hbm:s4], s20  }
0x9e: {  	_ =	swait.ge [sflag:s22], s20  }
0x9f: {  	s3 =	ssub.s32 $0x0, s20;
	[sflag:s22] =	ssyncset.done $0x0  }
0xa0: {  	[sflag:s22] =	ssyncadd.s32 s3;
	_ =	sdelay $0x1  }
0xa1: {  	s23 =	simm.s32 $0x1B8B  }
0xa2: {  	_ =	swait.ge [sflag:s23], $0x1  }
0xa3: {  	[sflag:s23] =	ssyncset.done $0x0  }
0xa4: {  	s25 =	simm.s32 $0x1B8E;
	s24 =	sld [smem:$0x3FFE];
	[sflag:s23] =	ssyncadd.s32 $0xFFFFFFFF  }
0xa5: {  	s26 =	simm.s32 $execute0_lowered;
	[smem:$0x3FD2] =	sst s25  }
0xa6: {  	s4 =	sshll.u32 s26, $0x1;
	_ =	strace $0x80000049;
	[dreg:$0x1] =	wrdreg $0xFFFFFFFF  }
0xa7: {  	s28 =	simm.s32 $_size_execute0_lowered;
	s2 =	sadd.s32 s2, s4;
	[dreg:$0x0] =	wrdreg $0x0  }
0xa8: {  	s4 =	sshll.u32 s28, $0x1;
	[dreg:$0x2] =	wrdreg s2  }
0xa9: {  	[dreg:$0x3] =	wrdreg s4  }
0xaa: {  	[dreg:$0x4] =	wrdreg $0xC0  }
0xab: {  	_ =	task [dreg:s6], $0x5FFFF  }
0xac: {  	[dreg:$0x1] =	wrdreg $0xFFFFFFFF  }
0xad: {  	[dreg:$0x0] =	wrdreg $0x60  }
0xae: {  	[dreg:$0x2] =	wrdreg s24  }
0xaf: {  	[dreg:$0x3] =	wrdreg $0xA8000  }
0xb0: {  	[dreg:$0x4] =	wrdreg $0x9  }
0xb1: {  	_ =	task.clear_ibuf [dreg:s6], $0x5FFFF;
	_ =	strace $0x90000049  }
0xb2: {  	s29 =	simm.s32 $0x9;
	_ =	strace $0x8000004B  }
0xb3: {  	_ =	swait.ge [sflag:s29], $0x1  }
0xb4: {  	[sflag:s29] =	ssyncadd.s32 $0xFFFFFFFF  }
0xb5: {  	_ =	strace $0x9000004B  }
0xb6: {  	_ =	sfence  }
0xb7: {  	s30 =	sld [smem:$0x0];
	_ =	sdelay $0x2  }
0xb8: {  	s31 =	sshll.u32 s1, $0xD;
	s1 =	sshrl.u32 s1, $0x2  }
0xb9: {  	s3 =	sand.u32 $0x4000, s31;
	s1 =	sadd.s32 s1, s30  }
0xba: {  	s0 =	sor.u32 s3, s0;
	s1 =	sshll.u32 s1, $0x11  }
0xbb: {  	s0 =	sor.u32 s1, s0  }
0xbc: {  	s0 =	sadd.s32 $0x8F2B, s0  }
0xbd: {  	[sflag:s0] =	ssyncadd.remote.s32 $0x1  }
0xbe: {  	_ =	sfence.sel $0xFFFF  }
0xbf: {  	[dreg:$0x0] =	wrdreg $0xFFFFFFFF;
	(pc) =	sbr.abs _section_cstart, $3  }
0xc0: {  	[dreg:$0x1] =	wrdreg $0xFFFFFFFF  }
0xc1: {  	_ =	task.clear_ibuf [dreg:s6], $0x2FFFF;
	_ =	strace $0x9FFFFFFF  }
0xc2: {  	(tm) =	ssettm $0x7FFFFFFF  }
0xc3: {  	_ =	shalt  }
tec
execute0_lowered:
.L_overlay_start_1:
0x0: {  	(tag) =	ssettag $0x1  }
0x1: {  	s0 =	rddreg [dreg:$0x0];
	s1 =	srdreg.scid  }
0x2: {  	s2 =	rddreg [dreg:$0x1];
	s10 =	stileid.u32;
	s5 =	simm.s32 $0x0  }
0x3: {  	s13 =	simm.s32 $0x6;
	s14 =	simm.s32 $0x40;
	s15 =	simm.s32 $0x2800  }
0x4: {  	s16 =	simm.s32 $0xC0;
	s17 =	simm.s32 $0x4800;
	s18 =	simm.s32 $0x140  }
0x5: {  	s19 =	simm.s32 $0x6800;
	s20 =	simm.s32 $0x1C0;
	s4 =	smul.u32 $0x5000, s10  }
0x6: {  	s21 =	simm.s32 $0x8800;
	s22 =	simm.s32 $0x5;
	s6 =	smul.u32 $0x14000, s10  }
0x7: {  	s23 =	simm.s32 $0x1;
	s28 =	simm.s32 $0x2600;
	s7 =	smul.u32 $0x50000, s10  }
0x8: {  	s29 =	simm.s32 $0x2680;
	s1 =	sand.u32 $0x1, s1;
	s9 =	smul.u32 $0x2800, s10  }
0x9: {  	s30 =	simm.s32 $0x2700;
	s31 =	simm.s32 $0x2780;
	s3 =	smul.u32 $0x50000, s1  }
0xa: {  	[smem:$0x7FF] =	sst s5;
	s24 =	smul.u32 $0x140000, s1;
	s25 =	ssub.s32 $0x2, s1  }
0xb: {  	_ =	strace $0x8000004A;
	s1 =	smul.u32 $0x28000, s1;
	s8 =	sshrl.u32 s25, $0x1  }
0xc: {  	s26 =	sshrl.u32 s7, $0x2;
	s3 =	sadd.s32 s4, s3;
	s4 =	sadd.s32 $0x2400, s0  }
0xd: {  	s5 =	sadd.s32 s6, s24;
	s11 =	ssub.s32 s25, s8;
	s1 =	sadd.s32 s9, s1  }
0xe: {  	s12 =	sadd.s32 s26, s2;
	s24 =	simm.s32 $0x2;
	s25 =	simm.s32 $0x3  }
0xf: {  	s26 =	simm.s32 $0x4;
	s3 =	sshrl.u32 s3, $0x3;
	s5 =	sshrl.u32 s5, $0x3  }
0x10: {  	s1 =	sadd.s32 s4, s1;
	s11 =	smax.u32 s11, $0x1;
	s12 =	sshrl.u32 s12, $0x3  }
0x11: {  	s3 =	sadd.s32 s3, s0;
	s0 =	sadd.s32 s5, s0;
	s5 =	sshll.u32 s10, $0x6  }
0x12: {  	[dreg:$0x3] =	wrdreg s1;
	s7 =	sor.u32 $0x1C05, s5;
	s8 =	sadd.s32 $0xAC400, s3  }
0x13: {  	s9 =	sadd.s32 $0xAC900, s3;
	s10 =	sadd.s32 $0x52400, s0;
	s0 =	simm.s32 $0x0  }
.LBB2_1:
0x14: {  	s1 =	rddreg [dreg:$0x3];
	s3 =	simm.s32 $0x0  }
0x15: {  	[spmem:s12], [sflag:s7] =	dma.local [hbm:s1], $0x2800  }
0x16: {  	[tilespmem:s3], [sflag:$0x6] =	stream.linear.gather [hbm4b:s8+s3], $0x2800, $0x38;
	[tilespmem:$0x1E800] =	vst v63  }
0x17: {  	_ =	swait.ge [sflag:s13], $0x2800  }
0x18: {  	[sflag:s13] =	ssyncset.done $0x0  }
0x19: {  	[sflag:s13] =	ssyncadd.s32 $0xFFFFD800  }
0x1a: {  	[tilespmem:s15], [sflag:$0x1] =	stream.indirect.gather [hbm4b:s4+s14], $0x80, s14, s14, $0xb8;
	[tilespmem:$0x1E800] =	vst v63  }
0x1b: {  	_ = 	snop  }
0x1c: {  	[tilespmem:s17], [sflag:$0x2] =	stream.indirect.gather [hbm4b:s4+s14], $0x80, s16, s14, $0xb8;
	[tilespmem:$0x1E800] =	vst v63  }
0x1d: {  	_ = 	snop  }
0x1e: {  	[tilespmem:s19], [sflag:$0x3] =	stream.indirect.gather [hbm4b:s4+s14], $0x80, s18, s14, $0xb8;
	[tilespmem:$0x1E800] =	vst v63  }
0x1f: {  	_ = 	snop  }
0x20: {  	[tilespmem:s21], [sflag:$0x4] =	stream.indirect.gather [hbm4b:s4+s14], $0x80, s20, s14, $0xb8;
	[tilespmem:$0x1E800] =	vst v63  }
0x21: {  	_ =	swait.ge [sflag:s22], $0x2800  }
0x22: {  	[sflag:s22] =	ssyncset.done $0x0  }
0x23: {  	[sflag:s22] =	ssyncadd.s32 $0xFFFFD800  }
0x24: {  	[bflag:$0x0] =	sbarrier.arrive $0xFFFF  }
0x25: {  	_ =	swait.ge [sflag:s23], $0x2000  }
0x26: {  	[sflag:s23] =	ssyncset.done $0x0  }
0x27: {  	s6 =	simm.s32 $0x0;
	[sflag:s23] =	ssyncadd.s32 $0xFFFFE000  }
0x28: {  	[spmem:s2] =	stream.indirect.scatter.add.f32 [tilespmem:s15], [sflag:$0x6], $0x80, s6, s14, $0xb8;
	[tilespmem:$0x1E800] =	vst v63  }
0x29: {  	_ =	swait.ge [sflag:s13], $0x2000  }
0x2a: {  	[sflag:s13] =	ssyncset.done $0x0  }
0x2b: {  	s3 =	simm.s32 $0x240;
	[sflag:s13] =	ssyncadd.s32 $0xFFFFE000  }
0x2c: {  	[tilespmem:s15], [sflag:$0x1] =	stream.indirect.gather [hbm4b:s4+s14], $0x80, s3, s14, $0xb8;
	[tilespmem:$0x1E800] =	vst v63  }
0x2d: {  	_ =	swait.ge [sflag:s24], $0x2000  }
0x2e: {  	[sflag:s24] =	ssyncset.done $0x0  }
0x2f: {  	s6 =	simm.s32 $0x80;
	[sflag:s24] =	ssyncadd.s32 $0xFFFFE000  }
0x30: {  	[spmem:s2] =	stream.indirect.scatter.add.f32 [tilespmem:s17], [sflag:$0x6], $0x80, s6, s14, $0xb8;
	[tilespmem:$0x1E800] =	vst v63  }
0x31: {  	_ =	swait.ge [sflag:s13], $0x2000  }
0x32: {  	[sflag:s13] =	ssyncset.done $0x0  }
0x33: {  	s3 =	simm.s32 $0x2C0;
	[sflag:s13] =	ssyncadd.s32 $0xFFFFE000  }
0x34: {  	[tilespmem:s17], [sflag:$0x2] =	stream.indirect.gather [hbm4b:s4+s14], $0x80, s3, s14, $0xb8;
	[tilespmem:$0x1E800] =	vst v63  }
0x35: {  	_ =	swait.ge [sflag:s25], $0x2000  }
0x36: {  	[sflag:s25] =	ssyncset.done $0x0  }
0x37: {  	s6 =	simm.s32 $0x100;
	[sflag:s25] =	ssyncadd.s32 $0xFFFFE000  }
0x38: {  	[spmem:s2] =	stream.indirect.scatter.add.f32 [tilespmem:s19], [sflag:$0x6], $0x80, s6, s14, $0xb8;
	[tilespmem:$0x1E800] =	vst v63  }
0x39: {  	_ =	swait.ge [sflag:s13], $0x2000  }
0x3a: {  	[sflag:s13] =	ssyncset.done $0x0  }
0x3b: {  	s3 =	simm.s32 $0x340;
	[sflag:s13] =	ssyncadd.s32 $0xFFFFE000  }
0x3c: {  	[tilespmem:s19], [sflag:$0x3] =	stream.indirect.gather [hbm4b:s4+s14], $0x80, s3, s14, $0xb8;
	[tilespmem:$0x1E800] =	vst v63  }
0x3d: {  	_ =	swait.ge [sflag:s26], $0x2000  }
0x3e: {  	[sflag:s26] =	ssyncset.done $0x0  }
0x3f: {  	s6 =	simm.s32 $0x180;
	[sflag:s26] =	ssyncadd.s32 $0xFFFFE000  }
0x40: {  	[spmem:s2] =	stream.indirect.scatter.add.f32 [tilespmem:s21], [sflag:$0x6], $0x80, s6, s14, $0xb8;
	[tilespmem:$0x1E800] =	vst v63  }
0x41: {  	_ =	swait.ge [sflag:s13], $0x2000  }
0x42: {  	[sflag:s13] =	ssyncset.done $0x0  }
0x43: {  	s1 =	simm.s32 $0x800;
	s3 =	simm.s32 $0x3C0;
	[sflag:s13] =	ssyncadd.s32 $0xFFFFE000  }
.LBB2_2:
0x44: {  	[tilespmem:s21], [sflag:$0x4] =	stream.indirect.gather [hbm4b:s4+s14], $0x80, s3, s14, $0xb8;
	[tilespmem:$0x1E800] =	vst v63  }
0x45: {  	s3 =	smov.u32 s1  }
0x46: {  	p0 =	sne.s32 s1, $0x9000;
	s1 =	sadd.s32 $0x800, s1;
	_ =	swait.ge [sflag:s23], $0x2000  }
0x47: {  	[sflag:s23] =	ssyncset.done $0x0  }
0x48: {  	s3 =	sshra.s32 s3, $0x2;
	[sflag:s23] =	ssyncadd.s32 $0xFFFFE000  }
0x49: {  	[spmem:s2] =	stream.indirect.scatter.add.f32 [tilespmem:s15], [sflag:$0x6], $0x80, s3, s14, $0xb8;
	[tilespmem:$0x1E800] =	vst v63  }
0x4a: {  	_ =	swait.ge [sflag:s13], $0x2000  }
0x4b: {  	[sflag:s13] =	ssyncset.done $0x0  }
0x4c: {  	s6 =	sadd.s32 $0x240, s3;
	[sflag:s13] =	ssyncadd.s32 $0xFFFFE000  }
0x4d: {  	[tilespmem:s15], [sflag:$0x1] =	stream.indirect.gather [hbm4b:s4+s14], $0x80, s6, s14, $0xb8;
	[tilespmem:$0x1E800] =	vst v63  }
0x4e: {  	_ =	swait.ge [sflag:s24], $0x2000  }
0x4f: {  	[sflag:s24] =	ssyncset.done $0x0  }
0x50: {  	s6 =	sadd.s32 $0x80, s3;
	[sflag:s24] =	ssyncadd.s32 $0xFFFFE000  }
0x51: {  	[spmem:s2] =	stream.indirect.scatter.add.f32 [tilespmem:s17], [sflag:$0x6], $0x80, s6, s14, $0xb8;
	[tilespmem:$0x1E800] =	vst v63  }
0x52: {  	_ =	swait.ge [sflag:s13], $0x2000  }
0x53: {  	[sflag:s13] =	ssyncset.done $0x0  }
0x54: {  	s6 =	sadd.s32 $0x2C0, s3;
	[sflag:s13] =	ssyncadd.s32 $0xFFFFE000  }
0x55: {  	[tilespmem:s17], [sflag:$0x2] =	stream.indirect.gather [hbm4b:s4+s14], $0x80, s6, s14, $0xb8;
	[tilespmem:$0x1E800] =	vst v63  }
0x56: {  	_ =	swait.ge [sflag:s25], $0x2000  }
0x57: {  	[sflag:s25] =	ssyncset.done $0x0  }
0x58: {  	s6 =	sadd.s32 $0x100, s3;
	[sflag:s25] =	ssyncadd.s32 $0xFFFFE000  }
0x59: {  	[spmem:s2] =	stream.indirect.scatter.add.f32 [tilespmem:s19], [sflag:$0x6], $0x80, s6, s14, $0xb8;
	[tilespmem:$0x1E800] =	vst v63  }
0x5a: {  	_ =	swait.ge [sflag:s13], $0x2000  }
0x5b: {  	[sflag:s13] =	ssyncset.done $0x0  }
0x5c: {  	s6 =	sadd.s32 $0x340, s3;
	[sflag:s13] =	ssyncadd.s32 $0xFFFFE000  }
0x5d: {  	[tilespmem:s19], [sflag:$0x3] =	stream.indirect.gather [hbm4b:s4+s14], $0x80, s6, s14, $0xb8;
	[tilespmem:$0x1E800] =	vst v63  }
0x5e: {  	_ =	swait.ge [sflag:s26], $0x2000  }
0x5f: {  	[sflag:s26] =	ssyncset.done $0x0  }
.Ltmp0:
0x60: {  	s6 =	sadd.s32 $0x180, s3;
	[sflag:s26] =	ssyncadd.s32 $0xFFFFE000;
	(pc) =	sbr.rel @p0 .LBB2_2-.Ltmp0, $4  }
0x61: {  	[spmem:s2] =	stream.indirect.scatter.add.f32 [tilespmem:s21], [sflag:$0x6], $0x80, s6, s14, $0xb8;
	[tilespmem:$0x1E800] =	vst v63  }
0x62: {  	_ =	swait.ge [sflag:s13], $0x2000  }
0x63: {  	[sflag:s13] =	ssyncset.done $0x0  }
0x64: {  	s3 =	sadd.s32 $0x3C0, s3;
	[sflag:s13] =	ssyncadd.s32 $0xFFFFE000  }
0x65: {  	[tilespmem:s21], [sflag:$0x4] =	stream.indirect.gather [hbm4b:s4+s14], $0x80, s3, s14, $0xb8;
	[tilespmem:$0x1E800] =	vst v63  }
0x66: {  	_ =	swait.ge [sflag:s23], $0x2000  }
0x67: {  	[sflag:s23] =	ssyncset.done $0x0  }
0x68: {  	[sflag:s23] =	ssyncadd.s32 $0xFFFFE000  }
0x69: {  	[spmem:s2] =	stream.indirect.scatter.add.f32 [tilespmem:s15], [sflag:$0x6], $0x80, s28, s14, $0xb8;
	[tilespmem:$0x1E800] =	vst v63  }
0x6a: {  	_ =	swait.ge [sflag:s13], $0x2000  }
0x6b: {  	[sflag:s13] =	ssyncset.done $0x0  }
0x6c: {  	[sflag:s13] =	ssyncadd.s32 $0xFFFFE000  }
0x6d: {  	_ =	swait.ge [sflag:s24], $0x2000  }
0x6e: {  	[sflag:s24] =	ssyncset.done $0x0  }
0x6f: {  	[sflag:s24] =	ssyncadd.s32 $0xFFFFE000  }
0x70: {  	[spmem:s2] =	stream.indirect.scatter.add.f32 [tilespmem:s17], [sflag:$0x6], $0x80, s29, s14, $0xb8;
	[tilespmem:$0x1E800] =	vst v63  }
0x71: {  	_ =	swait.ge [sflag:s13], $0x2000  }
0x72: {  	[sflag:s13] =	ssyncset.done $0x0  }
0x73: {  	[sflag:s13] =	ssyncadd.s32 $0xFFFFE000  }
0x74: {  	_ =	swait.ge [sflag:s25], $0x2000  }
0x75: {  	[sflag:s25] =	ssyncset.done $0x0  }
0x76: {  	[sflag:s25] =	ssyncadd.s32 $0xFFFFE000  }
0x77: {  	[spmem:s2] =	stream.indirect.scatter.add.f32 [tilespmem:s19], [sflag:$0x6], $0x80, s30, s14, $0xb8;
	[tilespmem:$0x1E800] =	vst v63  }
0x78: {  	_ =	swait.ge [sflag:s13], $0x2000  }
0x79: {  	[sflag:s13] =	ssyncset.done $0x0  }
0x7a: {  	[sflag:s13] =	ssyncadd.s32 $0xFFFFE000  }
0x7b: {  	_ =	swait.ge [sflag:s26], $0x2000  }
0x7c: {  	[sflag:s26] =	ssyncset.done $0x0  }
0x7d: {  	[sflag:s26] =	ssyncadd.s32 $0xFFFFE000  }
0x7e: {  	[spmem:s2] =	stream.indirect.scatter.add.f32 [tilespmem:s21], [sflag:$0x6], $0x80, s31, s14, $0xb8;
	[tilespmem:$0x1E800] =	vst v63  }
0x7f: {  	_ =	swait.ge [sflag:s13], $0x2000  }
0x80: {  	[sflag:s13] =	ssyncset.done $0x0  }
0x81: {  	s1 =	simm.s32 $0x0;
	[sflag:s13] =	ssyncadd.s32 $0xFFFFE000  }
0x82: {  	[tilespmem:s1], [sflag:$0x6] =	stream.linear.gather [hbm4b:s9+s1], $0x2800, $0x38;
	[tilespmem:$0x1E800] =	vst v63  }
0x83: {  	_ =	swait.ge [sflag:s13], $0x2800  }
0x84: {  	[sflag:s13] =	ssyncset.done $0x0  }
0x85: {  	[sflag:s13] =	ssyncadd.s32 $0xFFFFD800  }
0x86: {  	[tilespmem:s15], [sflag:$0x1] =	stream.indirect.gather [hbm4b:s4+s14], $0x80, s14, s14, $0xb8;
	[tilespmem:$0x1E800] =	vst v63  }
0x87: {  	_ = 	snop  }
0x88: {  	[tilespmem:s17], [sflag:$0x2] =	stream.indirect.gather [hbm4b:s4+s14], $0x80, s16, s14, $0xb8;
	[tilespmem:$0x1E800] =	vst v63  }
0x89: {  	_ = 	snop  }
0x8a: {  	[tilespmem:s19], [sflag:$0x3] =	stream.indirect.gather [hbm4b:s4+s14], $0x80, s18, s14, $0xb8;
	[tilespmem:$0x1E800] =	vst v63  }
0x8b: {  	_ = 	snop  }
0x8c: {  	[tilespmem:s21], [sflag:$0x4] =	stream.indirect.gather [hbm4b:s4+s14], $0x80, s20, s14, $0xb8;
	[tilespmem:$0x1E800] =	vst v63  }
0x8d: {  	_ =	swait.ge [sflag:s23], $0x2000  }
0x8e: {  	[sflag:s23] =	ssyncset.done $0x0  }
0x8f: {  	s6 =	simm.s32 $0x0;
	[sflag:s23] =	ssyncadd.s32 $0xFFFFE000  }
0x90: {  	[spmem:s2] =	stream.indirect.scatter.add.f32 [tilespmem:s15], [sflag:$0x6], $0x80, s6, s14, $0xb8;
	[tilespmem:$0x1E800] =	vst v63  }
0x91: {  	_ =	swait.ge [sflag:s13], $0x2000  }
0x92: {  	[sflag:s13] =	ssyncset.done $0x0  }
0x93: {  	s3 =	simm.s32 $0x240;
	[sflag:s13] =	ssyncadd.s32 $0xFFFFE000  }
0x94: {  	[tilespmem:s15], [sflag:$0x1] =	stream.indirect.gather [hbm4b:s4+s14], $0x80, s3, s14, $0xb8;
	[tilespmem:$0x1E800] =	vst v63  }
0x95: {  	_ =	swait.ge [sflag:s24], $0x2000  }
0x96: {  	[sflag:s24] =	ssyncset.done $0x0  }
0x97: {  	s6 =	simm.s32 $0x80;
	[sflag:s24] =	ssyncadd.s32 $0xFFFFE000  }
0x98: {  	[spmem:s2] =	stream.indirect.scatter.add.f32 [tilespmem:s17], [sflag:$0x6], $0x80, s6, s14, $0xb8;
	[tilespmem:$0x1E800] =	vst v63  }
0x99: {  	_ =	swait.ge [sflag:s13], $0x2000  }
0x9a: {  	[sflag:s13] =	ssyncset.done $0x0  }
0x9b: {  	s3 =	simm.s32 $0x2C0;
	[sflag:s13] =	ssyncadd.s32 $0xFFFFE000  }
0x9c: {  	[tilespmem:s17], [sflag:$0x2] =	stream.indirect.gather [hbm4b:s4+s14], $0x80, s3, s14, $0xb8;
	[tilespmem:$0x1E800] =	vst v63  }
0x9d: {  	_ =	swait.ge [sflag:s25], $0x2000  }
0x9e: {  	[sflag:s25] =	ssyncset.done $0x0  }
0x9f: {  	s6 =	simm.s32 $0x100;
	[sflag:s25] =	ssyncadd.s32 $0xFFFFE000  }
0xa0: {  	[spmem:s2] =	stream.indirect.scatter.add.f32 [tilespmem:s19], [sflag:$0x6], $0x80, s6, s14, $0xb8;
	[tilespmem:$0x1E800] =	vst v63  }
0xa1: {  	_ =	swait.ge [sflag:s13], $0x2000  }
0xa2: {  	[sflag:s13] =	ssyncset.done $0x0  }
0xa3: {  	s3 =	simm.s32 $0x340;
	[sflag:s13] =	ssyncadd.s32 $0xFFFFE000  }
0xa4: {  	[tilespmem:s19], [sflag:$0x3] =	stream.indirect.gather [hbm4b:s4+s14], $0x80, s3, s14, $0xb8;
	[tilespmem:$0x1E800] =	vst v63  }
0xa5: {  	_ =	swait.ge [sflag:s26], $0x2000  }
0xa6: {  	[sflag:s26] =	ssyncset.done $0x0  }
0xa7: {  	s6 =	simm.s32 $0x180;
	[sflag:s26] =	ssyncadd.s32 $0xFFFFE000  }
0xa8: {  	[spmem:s2] =	stream.indirect.scatter.add.f32 [tilespmem:s21], [sflag:$0x6], $0x80, s6, s14, $0xb8;
	[tilespmem:$0x1E800] =	vst v63  }
0xa9: {  	_ =	swait.ge [sflag:s13], $0x2000  }
0xaa: {  	[sflag:s13] =	ssyncset.done $0x0  }
0xab: {  	s1 =	simm.s32 $0x800;
	s3 =	simm.s32 $0x3C0;
	[sflag:s13] =	ssyncadd.s32 $0xFFFFE000  }
.LBB2_4:
0xac: {  	[tilespmem:s21], [sflag:$0x4] =	stream.indirect.gather [hbm4b:s4+s14], $0x80, s3, s14, $0xb8;
	[tilespmem:$0x1E800] =	vst v63  }
0xad: {  	s3 =	smov.u32 s1  }
0xae: {  	p0 =	sne.s32 s1, $0x9000;
	s1 =	sadd.s32 $0x800, s1;
	_ =	swait.ge [sflag:s23], $0x2000  }
0xaf: {  	[sflag:s23] =	ssyncset.done $0x0  }
0xb0: {  	s3 =	sshra.s32 s3, $0x2;
	[sflag:s23] =	ssyncadd.s32 $0xFFFFE000  }
0xb1: {  	[spmem:s2] =	stream.indirect.scatter.add.f32 [tilespmem:s15], [sflag:$0x6], $0x80, s3, s14, $0xb8;
	[tilespmem:$0x1E800] =	vst v63  }
0xb2: {  	_ =	swait.ge [sflag:s13], $0x2000  }
0xb3: {  	[sflag:s13] =	ssyncset.done $0x0  }
0xb4: {  	s6 =	sadd.s32 $0x240, s3;
	[sflag:s13] =	ssyncadd.s32 $0xFFFFE000  }
0xb5: {  	[tilespmem:s15], [sflag:$0x1] =	stream.indirect.gather [hbm4b:s4+s14], $0x80, s6, s14, $0xb8;
	[tilespmem:$0x1E800] =	vst v63  }
0xb6: {  	_ =	swait.ge [sflag:s24], $0x2000  }
0xb7: {  	[sflag:s24] =	ssyncset.done $0x0  }
0xb8: {  	s6 =	sadd.s32 $0x80, s3;
	[sflag:s24] =	ssyncadd.s32 $0xFFFFE000  }
0xb9: {  	[spmem:s2] =	stream.indirect.scatter.add.f32 [tilespmem:s17], [sflag:$0x6], $0x80, s6, s14, $0xb8;
	[tilespmem:$0x1E800] =	vst v63  }
0xba: {  	_ =	swait.ge [sflag:s13], $0x2000  }
0xbb: {  	[sflag:s13] =	ssyncset.done $0x0  }
0xbc: {  	s6 =	sadd.s32 $0x2C0, s3;
	[sflag:s13] =	ssyncadd.s32 $0xFFFFE000  }
0xbd: {  	[tilespmem:s17], [sflag:$0x2] =	stream.indirect.gather [hbm4b:s4+s14], $0x80, s6, s14, $0xb8;
	[tilespmem:$0x1E800] =	vst v63  }
0xbe: {  	_ =	swait.ge [sflag:s25], $0x2000  }
0xbf: {  	[sflag:s25] =	ssyncset.done $0x0  }
0xc0: {  	s6 =	sadd.s32 $0x100, s3;
	[sflag:s25] =	ssyncadd.s32 $0xFFFFE000  }
0xc1: {  	[spmem:s2] =	stream.indirect.scatter.add.f32 [tilespmem:s19], [sflag:$0x6], $0x80, s6, s14, $0xb8;
	[tilespmem:$0x1E800] =	vst v63  }
0xc2: {  	_ =	swait.ge [sflag:s13], $0x2000  }
0xc3: {  	[sflag:s13] =	ssyncset.done $0x0  }
0xc4: {  	s6 =	sadd.s32 $0x340, s3;
	[sflag:s13] =	ssyncadd.s32 $0xFFFFE000  }
0xc5: {  	[tilespmem:s19], [sflag:$0x3] =	stream.indirect.gather [hbm4b:s4+s14], $0x80, s6, s14, $0xb8;
	[tilespmem:$0x1E800] =	vst v63  }
0xc6: {  	_ =	swait.ge [sflag:s26], $0x2000  }
0xc7: {  	[sflag:s26] =	ssyncset.done $0x0  }
.Ltmp1:
0xc8: {  	s6 =	sadd.s32 $0x180, s3;
	[sflag:s26] =	ssyncadd.s32 $0xFFFFE000;
	(pc) =	sbr.rel @p0 .LBB2_4-.Ltmp1, $4  }
0xc9: {  	[spmem:s2] =	stream.indirect.scatter.add.f32 [tilespmem:s21], [sflag:$0x6], $0x80, s6, s14, $0xb8;
	[tilespmem:$0x1E800] =	vst v63  }
0xca: {  	_ =	swait.ge [sflag:s13], $0x2000  }
0xcb: {  	[sflag:s13] =	ssyncset.done $0x0  }
0xcc: {  	s3 =	sadd.s32 $0x3C0, s3;
	[sflag:s13] =	ssyncadd.s32 $0xFFFFE000  }
0xcd: {  	[tilespmem:s21], [sflag:$0x4] =	stream.indirect.gather [hbm4b:s4+s14], $0x80, s3, s14, $0xb8;
	[tilespmem:$0x1E800] =	vst v63  }
0xce: {  	_ =	swait.ge [sflag:s23], $0x2000  }
0xcf: {  	[sflag:s23] =	ssyncset.done $0x0  }
0xd0: {  	[sflag:s23] =	ssyncadd.s32 $0xFFFFE000  }
0xd1: {  	[spmem:s2] =	stream.indirect.scatter.add.f32 [tilespmem:s15], [sflag:$0x6], $0x80, s28, s14, $0xb8;
	[tilespmem:$0x1E800] =	vst v63  }
0xd2: {  	_ =	swait.ge [sflag:s13], $0x2000  }
0xd3: {  	[sflag:s13] =	ssyncset.done $0x0  }
0xd4: {  	[sflag:s13] =	ssyncadd.s32 $0xFFFFE000  }
0xd5: {  	_ =	swait.ge [sflag:s24], $0x2000  }
0xd6: {  	[sflag:s24] =	ssyncset.done $0x0  }
0xd7: {  	[sflag:s24] =	ssyncadd.s32 $0xFFFFE000  }
0xd8: {  	[spmem:s2] =	stream.indirect.scatter.add.f32 [tilespmem:s17], [sflag:$0x6], $0x80, s29, s14, $0xb8;
	[tilespmem:$0x1E800] =	vst v63  }
0xd9: {  	_ =	swait.ge [sflag:s13], $0x2000  }
0xda: {  	[sflag:s13] =	ssyncset.done $0x0  }
0xdb: {  	[sflag:s13] =	ssyncadd.s32 $0xFFFFE000  }
0xdc: {  	_ =	swait.ge [sflag:s25], $0x2000  }
0xdd: {  	[sflag:s25] =	ssyncset.done $0x0  }
0xde: {  	[sflag:s25] =	ssyncadd.s32 $0xFFFFE000  }
0xdf: {  	[spmem:s2] =	stream.indirect.scatter.add.f32 [tilespmem:s19], [sflag:$0x6], $0x80, s30, s14, $0xb8;
	[tilespmem:$0x1E800] =	vst v63  }
0xe0: {  	_ =	swait.ge [sflag:s13], $0x2000  }
0xe1: {  	[sflag:s13] =	ssyncset.done $0x0  }
0xe2: {  	[sflag:s13] =	ssyncadd.s32 $0xFFFFE000  }
0xe3: {  	_ =	swait.ge [sflag:s26], $0x2000  }
0xe4: {  	[sflag:s26] =	ssyncset.done $0x0  }
0xe5: {  	[sflag:s26] =	ssyncadd.s32 $0xFFFFE000  }
0xe6: {  	[spmem:s2] =	stream.indirect.scatter.add.f32 [tilespmem:s21], [sflag:$0x6], $0x80, s31, s14, $0xb8;
	[tilespmem:$0x1E800] =	vst v63  }
0xe7: {  	_ =	swait.ge [sflag:s13], $0x2000  }
0xe8: {  	s0 =	sadd.s32 $0x1, s0;
	[sflag:s13] =	ssyncset.done $0x0  }
0xe9: {  	p0 =	sne.s32 s0, s11;
	[sflag:s13] =	ssyncadd.s32 $0xFFFFE000  }
.Ltmp2:
0xea: {  	s1 =	sor.u32 $0x1C06, s5;
	[bflag:$0x0] =	sbarrier.arrive $0xFFFF;
	(pc) =	sbr.rel @p0 .LBB2_1-.Ltmp2, $4  }
0xeb: {  	[hbm:s10], [sflag:s1] =	dma.local [spmem:s12], $0x2800  }
0xec: {  	_ =	swait.ge [sflag:s13], $0x2800  }
0xed: {  	[sflag:s13] =	ssyncset.done $0x0  }
0xee: {  	[sflag:s13] =	ssyncadd.s32 $0xFFFFD800  }
0xef: {  	_ =	sfence.sel $0x180000  }
0xf0: {  	[bflag:$0x0] =	sbarrier.arrive $0xFFFF  }
0xf1: {  	_ =	strace $0x9000004A  }
0xf2: {  	s0 =	stileid.u32;
	[bflag:$0x2] =	sbarrier.arrive $0xFFFF  }
0xf3: {  	p0 =	sne.s32 s0, $0x0;
	s0 =	rddreg [dreg:$0x2]  }
0xf4: {  	s0 =	sadd.s32 @!p0 $0x100000, s0  }
0xf5: {  	[sflag:s0] =	ssyncadd.tile.s32 @!p0 $0x1;
	_ =	shalt  }
.Lfunc_end2:
_tile_overlayer_lowered:
.L_overlay_start_2:
0xf6: {  	(tag) =	ssettag $0x2  }
0xf7: {  	s0 =	rddreg [dreg:$0x0];
	s2 =	stileid.u32  }
0xf8: {  	s1 =	rddreg [dreg:$0x1];
	p0 =	sne.s32 s2, $0x0  }
0xf9: {  	s3 =	rddreg [dreg:$0x2];
	[bflag:$0x3] =	sbarrier.arrive $0xFFFF;
	s2 =	simm.s32 @!p0 $0x1C06  }
0xfa: {  	[timem:s3], [sflag:s2] =	dma.local @!p0 [hbm:s0], s1  }
0xfb: {  	s0 =	simm.s32 @!p0 $0x6  }
0xfc: {  	_ =	swait.ge @!p0 [sflag:s0], s1  }
0xfd: {  	s1 =	ssub.s32 @!p0 $0x0, s1;
	[sflag:s0] =	ssyncset.done @!p0 $0x0  }
0xfe: {  	[sflag:s0] =	ssyncadd.s32 @!p0 s1  }
0xff: {  	[bflag:$0x3] =	sbarrier.arrive $0xFFFF  }
0x100: {  	_ =	shalt  }

// kernel: kernel.14.cloned.1.call-start
scs
__scs_entry_jumppad:
0x0: {  	(pc) =	sbr.rel $0x88, $3  }
0x1: {  	(tag) =	ssettag $0x0;
	lr =	simm.s32 $0x1  }
0x2: {  	[smem:$0x3F9B] =	sst lr;
	_ =	strace $0xD0000000  }
0x3: {  	_ = 	snop  }
0x4: {  	_ = 	snop  }
0x5: {  	_ = 	snop  }
0x6: {  	_ = 	snop  }
0x7: {  	_ = 	snop  }
__scs_overlays_trampoline_lowered:
0x8: {  	[smem:$0x3FAA] =	sst s0  }
0x9: {  	[smem:$0x3FAB] =	sst s1  }
0xa: {  	[smem:$0x3FAC] =	sst s2  }
0xb: {  	[smem:$0x3FAD] =	sst s3  }
0xc: {  	[smem:$0x3FAE] =	sst s4  }
0xd: {  	[smem:$0x3FAF] =	sst s5  }
0xe: {  	[smem:$0x3FB0] =	sst s6  }
0xf: {  	[smem:$0x3FB1] =	sst s7  }
0x10: {  	[smem:$0x3FB2] =	sst s8  }
0x11: {  	[smem:$0x3FB3] =	sst s9;
	s0 =	simm.s32 @!p0 $0x0  }
0x12: {  	s1 =	sld [smem:$0x3F99];
	s0 =	simm.s32 @p0 $0x1  }
0x13: {  	[smem:$0x3FB4] =	sst s0;
	s0 =	simm.s32 @!p1 $0x0  }
0x14: {  	s2 =	sld [smem:$0x3F98];
	s0 =	simm.s32 @p1 $0x1  }
0x15: {  	[smem:$0x3FB5] =	sst s0;
	s0 =	simm.s32 @!p2 $0x0  }
0x16: {  	s3 =	sld [smem:$0x3FDB];
	s0 =	simm.s32 @p2 $0x1  }
0x17: {  	s4 =	simm.s32 $0x1BF5;
	[smem:$0x3FB7] =	sst s0  }
0x18: {  	s0 =	sld [smem:$0x3F9A];
	_ =	swait.ge [sflag:s4], $0x0  }
0x19: {  	s7 =	sld [smem:$0x3F9B]  }
0x1a: {  	s8 =	sadd.s32 $0xFFFFE003, lr  }
0x1b: {  	s9 =	sadd.s32 $0xFFFFFEF7, lr;
	s5 =	simm.s32 $0xFFFFFFFF;
	p2 =	slt.u32 s8, $0xFFFFF086  }
0x1c: {  	p1 =	slt.u32 s9, $0xF7A;
	s5 =	simm.s32 @!p2 $0x0  }
0x1d: {  	s5 =	simm.s32 @p1 $0x1;
	p0 =	seq.s32 s7, s2  }
0x1e: {  	s7 =	smul.u32 @!p0 $0xF7A, s2;
	p2 =	seq.s32 @!p0 s5, $0x0  }
0x1f: {  	s9 =	smul.u32 $0xF7A, s1;
	s8 =	simm.s32 @!p0 $0x1BF5;
	p2 =	por !p2, p0  }
0x20: {  	[sflag:s8] =	ssyncset.s32 @!p0 $0xFFFFF086;
	s6 =	sadd.s32 @!p0 s3, s7;
	s7 =	simm.s32 @!p0 $0x108  }
0x21: {  	s3 =	sadd.s32 s3, s9;
	s6 =	sadd.s32 @!p0 $0x88, s6;
	s7 =	simm.s32 @p2 $0x1082  }
0x22: {  	[simem:s7], [sflag:s8] =	dma.local @!p0 [hbm:s6], $0xF7A  }
0x23: {  	s9 =	sor.u32 $0xD0000000, s2;
	s6 =	simm.s32 $0x108;
	_ =	swait.ge @!p0 [sflag:s8], $0x0  }
0x24: {  	s3 =	sadd.s32 $0x88, s3;
	s6 =	simm.s32 @!p1 $0x1082;
	[sflag:s4] =	ssyncset.s32 $0xFFFFF086  }
0x25: {  	[simem:s6], [sflag:s4] =	dma.local [hbm:s3], $0xF7A  }
0x26: {  	[smem:$0x3F9B] =	sst s1;
	(tag) =	ssettag s2;
	_ =	strace s9  }
0x27: {  	s1 =	sld [smem:$0x3FAB]  }
0x28: {  	s2 =	sld [smem:$0x3FAC]  }
0x29: {  	s4 =	sld [smem:$0x3FAE]  }
0x2a: {  	p0 =	seq.s32 s5, $0x0;
	s5 =	sld [smem:$0x3FAF]  }
0x2b: {  	s6 =	sld [smem:$0x3FB0]  }
0x2c: {  	s7 =	sld [smem:$0x3FB1]  }
0x2d: {  	s3 =	simm.s32 $0x108;
	s8 =	sld [smem:$0x3FB2]  }
0x2e: {  	s3 =	simm.s32 @!p0 $0x1082;
	s9 =	sld [smem:$0x3FB3]  }
0x2f: {  	lr =	sadd.s32 s0, s3;
	s0 =	sld [smem:$0x3FAA]  }
0x30: {  	s3 =	sld [smem:$0x3FAD]  }
0x31: {  	[smem:$0x3FB6] =	sst s10  }
0x32: {  	s10 =	sld [smem:$0x3FB4];
	_ =	sdelay $0x3  }
0x33: {  	p0 =	seq.s32 s10, $0x1;
	s10 =	sld [smem:$0x3FB6];
	_ =	sdelay $0x3  }
0x34: {  	[smem:$0x3FB6] =	sst s10  }
0x35: {  	s10 =	sld [smem:$0x3FB5];
	_ =	sdelay $0x3  }
0x36: {  	p1 =	seq.s32 s10, $0x1;
	s10 =	sld [smem:$0x3FB6];
	_ =	sdelay $0x3  }
0x37: {  	[smem:$0x3FB6] =	sst s10  }
0x38: {  	s10 =	sld [smem:$0x3FB7]  }
0x39: {  	_ = 	snop;
	(pc) =	sbr.ind lr, $3  }
0x3a: {  	_ = 	snop  }
0x3b: {  	_ = 	snop  }
0x3c: {  	p2 =	seq.s32 s10, $0x1;
	s10 =	sld [smem:$0x3FB6]  }
0x3d: {  	_ =	shalt  }
0x3e: {  	_ =	shalt  }
0x3f: {  	_ =	shalt  }
0x40: {  	_ =	shalt  }
0x41: {  	_ =	shalt  }
0x42: {  	_ =	shalt  }
0x43: {  	_ =	shalt  }
0x44: {  	_ =	shalt  }
0x45: {  	_ =	shalt  }
0x46: {  	_ =	shalt  }
0x47: {  	_ =	shalt  }
0x48: {  	_ =	shalt  }
0x49: {  	_ =	shalt  }
0x4a: {  	_ =	shalt  }
0x4b: {  	_ =	shalt  }
0x4c: {  	_ =	shalt  }
0x4d: {  	_ =	shalt  }
0x4e: {  	_ =	shalt  }
0x4f: {  	_ =	shalt  }
0x50: {  	_ =	shalt  }
0x51: {  	_ =	shalt  }
0x52: {  	_ =	shalt  }
0x53: {  	_ =	shalt  }
0x54: {  	_ =	shalt  }
0x55: {  	_ =	shalt  }
0x56: {  	_ =	shalt  }
0x57: {  	_ =	shalt  }
0x58: {  	_ =	shalt  }
0x59: {  	_ =	shalt  }
0x5a: {  	_ =	shalt  }
0x5b: {  	_ =	shalt  }
0x5c: {  	_ =	shalt  }
0x5d: {  	_ =	shalt  }
0x5e: {  	_ =	shalt  }
0x5f: {  	_ =	shalt  }
0x60: {  	_ =	shalt  }
0x61: {  	_ =	shalt  }
0x62: {  	_ =	shalt  }
0x63: {  	_ =	shalt  }
0x64: {  	_ =	shalt  }
0x65: {  	_ =	shalt  }
0x66: {  	_ =	shalt  }
0x67: {  	_ =	shalt  }
0x68: {  	_ =	shalt  }
0x69: {  	_ =	shalt  }
0x6a: {  	_ =	shalt  }
0x6b: {  	_ =	shalt  }
0x6c: {  	_ =	shalt  }
0x6d: {  	_ =	shalt  }
0x6e: {  	_ =	shalt  }
0x6f: {  	_ =	shalt  }
0x70: {  	_ =	shalt  }
0x71: {  	_ =	shalt  }
0x72: {  	_ =	shalt  }
0x73: {  	_ =	shalt  }
0x74: {  	_ =	shalt  }
0x75: {  	_ =	shalt  }
0x76: {  	_ =	shalt  }
0x77: {  	_ =	shalt  }
0x78: {  	_ =	shalt  }
0x79: {  	_ =	shalt  }
0x7a: {  	_ =	shalt  }
0x7b: {  	_ =	shalt  }
0x7c: {  	_ =	shalt  }
0x7d: {  	_ =	shalt  }
0x7e: {  	_ =	shalt  }
0x7f: {  	_ =	shalt  }
0x80: {  	_ =	shalt  }
0x81: {  	_ =	shalt  }
0x82: {  	_ =	shalt  }
0x83: {  	_ =	shalt  }
0x84: {  	_ =	shalt  }
0x85: {  	_ =	shalt  }
0x86: {  	_ =	shalt  }
0x87: {  	_ =	shalt  }
.Lfunc_end0:
.L_simem_size_0:
called_computation.2_lowered:
.L_overlay_start_0:
0x88: {  	s2 =	sld [smem:$0x3FD9]  }
0x89: {  	s3 =	sld [smem:$0x3FFE];
	_ =	sdelay $0x1  }
0x8a: {  	s1 =	srdreg.scid  }
0x8b: {  	s0 =	sand.u32 $0x1, s1  }
0x8c: {  	s16 =	sshll.u32 s0, $0xA;
	s2 =	sadd.s32 s3, s2  }
0x8d: {  	s2 =	sadd.s32 s2, s16  }
0x8e: {  	[smem:$0x3FC2] =	sst s2  }
0x8f: {  	_ = 	snop  }
0x90: {  	(tm) =	ssettm $0x1  }
0x91: {  	s17 =	sld [smem:$0x3FFB];
	_ =	sdelay $0x3  }
0x92: {  	_ =	strace s17  }
0x93: {  	s2 =	sld [smem:$0x3FFC];
	_ =	sdelay $0x3  }
0x94: {  	_ =	strace s2  }
0x95: {  	s2 =	sld [smem:$0x3FFD];
	_ =	sdelay $0x3  }
0x96: {  	_ =	strace s2  }
0x97: {  	_ =	strace $0x8FFFFFFF  }
0x98: {  	s18 =	sld [smem:$0x3FDB];
	_ =	sdelay $0x1  }
0x99: {  	s19 =	simm.s32 $_scs_section_size  }
0x9a: {  	s4 =	simm.s32 $_size__tile_overlayer_lowered;
	s5 =	simm.s32 $_tile_overlayer_lowered  }
0x9b: {  	s22 =	simm.s32 $0x1BFF;
	s21 =	sshll.u32 s5, $0x1;
	s2 =	sadd.s32 s19, s18  }
0x9c: {  	s6 =	simm.s32 $0x0;
	s20 =	sshll.u32 s4, $0x1;
	s4 =	sadd.s32 s21, s2  }
0x9d: {  	[timem:s6], [sflag:s22] =	dma.local [hbm:s4], s20  }
0x9e: {  	_ =	swait.ge [sflag:s22], s20  }
0x9f: {  	s3 =	ssub.s32 $0x0, s20;
	[sflag:s22] =	ssyncset.done $0x0  }
0xa0: {  	[sflag:s22] =	ssyncadd.s32 s3;
	_ =	sdelay $0x1  }
0xa1: {  	s23 =	simm.s32 $0x1B8B  }
0xa2: {  	_ =	swait.ge [sflag:s23], $0x1  }
0xa3: {  	[sflag:s23] =	ssyncset.done $0x0  }
0xa4: {  	s25 =	simm.s32 $0x1B8E;
	s24 =	sld [smem:$0x3FFE];
	[sflag:s23] =	ssyncadd.s32 $0xFFFFFFFF  }
0xa5: {  	s26 =	simm.s32 $execute0_lowered;
	[smem:$0x3FD2] =	sst s25  }
0xa6: {  	s4 =	sshll.u32 s26, $0x1;
	_ =	strace $0x8000004C;
	[dreg:$0x1] =	wrdreg $0xFFFFFFFF  }
0xa7: {  	s28 =	simm.s32 $_size_execute0_lowered;
	s2 =	sadd.s32 s2, s4;
	[dreg:$0x0] =	wrdreg $0x0  }
0xa8: {  	s4 =	sshll.u32 s28, $0x1;
	[dreg:$0x2] =	wrdreg s2  }
0xa9: {  	[dreg:$0x3] =	wrdreg s4  }
0xaa: {  	[dreg:$0x4] =	wrdreg $0xC0  }
0xab: {  	_ =	task [dreg:s6], $0x5FFFF  }
0xac: {  	[dreg:$0x1] =	wrdreg $0xFFFFFFFF  }
0xad: {  	[dreg:$0x0] =	wrdreg $0x60  }
0xae: {  	[dreg:$0x2] =	wrdreg s24  }
0xaf: {  	[dreg:$0x3] =	wrdreg $0xA8000  }
0xb0: {  	[dreg:$0x4] =	wrdreg $0x9  }
0xb1: {  	_ =	task.clear_ibuf [dreg:s6], $0x5FFFF;
	_ =	strace $0x9000004C  }
0xb2: {  	s29 =	simm.s32 $0x9;
	_ =	strace $0x8000004E  }
0xb3: {  	_ =	swait.ge [sflag:s29], $0x1  }
0xb4: {  	[sflag:s29] =	ssyncadd.s32 $0xFFFFFFFF  }
0xb5: {  	_ =	strace $0x9000004E  }
0xb6: {  	_ =	sfence  }
0xb7: {  	s30 =	sld [smem:$0x0];
	_ =	sdelay $0x2  }
0xb8: {  	s31 =	sshll.u32 s1, $0xD;
	s1 =	sshrl.u32 s1, $0x2  }
0xb9: {  	s3 =	sand.u32 $0x4000, s31;
	s1 =	sadd.s32 s1, s30  }
0xba: {  	s0 =	sor.u32 s3, s0;
	s1 =	sshll.u32 s1, $0x11  }
0xbb: {  	s0 =	sor.u32 s1, s0  }
0xbc: {  	s0 =	sadd.s32 $0x8F2B, s0  }
0xbd: {  	[sflag:s0] =	ssyncadd.remote.s32 $0x1  }
0xbe: {  	_ =	sfence.sel $0xFFFF  }
0xbf: {  	[dreg:$0x0] =	wrdreg $0xFFFFFFFF;
	(pc) =	sbr.abs _section_cstart, $3  }
0xc0: {  	[dreg:$0x1] =	wrdreg $0xFFFFFFFF  }
0xc1: {  	_ =	task.clear_ibuf [dreg:s6], $0x2FFFF;
	_ =	strace $0x9FFFFFFF  }
0xc2: {  	(tm) =	ssettm $0x7FFFFFFF  }
0xc3: {  	_ =	shalt  }
tec
execute0_lowered:
.L_overlay_start_1:
0x0: {  	(tag) =	ssettag $0x1  }
0x1: {  	s0 =	rddreg [dreg:$0x0];
	s1 =	srdreg.scid  }
0x2: {  	s2 =	rddreg [dreg:$0x1];
	s10 =	stileid.u32;
	s5 =	simm.s32 $0x0  }
0x3: {  	s13 =	simm.s32 $0x6;
	s14 =	simm.s32 $0x40;
	s15 =	simm.s32 $0x2800  }
0x4: {  	s16 =	simm.s32 $0xC0;
	s17 =	simm.s32 $0x4800;
	s18 =	simm.s32 $0x140  }
0x5: {  	s19 =	simm.s32 $0x6800;
	s20 =	simm.s32 $0x1C0;
	s4 =	smul.u32 $0x5000, s10  }
0x6: {  	s21 =	simm.s32 $0x8800;
	s22 =	simm.s32 $0x5;
	s6 =	smul.u32 $0x14000, s10  }
0x7: {  	s23 =	simm.s32 $0x1;
	s28 =	simm.s32 $0x2600;
	s7 =	smul.u32 $0x50000, s10  }
0x8: {  	s29 =	simm.s32 $0x2680;
	s1 =	sand.u32 $0x1, s1;
	s9 =	smul.u32 $0x2800, s10  }
0x9: {  	s30 =	simm.s32 $0x2700;
	s31 =	simm.s32 $0x2780;
	s3 =	smul.u32 $0x50000, s1  }
0xa: {  	[smem:$0x7FF] =	sst s5;
	s24 =	smul.u32 $0x140000, s1;
	s25 =	ssub.s32 $0x2, s1  }
0xb: {  	_ =	strace $0x8000004D;
	s1 =	smul.u32 $0x28000, s1;
	s8 =	sshrl.u32 s25, $0x1  }
0xc: {  	s26 =	sshrl.u32 s7, $0x2;
	s3 =	sadd.s32 s4, s3;
	s4 =	sadd.s32 $0x2400, s0  }
0xd: {  	s5 =	sadd.s32 s6, s24;
	s11 =	ssub.s32 s25, s8;
	s1 =	sadd.s32 s9, s1  }
0xe: {  	s12 =	sadd.s32 s26, s2;
	s24 =	simm.s32 $0x2;
	s25 =	simm.s32 $0x3  }
0xf: {  	s26 =	simm.s32 $0x4;
	s3 =	sshrl.u32 s3, $0x3;
	s5 =	sshrl.u32 s5, $0x3  }
0x10: {  	s1 =	sadd.s32 s4, s1;
	s11 =	smax.u32 s11, $0x1;
	s12 =	sshrl.u32 s12, $0x3  }
0x11: {  	s3 =	sadd.s32 s3, s0;
	s0 =	sadd.s32 s5, s0;
	s5 =	sshll.u32 s10, $0x6  }
0x12: {  	[dreg:$0x3] =	wrdreg s1;
	s7 =	sor.u32 $0x1C05, s5;
	s8 =	sadd.s32 $0xAC400, s3  }
0x13: {  	s9 =	sadd.s32 $0xAC900, s3;
	s10 =	sadd.s32 $0x52400, s0;
	s0 =	simm.s32 $0x0  }
.LBB2_1:
0x14: {  	s1 =	rddreg [dreg:$0x3];
	s3 =	simm.s32 $0x0  }
0x15: {  	[spmem:s12], [sflag:s7] =	dma.local [hbm:s1], $0x2800  }
0x16: {  	[tilespmem:s3], [sflag:$0x6] =	stream.linear.gather [hbm4b:s8+s3], $0x2800, $0x38;
	[tilespmem:$0x1E800] =	vst v63  }
0x17: {  	_ =	swait.ge [sflag:s13], $0x2800  }
0x18: {  	[sflag:s13] =	ssyncset.done $0x0  }
0x19: {  	[sflag:s13] =	ssyncadd.s32 $0xFFFFD800  }
0x1a: {  	[tilespmem:s15], [sflag:$0x1] =	stream.indirect.gather [hbm4b:s4+s14], $0x80, s14, s14, $0xb8;
	[tilespmem:$0x1E800] =	vst v63  }
0x1b: {  	_ = 	snop  }
0x1c: {  	[tilespmem:s17], [sflag:$0x2] =	stream.indirect.gather [hbm4b:s4+s14], $0x80, s16, s14, $0xb8;
	[tilespmem:$0x1E800] =	vst v63  }
0x1d: {  	_ = 	snop  }
0x1e: {  	[tilespmem:s19], [sflag:$0x3] =	stream.indirect.gather [hbm4b:s4+s14], $0x80, s18, s14, $0xb8;
	[tilespmem:$0x1E800] =	vst v63  }
0x1f: {  	_ = 	snop  }
0x20: {  	[tilespmem:s21], [sflag:$0x4] =	stream.indirect.gather [hbm4b:s4+s14], $0x80, s20, s14, $0xb8;
	[tilespmem:$0x1E800] =	vst v63  }
0x21: {  	_ =	swait.ge [sflag:s22], $0x2800  }
0x22: {  	[sflag:s22] =	ssyncset.done $0x0  }
0x23: {  	[sflag:s22] =	ssyncadd.s32 $0xFFFFD800  }
0x24: {  	[bflag:$0x0] =	sbarrier.arrive $0xFFFF  }
0x25: {  	_ =	swait.ge [sflag:s23], $0x2000  }
0x26: {  	[sflag:s23] =	ssyncset.done $0x0  }
0x27: {  	s6 =	simm.s32 $0x0;
	[sflag:s23] =	ssyncadd.s32 $0xFFFFE000  }
0x28: {  	[spmem:s2] =	stream.indirect.scatter.add.f32 [tilespmem:s15], [sflag:$0x6], $0x80, s6, s14, $0xb8;
	[tilespmem:$0x1E800] =	vst v63  }
0x29: {  	_ =	swait.ge [sflag:s13], $0x2000  }
0x2a: {  	[sflag:s13] =	ssyncset.done $0x0  }
0x2b: {  	s3 =	simm.s32 $0x240;
	[sflag:s13] =	ssyncadd.s32 $0xFFFFE000  }
0x2c: {  	[tilespmem:s15], [sflag:$0x1] =	stream.indirect.gather [hbm4b:s4+s14], $0x80, s3, s14, $0xb8;
	[tilespmem:$0x1E800] =	vst v63  }
0x2d: {  	_ =	swait.ge [sflag:s24], $0x2000  }
0x2e: {  	[sflag:s24] =	ssyncset.done $0x0  }
0x2f: {  	s6 =	simm.s32 $0x80;
	[sflag:s24] =	ssyncadd.s32 $0xFFFFE000  }
0x30: {  	[spmem:s2] =	stream.indirect.scatter.add.f32 [tilespmem:s17], [sflag:$0x6], $0x80, s6, s14, $0xb8;
	[tilespmem:$0x1E800] =	vst v63  }
0x31: {  	_ =	swait.ge [sflag:s13], $0x2000  }
0x32: {  	[sflag:s13] =	ssyncset.done $0x0  }
0x33: {  	s3 =	simm.s32 $0x2C0;
	[sflag:s13] =	ssyncadd.s32 $0xFFFFE000  }
0x34: {  	[tilespmem:s17], [sflag:$0x2] =	stream.indirect.gather [hbm4b:s4+s14], $0x80, s3, s14, $0xb8;
	[tilespmem:$0x1E800] =	vst v63  }
0x35: {  	_ =	swait.ge [sflag:s25], $0x2000  }
0x36: {  	[sflag:s25] =	ssyncset.done $0x0  }
0x37: {  	s6 =	simm.s32 $0x100;
	[sflag:s25] =	ssyncadd.s32 $0xFFFFE000  }
0x38: {  	[spmem:s2] =	stream.indirect.scatter.add.f32 [tilespmem:s19], [sflag:$0x6], $0x80, s6, s14, $0xb8;
	[tilespmem:$0x1E800] =	vst v63  }
0x39: {  	_ =	swait.ge [sflag:s13], $0x2000  }
0x3a: {  	[sflag:s13] =	ssyncset.done $0x0  }
0x3b: {  	s3 =	simm.s32 $0x340;
	[sflag:s13] =	ssyncadd.s32 $0xFFFFE000  }
0x3c: {  	[tilespmem:s19], [sflag:$0x3] =	stream.indirect.gather [hbm4b:s4+s14], $0x80, s3, s14, $0xb8;
	[tilespmem:$0x1E800] =	vst v63  }
0x3d: {  	_ =	swait.ge [sflag:s26], $0x2000  }
0x3e: {  	[sflag:s26] =	ssyncset.done $0x0  }
0x3f: {  	s6 =	simm.s32 $0x180;
	[sflag:s26] =	ssyncadd.s32 $0xFFFFE000  }
0x40: {  	[spmem:s2] =	stream.indirect.scatter.add.f32 [tilespmem:s21], [sflag:$0x6], $0x80, s6, s14, $0xb8;
	[tilespmem:$0x1E800] =	vst v63  }
0x41: {  	_ =	swait.ge [sflag:s13], $0x2000  }
0x42: {  	[sflag:s13] =	ssyncset.done $0x0  }
0x43: {  	s1 =	simm.s32 $0x800;
	s3 =	simm.s32 $0x3C0;
	[sflag:s13] =	ssyncadd.s32 $0xFFFFE000  }
.LBB2_2:
0x44: {  	[tilespmem:s21], [sflag:$0x4] =	stream.indirect.gather [hbm4b:s4+s14], $0x80, s3, s14, $0xb8;
	[tilespmem:$0x1E800] =	vst v63  }
0x45: {  	s3 =	smov.u32 s1  }
0x46: {  	p0 =	sne.s32 s1, $0x9000;
	s1 =	sadd.s32 $0x800, s1;
	_ =	swait.ge [sflag:s23], $0x2000  }
0x47: {  	[sflag:s23] =	ssyncset.done $0x0  }
0x48: {  	s3 =	sshra.s32 s3, $0x2;
	[sflag:s23] =	ssyncadd.s32 $0xFFFFE000  }
0x49: {  	[spmem:s2] =	stream.indirect.scatter.add.f32 [tilespmem:s15], [sflag:$0x6], $0x80, s3, s14, $0xb8;
	[tilespmem:$0x1E800] =	vst v63  }
0x4a: {  	_ =	swait.ge [sflag:s13], $0x2000  }
0x4b: {  	[sflag:s13] =	ssyncset.done $0x0  }
0x4c: {  	s6 =	sadd.s32 $0x240, s3;
	[sflag:s13] =	ssyncadd.s32 $0xFFFFE000  }
0x4d: {  	[tilespmem:s15], [sflag:$0x1] =	stream.indirect.gather [hbm4b:s4+s14], $0x80, s6, s14, $0xb8;
	[tilespmem:$0x1E800] =	vst v63  }
0x4e: {  	_ =	swait.ge [sflag:s24], $0x2000  }
0x4f: {  	[sflag:s24] =	ssyncset.done $0x0  }
0x50: {  	s6 =	sadd.s32 $0x80, s3;
	[sflag:s24] =	ssyncadd.s32 $0xFFFFE000  }
0x51: {  	[spmem:s2] =	stream.indirect.scatter.add.f32 [tilespmem:s17], [sflag:$0x6], $0x80, s6, s14, $0xb8;
	[tilespmem:$0x1E800] =	vst v63  }
0x52: {  	_ =	swait.ge [sflag:s13], $0x2000  }
0x53: {  	[sflag:s13] =	ssyncset.done $0x0  }
0x54: {  	s6 =	sadd.s32 $0x2C0, s3;
	[sflag:s13] =	ssyncadd.s32 $0xFFFFE000  }
0x55: {  	[tilespmem:s17], [sflag:$0x2] =	stream.indirect.gather [hbm4b:s4+s14], $0x80, s6, s14, $0xb8;
	[tilespmem:$0x1E800] =	vst v63  }
0x56: {  	_ =	swait.ge [sflag:s25], $0x2000  }
0x57: {  	[sflag:s25] =	ssyncset.done $0x0  }
0x58: {  	s6 =	sadd.s32 $0x100, s3;
	[sflag:s25] =	ssyncadd.s32 $0xFFFFE000  }
0x59: {  	[spmem:s2] =	stream.indirect.scatter.add.f32 [tilespmem:s19], [sflag:$0x6], $0x80, s6, s14, $0xb8;
	[tilespmem:$0x1E800] =	vst v63  }
0x5a: {  	_ =	swait.ge [sflag:s13], $0x2000  }
0x5b: {  	[sflag:s13] =	ssyncset.done $0x0  }
0x5c: {  	s6 =	sadd.s32 $0x340, s3;
	[sflag:s13] =	ssyncadd.s32 $0xFFFFE000  }
0x5d: {  	[tilespmem:s19], [sflag:$0x3] =	stream.indirect.gather [hbm4b:s4+s14], $0x80, s6, s14, $0xb8;
	[tilespmem:$0x1E800] =	vst v63  }
0x5e: {  	_ =	swait.ge [sflag:s26], $0x2000  }
0x5f: {  	[sflag:s26] =	ssyncset.done $0x0  }
.Ltmp0:
0x60: {  	s6 =	sadd.s32 $0x180, s3;
	[sflag:s26] =	ssyncadd.s32 $0xFFFFE000;
	(pc) =	sbr.rel @p0 .LBB2_2-.Ltmp0, $4  }
0x61: {  	[spmem:s2] =	stream.indirect.scatter.add.f32 [tilespmem:s21], [sflag:$0x6], $0x80, s6, s14, $0xb8;
	[tilespmem:$0x1E800] =	vst v63  }
0x62: {  	_ =	swait.ge [sflag:s13], $0x2000  }
0x63: {  	[sflag:s13] =	ssyncset.done $0x0  }
0x64: {  	s3 =	sadd.s32 $0x3C0, s3;
	[sflag:s13] =	ssyncadd.s32 $0xFFFFE000  }
0x65: {  	[tilespmem:s21], [sflag:$0x4] =	stream.indirect.gather [hbm4b:s4+s14], $0x80, s3, s14, $0xb8;
	[tilespmem:$0x1E800] =	vst v63  }
0x66: {  	_ =	swait.ge [sflag:s23], $0x2000  }
0x67: {  	[sflag:s23] =	ssyncset.done $0x0  }
0x68: {  	[sflag:s23] =	ssyncadd.s32 $0xFFFFE000  }
0x69: {  	[spmem:s2] =	stream.indirect.scatter.add.f32 [tilespmem:s15], [sflag:$0x6], $0x80, s28, s14, $0xb8;
	[tilespmem:$0x1E800] =	vst v63  }
0x6a: {  	_ =	swait.ge [sflag:s13], $0x2000  }
0x6b: {  	[sflag:s13] =	ssyncset.done $0x0  }
0x6c: {  	[sflag:s13] =	ssyncadd.s32 $0xFFFFE000  }
0x6d: {  	_ =	swait.ge [sflag:s24], $0x2000  }
0x6e: {  	[sflag:s24] =	ssyncset.done $0x0  }
0x6f: {  	[sflag:s24] =	ssyncadd.s32 $0xFFFFE000  }
0x70: {  	[spmem:s2] =	stream.indirect.scatter.add.f32 [tilespmem:s17], [sflag:$0x6], $0x80, s29, s14, $0xb8;
	[tilespmem:$0x1E800] =	vst v63  }
0x71: {  	_ =	swait.ge [sflag:s13], $0x2000  }
0x72: {  	[sflag:s13] =	ssyncset.done $0x0  }
0x73: {  	[sflag:s13] =	ssyncadd.s32 $0xFFFFE000  }
0x74: {  	_ =	swait.ge [sflag:s25], $0x2000  }
0x75: {  	[sflag:s25] =	ssyncset.done $0x0  }
0x76: {  	[sflag:s25] =	ssyncadd.s32 $0xFFFFE000  }
0x77: {  	[spmem:s2] =	stream.indirect.scatter.add.f32 [tilespmem:s19], [sflag:$0x6], $0x80, s30, s14, $0xb8;
	[tilespmem:$0x1E800] =	vst v63  }
0x78: {  	_ =	swait.ge [sflag:s13], $0x2000  }
0x79: {  	[sflag:s13] =	ssyncset.done $0x0  }
0x7a: {  	[sflag:s13] =	ssyncadd.s32 $0xFFFFE000  }
0x7b: {  	_ =	swait.ge [sflag:s26], $0x2000  }
0x7c: {  	[sflag:s26] =	ssyncset.done $0x0  }
0x7d: {  	[sflag:s26] =	ssyncadd.s32 $0xFFFFE000  }
0x7e: {  	[spmem:s2] =	stream.indirect.scatter.add.f32 [tilespmem:s21], [sflag:$0x6], $0x80, s31, s14, $0xb8;
	[tilespmem:$0x1E800] =	vst v63  }
0x7f: {  	_ =	swait.ge [sflag:s13], $0x2000  }
0x80: {  	[sflag:s13] =	ssyncset.done $0x0  }
0x81: {  	s1 =	simm.s32 $0x0;
	[sflag:s13] =	ssyncadd.s32 $0xFFFFE000  }
0x82: {  	[tilespmem:s1], [sflag:$0x6] =	stream.linear.gather [hbm4b:s9+s1], $0x2800, $0x38;
	[tilespmem:$0x1E800] =	vst v63  }
0x83: {  	_ =	swait.ge [sflag:s13], $0x2800  }
0x84: {  	[sflag:s13] =	ssyncset.done $0x0  }
0x85: {  	[sflag:s13] =	ssyncadd.s32 $0xFFFFD800  }
0x86: {  	[tilespmem:s15], [sflag:$0x1] =	stream.indirect.gather [hbm4b:s4+s14], $0x80, s14, s14, $0xb8;
	[tilespmem:$0x1E800] =	vst v63  }
0x87: {  	_ = 	snop  }
0x88: {  	[tilespmem:s17], [sflag:$0x2] =	stream.indirect.gather [hbm4b:s4+s14], $0x80, s16, s14, $0xb8;
	[tilespmem:$0x1E800] =	vst v63  }
0x89: {  	_ = 	snop  }
0x8a: {  	[tilespmem:s19], [sflag:$0x3] =	stream.indirect.gather [hbm4b:s4+s14], $0x80, s18, s14, $0xb8;
	[tilespmem:$0x1E800] =	vst v63  }
0x8b: {  	_ = 	snop  }
0x8c: {  	[tilespmem:s21], [sflag:$0x4] =	stream.indirect.gather [hbm4b:s4+s14], $0x80, s20, s14, $0xb8;
	[tilespmem:$0x1E800] =	vst v63  }
0x8d: {  	_ =	swait.ge [sflag:s23], $0x2000  }
0x8e: {  	[sflag:s23] =	ssyncset.done $0x0  }
0x8f: {  	s6 =	simm.s32 $0x0;
	[sflag:s23] =	ssyncadd.s32 $0xFFFFE000  }
0x90: {  	[spmem:s2] =	stream.indirect.scatter.add.f32 [tilespmem:s15], [sflag:$0x6], $0x80, s6, s14, $0xb8;
	[tilespmem:$0x1E800] =	vst v63  }
0x91: {  	_ =	swait.ge [sflag:s13], $0x2000  }
0x92: {  	[sflag:s13] =	ssyncset.done $0x0  }
0x93: {  	s3 =	simm.s32 $0x240;
	[sflag:s13] =	ssyncadd.s32 $0xFFFFE000  }
0x94: {  	[tilespmem:s15], [sflag:$0x1] =	stream.indirect.gather [hbm4b:s4+s14], $0x80, s3, s14, $0xb8;
	[tilespmem:$0x1E800] =	vst v63  }
0x95: {  	_ =	swait.ge [sflag:s24], $0x2000  }
0x96: {  	[sflag:s24] =	ssyncset.done $0x0  }
0x97: {  	s6 =	simm.s32 $0x80;
	[sflag:s24] =	ssyncadd.s32 $0xFFFFE000  }
0x98: {  	[spmem:s2] =	stream.indirect.scatter.add.f32 [tilespmem:s17], [sflag:$0x6], $0x80, s6, s14, $0xb8;
	[tilespmem:$0x1E800] =	vst v63  }
0x99: {  	_ =	swait.ge [sflag:s13], $0x2000  }
0x9a: {  	[sflag:s13] =	ssyncset.done $0x0  }
0x9b: {  	s3 =	simm.s32 $0x2C0;
	[sflag:s13] =	ssyncadd.s32 $0xFFFFE000  }
0x9c: {  	[tilespmem:s17], [sflag:$0x2] =	stream.indirect.gather [hbm4b:s4+s14], $0x80, s3, s14, $0xb8;
	[tilespmem:$0x1E800] =	vst v63  }
0x9d: {  	_ =	swait.ge [sflag:s25], $0x2000  }
0x9e: {  	[sflag:s25] =	ssyncset.done $0x0  }
0x9f: {  	s6 =	simm.s32 $0x100;
	[sflag:s25] =	ssyncadd.s32 $0xFFFFE000  }
0xa0: {  	[spmem:s2] =	stream.indirect.scatter.add.f32 [tilespmem:s19], [sflag:$0x6], $0x80, s6, s14, $0xb8;
	[tilespmem:$0x1E800] =	vst v63  }
0xa1: {  	_ =	swait.ge [sflag:s13], $0x2000  }
0xa2: {  	[sflag:s13] =	ssyncset.done $0x0  }
0xa3: {  	s3 =	simm.s32 $0x340;
	[sflag:s13] =	ssyncadd.s32 $0xFFFFE000  }
0xa4: {  	[tilespmem:s19], [sflag:$0x3] =	stream.indirect.gather [hbm4b:s4+s14], $0x80, s3, s14, $0xb8;
	[tilespmem:$0x1E800] =	vst v63  }
0xa5: {  	_ =	swait.ge [sflag:s26], $0x2000  }
0xa6: {  	[sflag:s26] =	ssyncset.done $0x0  }
0xa7: {  	s6 =	simm.s32 $0x180;
	[sflag:s26] =	ssyncadd.s32 $0xFFFFE000  }
0xa8: {  	[spmem:s2] =	stream.indirect.scatter.add.f32 [tilespmem:s21], [sflag:$0x6], $0x80, s6, s14, $0xb8;
	[tilespmem:$0x1E800] =	vst v63  }
0xa9: {  	_ =	swait.ge [sflag:s13], $0x2000  }
0xaa: {  	[sflag:s13] =	ssyncset.done $0x0  }
0xab: {  	s1 =	simm.s32 $0x800;
	s3 =	simm.s32 $0x3C0;
	[sflag:s13] =	ssyncadd.s32 $0xFFFFE000  }
.LBB2_4:
0xac: {  	[tilespmem:s21], [sflag:$0x4] =	stream.indirect.gather [hbm4b:s4+s14], $0x80, s3, s14, $0xb8;
	[tilespmem:$0x1E800] =	vst v63  }
0xad: {  	s3 =	smov.u32 s1  }
0xae: {  	p0 =	sne.s32 s1, $0x9000;
	s1 =	sadd.s32 $0x800, s1;
	_ =	swait.ge [sflag:s23], $0x2000  }
0xaf: {  	[sflag:s23] =	ssyncset.done $0x0  }
0xb0: {  	s3 =	sshra.s32 s3, $0x2;
	[sflag:s23] =	ssyncadd.s32 $0xFFFFE000  }
0xb1: {  	[spmem:s2] =	stream.indirect.scatter.add.f32 [tilespmem:s15], [sflag:$0x6], $0x80, s3, s14, $0xb8;
	[tilespmem:$0x1E800] =	vst v63  }
0xb2: {  	_ =	swait.ge [sflag:s13], $0x2000  }
0xb3: {  	[sflag:s13] =	ssyncset.done $0x0  }
0xb4: {  	s6 =	sadd.s32 $0x240, s3;
	[sflag:s13] =	ssyncadd.s32 $0xFFFFE000  }
0xb5: {  	[tilespmem:s15], [sflag:$0x1] =	stream.indirect.gather [hbm4b:s4+s14], $0x80, s6, s14, $0xb8;
	[tilespmem:$0x1E800] =	vst v63  }
0xb6: {  	_ =	swait.ge [sflag:s24], $0x2000  }
0xb7: {  	[sflag:s24] =	ssyncset.done $0x0  }
0xb8: {  	s6 =	sadd.s32 $0x80, s3;
	[sflag:s24] =	ssyncadd.s32 $0xFFFFE000  }
0xb9: {  	[spmem:s2] =	stream.indirect.scatter.add.f32 [tilespmem:s17], [sflag:$0x6], $0x80, s6, s14, $0xb8;
	[tilespmem:$0x1E800] =	vst v63  }
0xba: {  	_ =	swait.ge [sflag:s13], $0x2000  }
0xbb: {  	[sflag:s13] =	ssyncset.done $0x0  }
0xbc: {  	s6 =	sadd.s32 $0x2C0, s3;
	[sflag:s13] =	ssyncadd.s32 $0xFFFFE000  }
0xbd: {  	[tilespmem:s17], [sflag:$0x2] =	stream.indirect.gather [hbm4b:s4+s14], $0x80, s6, s14, $0xb8;
	[tilespmem:$0x1E800] =	vst v63  }
0xbe: {  	_ =	swait.ge [sflag:s25], $0x2000  }
0xbf: {  	[sflag:s25] =	ssyncset.done $0x0  }
0xc0: {  	s6 =	sadd.s32 $0x100, s3;
	[sflag:s25] =	ssyncadd.s32 $0xFFFFE000  }
0xc1: {  	[spmem:s2] =	stream.indirect.scatter.add.f32 [tilespmem:s19], [sflag:$0x6], $0x80, s6, s14, $0xb8;
	[tilespmem:$0x1E800] =	vst v63  }
0xc2: {  	_ =	swait.ge [sflag:s13], $0x2000  }
0xc3: {  	[sflag:s13] =	ssyncset.done $0x0  }
0xc4: {  	s6 =	sadd.s32 $0x340, s3;
	[sflag:s13] =	ssyncadd.s32 $0xFFFFE000  }
0xc5: {  	[tilespmem:s19], [sflag:$0x3] =	stream.indirect.gather [hbm4b:s4+s14], $0x80, s6, s14, $0xb8;
	[tilespmem:$0x1E800] =	vst v63  }
0xc6: {  	_ =	swait.ge [sflag:s26], $0x2000  }
0xc7: {  	[sflag:s26] =	ssyncset.done $0x0  }
.Ltmp1:
0xc8: {  	s6 =	sadd.s32 $0x180, s3;
	[sflag:s26] =	ssyncadd.s32 $0xFFFFE000;
	(pc) =	sbr.rel @p0 .LBB2_4-.Ltmp1, $4  }
0xc9: {  	[spmem:s2] =	stream.indirect.scatter.add.f32 [tilespmem:s21], [sflag:$0x6], $0x80, s6, s14, $0xb8;
	[tilespmem:$0x1E800] =	vst v63  }
0xca: {  	_ =	swait.ge [sflag:s13], $0x2000  }
0xcb: {  	[sflag:s13] =	ssyncset.done $0x0  }
0xcc: {  	s3 =	sadd.s32 $0x3C0, s3;
	[sflag:s13] =	ssyncadd.s32 $0xFFFFE000  }
0xcd: {  	[tilespmem:s21], [sflag:$0x4] =	stream.indirect.gather [hbm4b:s4+s14], $0x80, s3, s14, $0xb8;
	[tilespmem:$0x1E800] =	vst v63  }
0xce: {  	_ =	swait.ge [sflag:s23], $0x2000  }
0xcf: {  	[sflag:s23] =	ssyncset.done $0x0  }
0xd0: {  	[sflag:s23] =	ssyncadd.s32 $0xFFFFE000  }
0xd1: {  	[spmem:s2] =	stream.indirect.scatter.add.f32 [tilespmem:s15], [sflag:$0x6], $0x80, s28, s14, $0xb8;
	[tilespmem:$0x1E800] =	vst v63  }
0xd2: {  	_ =	swait.ge [sflag:s13], $0x2000  }
0xd3: {  	[sflag:s13] =	ssyncset.done $0x0  }
0xd4: {  	[sflag:s13] =	ssyncadd.s32 $0xFFFFE000  }
0xd5: {  	_ =	swait.ge [sflag:s24], $0x2000  }
0xd6: {  	[sflag:s24] =	ssyncset.done $0x0  }
0xd7: {  	[sflag:s24] =	ssyncadd.s32 $0xFFFFE000  }
0xd8: {  	[spmem:s2] =	stream.indirect.scatter.add.f32 [tilespmem:s17], [sflag:$0x6], $0x80, s29, s14, $0xb8;
	[tilespmem:$0x1E800] =	vst v63  }
0xd9: {  	_ =	swait.ge [sflag:s13], $0x2000  }
0xda: {  	[sflag:s13] =	ssyncset.done $0x0  }
0xdb: {  	[sflag:s13] =	ssyncadd.s32 $0xFFFFE000  }
0xdc: {  	_ =	swait.ge [sflag:s25], $0x2000  }
0xdd: {  	[sflag:s25] =	ssyncset.done $0x0  }
0xde: {  	[sflag:s25] =	ssyncadd.s32 $0xFFFFE000  }
0xdf: {  	[spmem:s2] =	stream.indirect.scatter.add.f32 [tilespmem:s19], [sflag:$0x6], $0x80, s30, s14, $0xb8;
	[tilespmem:$0x1E800] =	vst v63  }
0xe0: {  	_ =	swait.ge [sflag:s13], $0x2000  }
0xe1: {  	[sflag:s13] =	ssyncset.done $0x0  }
0xe2: {  	[sflag:s13] =	ssyncadd.s32 $0xFFFFE000  }
0xe3: {  	_ =	swait.ge [sflag:s26], $0x2000  }
0xe4: {  	[sflag:s26] =	ssyncset.done $0x0  }
0xe5: {  	[sflag:s26] =	ssyncadd.s32 $0xFFFFE000  }
0xe6: {  	[spmem:s2] =	stream.indirect.scatter.add.f32 [tilespmem:s21], [sflag:$0x6], $0x80, s31, s14, $0xb8;
	[tilespmem:$0x1E800] =	vst v63  }
0xe7: {  	_ =	swait.ge [sflag:s13], $0x2000  }
0xe8: {  	s0 =	sadd.s32 $0x1, s0;
	[sflag:s13] =	ssyncset.done $0x0  }
0xe9: {  	p0 =	sne.s32 s0, s11;
	[sflag:s13] =	ssyncadd.s32 $0xFFFFE000  }
.Ltmp2:
0xea: {  	s1 =	sor.u32 $0x1C06, s5;
	[bflag:$0x0] =	sbarrier.arrive $0xFFFF;
	(pc) =	sbr.rel @p0 .LBB2_1-.Ltmp2, $4  }
0xeb: {  	[hbm:s10], [sflag:s1] =	dma.local [spmem:s12], $0x2800  }
0xec: {  	_ =	swait.ge [sflag:s13], $0x2800  }
0xed: {  	[sflag:s13] =	ssyncset.done $0x0  }
0xee: {  	[sflag:s13] =	ssyncadd.s32 $0xFFFFD800  }
0xef: {  	_ =	sfence.sel $0x180000  }
0xf0: {  	[bflag:$0x0] =	sbarrier.arrive $0xFFFF  }
0xf1: {  	_ =	strace $0x9000004D  }
0xf2: {  	s0 =	stileid.u32;
	[bflag:$0x2] =	sbarrier.arrive $0xFFFF  }
0xf3: {  	p0 =	sne.s32 s0, $0x0;
	s0 =	rddreg [dreg:$0x2]  }
0xf4: {  	s0 =	sadd.s32 @!p0 $0x100000, s0  }
0xf5: {  	[sflag:s0] =	ssyncadd.tile.s32 @!p0 $0x1;
	_ =	shalt  }
.Lfunc_end2:
_tile_overlayer_lowered:
.L_overlay_start_2:
0xf6: {  	(tag) =	ssettag $0x2  }
0xf7: {  	s0 =	rddreg [dreg:$0x0];
	s2 =	stileid.u32  }
0xf8: {  	s1 =	rddreg [dreg:$0x1];
	p0 =	sne.s32 s2, $0x0  }
0xf9: {  	s3 =	rddreg [dreg:$0x2];
	[bflag:$0x3] =	sbarrier.arrive $0xFFFF;
	s2 =	simm.s32 @!p0 $0x1C06  }
0xfa: {  	[timem:s3], [sflag:s2] =	dma.local @!p0 [hbm:s0], s1  }
0xfb: {  	s0 =	simm.s32 @!p0 $0x6  }
0xfc: {  	_ =	swait.ge @!p0 [sflag:s0], s1  }
0xfd: {  	s1 =	ssub.s32 @!p0 $0x0, s1;
	[sflag:s0] =	ssyncset.done @!p0 $0x0  }
0xfe: {  	[sflag:s0] =	ssyncadd.s32 @!p0 s1  }
0xff: {  	[bflag:$0x3] =	sbarrier.arrive $0xFFFF  }
0x100: {  	_ =	shalt  }

// kernel: kernel.8.cloned.1.call-start
scs
__scs_entry_jumppad:
0x0: {  	(pc) =	sbr.rel $0x88, $3  }
0x1: {  	(tag) =	ssettag $0x0;
	lr =	simm.s32 $0x1  }
0x2: {  	[smem:$0x3F9B] =	sst lr;
	_ =	strace $0xD0000000  }
0x3: {  	_ = 	snop  }
0x4: {  	_ = 	snop  }
0x5: {  	_ = 	snop  }
0x6: {  	_ = 	snop  }
0x7: {  	_ = 	snop  }
__scs_overlays_trampoline_lowered:
0x8: {  	[smem:$0x3FAA] =	sst s0  }
0x9: {  	[smem:$0x3FAB] =	sst s1  }
0xa: {  	[smem:$0x3FAC] =	sst s2  }
0xb: {  	[smem:$0x3FAD] =	sst s3  }
0xc: {  	[smem:$0x3FAE] =	sst s4  }
0xd: {  	[smem:$0x3FAF] =	sst s5  }
0xe: {  	[smem:$0x3FB0] =	sst s6  }
0xf: {  	[smem:$0x3FB1] =	sst s7  }
0x10: {  	[smem:$0x3FB2] =	sst s8  }
0x11: {  	[smem:$0x3FB3] =	sst s9;
	s0 =	simm.s32 @!p0 $0x0  }
0x12: {  	s1 =	sld [smem:$0x3F99];
	s0 =	simm.s32 @p0 $0x1  }
0x13: {  	[smem:$0x3FB4] =	sst s0;
	s0 =	simm.s32 @!p1 $0x0  }
0x14: {  	s2 =	sld [smem:$0x3F98];
	s0 =	simm.s32 @p1 $0x1  }
0x15: {  	[smem:$0x3FB5] =	sst s0;
	s0 =	simm.s32 @!p2 $0x0  }
0x16: {  	s3 =	sld [smem:$0x3FDB];
	s0 =	simm.s32 @p2 $0x1  }
0x17: {  	s4 =	simm.s32 $0x1BF5;
	[smem:$0x3FB7] =	sst s0  }
0x18: {  	s0 =	sld [smem:$0x3F9A];
	_ =	swait.ge [sflag:s4], $0x0  }
0x19: {  	s7 =	sld [smem:$0x3F9B]  }
0x1a: {  	s8 =	sadd.s32 $0xFFFFE003, lr  }
0x1b: {  	s9 =	sadd.s32 $0xFFFFFEF7, lr;
	s5 =	simm.s32 $0xFFFFFFFF;
	p2 =	slt.u32 s8, $0xFFFFF086  }
0x1c: {  	p1 =	slt.u32 s9, $0xF7A;
	s5 =	simm.s32 @!p2 $0x0  }
0x1d: {  	s5 =	simm.s32 @p1 $0x1;
	p0 =	seq.s32 s7, s2  }
0x1e: {  	s7 =	smul.u32 @!p0 $0xF7A, s2;
	p2 =	seq.s32 @!p0 s5, $0x0  }
0x1f: {  	s9 =	smul.u32 $0xF7A, s1;
	s8 =	simm.s32 @!p0 $0x1BF5;
	p2 =	por !p2, p0  }
0x20: {  	[sflag:s8] =	ssyncset.s32 @!p0 $0xFFFFF086;
	s6 =	sadd.s32 @!p0 s3, s7;
	s7 =	simm.s32 @!p0 $0x108  }
0x21: {  	s3 =	sadd.s32 s3, s9;
	s6 =	sadd.s32 @!p0 $0x88, s6;
	s7 =	simm.s32 @p2 $0x1082  }
0x22: {  	[simem:s7], [sflag:s8] =	dma.local @!p0 [hbm:s6], $0xF7A  }
0x23: {  	s9 =	sor.u32 $0xD0000000, s2;
	s6 =	simm.s32 $0x108;
	_ =	swait.ge @!p0 [sflag:s8], $0x0  }
0x24: {  	s3 =	sadd.s32 $0x88, s3;
	s6 =	simm.s32 @!p1 $0x1082;
	[sflag:s4] =	ssyncset.s32 $0xFFFFF086  }
0x25: {  	[simem:s6], [sflag:s4] =	dma.local [hbm:s3], $0xF7A  }
0x26: {  	[smem:$0x3F9B] =	sst s1;
	(tag) =	ssettag s2;
	_ =	strace s9  }
0x27: {  	s1 =	sld [smem:$0x3FAB]  }
0x28: {  	s2 =	sld [smem:$0x3FAC]  }
0x29: {  	s4 =	sld [smem:$0x3FAE]  }
0x2a: {  	p0 =	seq.s32 s5, $0x0;
	s5 =	sld [smem:$0x3FAF]  }
0x2b: {  	s6 =	sld [smem:$0x3FB0]  }
0x2c: {  	s7 =	sld [smem:$0x3FB1]  }
0x2d: {  	s3 =	simm.s32 $0x108;
	s8 =	sld [smem:$0x3FB2]  }
0x2e: {  	s3 =	simm.s32 @!p0 $0x1082;
	s9 =	sld [smem:$0x3FB3]  }
0x2f: {  	lr =	sadd.s32 s0, s3;
	s0 =	sld [smem:$0x3FAA]  }
0x30: {  	s3 =	sld [smem:$0x3FAD]  }
0x31: {  	[smem:$0x3FB6] =	sst s10  }
0x32: {  	s10 =	sld [smem:$0x3FB4];
	_ =	sdelay $0x3  }
0x33: {  	p0 =	seq.s32 s10, $0x1;
	s10 =	sld [smem:$0x3FB6];
	_ =	sdelay $0x3  }
0x34: {  	[smem:$0x3FB6] =	sst s10  }
0x35: {  	s10 =	sld [smem:$0x3FB5];
	_ =	sdelay $0x3  }
0x36: {  	p1 =	seq.s32 s10, $0x1;
	s10 =	sld [smem:$0x3FB6];
	_ =	sdelay $0x3  }
0x37: {  	[smem:$0x3FB6] =	sst s10  }
0x38: {  	s10 =	sld [smem:$0x3FB7]  }
0x39: {  	_ = 	snop;
	(pc) =	sbr.ind lr, $3  }
0x3a: {  	_ = 	snop  }
0x3b: {  	_ = 	snop  }
0x3c: {  	p2 =	seq.s32 s10, $0x1;
	s10 =	sld [smem:$0x3FB6]  }
0x3d: {  	_ =	shalt  }
0x3e: {  	_ =	shalt  }
0x3f: {  	_ =	shalt  }
0x40: {  	_ =	shalt  }
0x41: {  	_ =	shalt  }
0x42: {  	_ =	shalt  }
0x43: {  	_ =	shalt  }
0x44: {  	_ =	shalt  }
0x45: {  	_ =	shalt  }
0x46: {  	_ =	shalt  }
0x47: {  	_ =	shalt  }
0x48: {  	_ =	shalt  }
0x49: {  	_ =	shalt  }
0x4a: {  	_ =	shalt  }
0x4b: {  	_ =	shalt  }
0x4c: {  	_ =	shalt  }
0x4d: {  	_ =	shalt  }
0x4e: {  	_ =	shalt  }
0x4f: {  	_ =	shalt  }
0x50: {  	_ =	shalt  }
0x51: {  	_ =	shalt  }
0x52: {  	_ =	shalt  }
0x53: {  	_ =	shalt  }
0x54: {  	_ =	shalt  }
0x55: {  	_ =	shalt  }
0x56: {  	_ =	shalt  }
0x57: {  	_ =	shalt  }
0x58: {  	_ =	shalt  }
0x59: {  	_ =	shalt  }
0x5a: {  	_ =	shalt  }
0x5b: {  	_ =	shalt  }
0x5c: {  	_ =	shalt  }
0x5d: {  	_ =	shalt  }
0x5e: {  	_ =	shalt  }
0x5f: {  	_ =	shalt  }
0x60: {  	_ =	shalt  }
0x61: {  	_ =	shalt  }
0x62: {  	_ =	shalt  }
0x63: {  	_ =	shalt  }
0x64: {  	_ =	shalt  }
0x65: {  	_ =	shalt  }
0x66: {  	_ =	shalt  }
0x67: {  	_ =	shalt  }
0x68: {  	_ =	shalt  }
0x69: {  	_ =	shalt  }
0x6a: {  	_ =	shalt  }
0x6b: {  	_ =	shalt  }
0x6c: {  	_ =	shalt  }
0x6d: {  	_ =	shalt  }
0x6e: {  	_ =	shalt  }
0x6f: {  	_ =	shalt  }
0x70: {  	_ =	shalt  }
0x71: {  	_ =	shalt  }
0x72: {  	_ =	shalt  }
0x73: {  	_ =	shalt  }
0x74: {  	_ =	shalt  }
0x75: {  	_ =	shalt  }
0x76: {  	_ =	shalt  }
0x77: {  	_ =	shalt  }
0x78: {  	_ =	shalt  }
0x79: {  	_ =	shalt  }
0x7a: {  	_ =	shalt  }
0x7b: {  	_ =	shalt  }
0x7c: {  	_ =	shalt  }
0x7d: {  	_ =	shalt  }
0x7e: {  	_ =	shalt  }
0x7f: {  	_ =	shalt  }
0x80: {  	_ =	shalt  }
0x81: {  	_ =	shalt  }
0x82: {  	_ =	shalt  }
0x83: {  	_ =	shalt  }
0x84: {  	_ =	shalt  }
0x85: {  	_ =	shalt  }
0x86: {  	_ =	shalt  }
0x87: {  	_ =	shalt  }
.Lfunc_end0:
.L_simem_size_0:
called_computation_lowered:
.L_overlay_start_0:
0x88: {  	s2 =	sld [smem:$0x3FD9]  }
0x89: {  	s3 =	sld [smem:$0x3FFE];
	_ =	sdelay $0x1  }
0x8a: {  	s1 =	srdreg.scid  }
0x8b: {  	s0 =	sand.u32 $0x1, s1  }
0x8c: {  	s17 =	sshll.u32 s0, $0xA;
	s2 =	sadd.s32 s3, s2  }
0x8d: {  	s2 =	sadd.s32 s2, s17  }
0x8e: {  	[smem:$0x3FC2] =	sst s2  }
0x8f: {  	_ = 	snop  }
0x90: {  	s2 =	sld [smem:$0x3FD0];
	(tm) =	ssettm $0x1  }
0x91: {  	s18 =	sld [smem:$0x3FFB];
	_ =	sdelay $0x3  }
0x92: {  	_ =	strace s18  }
0x93: {  	s3 =	sld [smem:$0x3FFC];
	_ =	sdelay $0x3  }
0x94: {  	_ =	strace s3  }
0x95: {  	s3 =	sld [smem:$0x3FFD];
	_ =	sdelay $0x3  }
0x96: {  	_ =	strace s3  }
0x97: {  	_ =	strace $0x8FFFFFFF  }
0x98: {  	s19 =	sld [smem:$0x3FDB];
	_ =	sdelay $0x1  }
0x99: {  	s4 =	simm.s32 $_scs_section_size  }
0x9a: {  	s5 =	simm.s32 $_size__tile_overlayer_lowered;
	s6 =	simm.s32 $_tile_overlayer_lowered  }
0x9b: {  	s22 =	simm.s32 $0x1BFF;
	s21 =	sshll.u32 s6, $0x1;
	s3 =	sadd.s32 s4, s19  }
0x9c: {  	s7 =	simm.s32 $0x0;
	s20 =	sshll.u32 s5, $0x1;
	s5 =	sadd.s32 s21, s3  }
0x9d: {  	[timem:s7], [sflag:s22] =	dma.local [hbm:s5], s20  }
0x9e: {  	_ =	swait.ge [sflag:s22], s20  }
0x9f: {  	s4 =	ssub.s32 $0x0, s20;
	[sflag:s22] =	ssyncset.done $0x0  }
0xa0: {  	[sflag:s22] =	ssyncadd.s32 s4;
	_ =	sdelay $0x1  }
0xa1: {  	s23 =	simm.s32 $0x1B8B  }
0xa2: {  	_ =	swait.ge [sflag:s23], $0x1  }
0xa3: {  	[sflag:s23] =	ssyncset.done $0x0  }
0xa4: {  	s25 =	simm.s32 $0x1B8E;
	s24 =	sld [smem:$0x3FFE];
	[sflag:s23] =	ssyncadd.s32 $0xFFFFFFFF  }
0xa5: {  	s26 =	simm.s32 $execute0_lowered;
	[smem:$0x3FD2] =	sst s25  }
0xa6: {  	s5 =	sshll.u32 s26, $0x1;
	_ =	strace $0x80000046;
	[dreg:$0x1] =	wrdreg $0xFFFFFFFF  }
0xa7: {  	s28 =	simm.s32 $_size_execute0_lowered;
	s3 =	sadd.s32 s3, s5;
	[dreg:$0x0] =	wrdreg $0x0  }
0xa8: {  	s5 =	sshll.u32 s28, $0x1;
	[dreg:$0x2] =	wrdreg s3  }
0xa9: {  	[dreg:$0x3] =	wrdreg s5  }
0xaa: {  	[dreg:$0x4] =	wrdreg $0xC0  }
0xab: {  	_ =	task [dreg:s7], $0x5FFFF  }
0xac: {  	[dreg:$0x1] =	wrdreg $0xFFFFFFFF  }
0xad: {  	[dreg:$0x0] =	wrdreg $0x60  }
0xae: {  	[dreg:$0x2] =	wrdreg s24  }
0xaf: {  	[dreg:$0x3] =	wrdreg s2  }
0xb0: {  	[dreg:$0x4] =	wrdreg $0x70000  }
0xb1: {  	[dreg:$0x5] =	wrdreg $0x9  }
0xb2: {  	_ =	task.clear_ibuf [dreg:s7], $0x6FFFF;
	_ =	strace $0x90000046  }
0xb3: {  	s29 =	simm.s32 $0x9;
	_ =	strace $0x80000048  }
0xb4: {  	_ =	swait.ge [sflag:s29], $0x1  }
0xb5: {  	[sflag:s29] =	ssyncadd.s32 $0xFFFFFFFF  }
0xb6: {  	_ =	strace $0x90000048  }
0xb7: {  	_ =	sfence  }
0xb8: {  	s30 =	sld [smem:$0x0];
	_ =	sdelay $0x2  }
0xb9: {  	s31 =	sshll.u32 s1, $0xD;
	s1 =	sshrl.u32 s1, $0x2  }
0xba: {  	s3 =	sand.u32 $0x4000, s31;
	s1 =	sadd.s32 s1, s30  }
0xbb: {  	s0 =	sor.u32 s3, s0;
	s1 =	sshll.u32 s1, $0x11  }
0xbc: {  	s0 =	sor.u32 s1, s0  }
0xbd: {  	s0 =	sadd.s32 $0x8F2B, s0  }
0xbe: {  	[sflag:s0] =	ssyncadd.remote.s32 $0x1  }
0xbf: {  	_ =	sfence.sel $0xFFFF  }
0xc0: {  	[dreg:$0x0] =	wrdreg $0xFFFFFFFF;
	(pc) =	sbr.abs _section_cstart, $3  }
0xc1: {  	[dreg:$0x1] =	wrdreg $0xFFFFFFFF  }
0xc2: {  	_ =	task.clear_ibuf [dreg:s7], $0x2FFFF;
	_ =	strace $0x9FFFFFFF  }
0xc3: {  	(tm) =	ssettm $0x7FFFFFFF  }
tec
execute0_lowered:
.L_overlay_start_1:
0x0: {  	(tag) =	ssettag $0x1  }
0x1: {  	s5 =	rddreg [dreg:$0x0]  }
0x2: {  	s2 =	rddreg [dreg:$0x1];
	s0 =	stileid.u32  }
0x3: {  	s1 =	srdreg.scid;
	s3 =	rddreg [dreg:$0x2]  }
0x4: {  	s4 =	simm.s32 $0x0;
	s14 =	simm.s32 $0x40;
	s7 =	smul.u32 $0x14000, s0  }
0x5: {  	s15 =	simm.s32 $0x1;
	s16 =	simm.s32 $0x0;
	s9 =	smul.u32 $0xA00, s0  }
0x6: {  	s6 =	sand.u32 $0x1, s1;
	s1 =	rddreg [dreg:$0x3];
	s11 =	smul.u32 $0x50000, s0  }
0x7: {  	[smem:$0x7FF] =	sst s4;
	s12 =	sshll.u32 s0, $0x6;
	s8 =	smul.u32 $0x140000, s6  }
0x8: {  	_ =	strace $0x80000047;
	s10 =	ssub.s32 $0x2, s6;
	s31 =	smul.u32 $0xA000, s6  }
0x9: {  	s12 =	sor.u32 $0x1C02, s12;
	s9 =	sadd.s32 s9, s5;
	s29 =	sshrl.u32 s10, $0x1  }
0xa: {  	s30 =	sshrl.u32 s11, $0x2;
	s11 =	simm.s32 $0x5000;
	s8 =	sadd.s32 s7, s8  }
0xb: {  	s10 =	ssub.s32 s10, s29;
	s13 =	sadd.s32 s30, s3;
	s7 =	sshrl.u32 s7, $0x3  }
0xc: {  	s8 =	sshrl.u32 s8, $0x3;
	s6 =	sadd.s32 s2, s7;
	s13 =	sshrl.u32 s13, $0x3  }
0xd: {  	s8 =	sadd.s32 s8, s5;
	s5 =	sadd.s32 $0x2400, s9;
	s9 =	sshrl.u32 s31, $0x2  }
0xe: {  	s7 =	sadd.s32 $0xC400, s8;
	s8 =	smax.u32 s10, $0x1;
	s10 =	simm.s32 $0x2  }
.LBB2_1:
0xf: {  	[tilespmem:s4], [sflag:$0x2] =	stream.linear.gather [hbm4b:s5+s4], $0x5000, $0x38;
	[tilespmem:$0x8400] =	vst v63  }
0x10: {  	_ =	swait.ge [sflag:s10], $0x5000  }
0x11: {  	[sflag:s10] =	ssyncset.done $0x0  }
0x12: {  	[sflag:s10] =	ssyncadd.s32 $0xFFFFB000  }
0x13: {  	[tilespmem:s11], [sflag:$0x2] =	stream.linear.gather [hbm4b:s2+s4], $0x2000, $0x38;
	[tilespmem:$0x8400] =	vst v63  }
0x14: {  	_ =	swait.ge [sflag:s10], $0x2000  }
0x15: {  	[sflag:s10] =	ssyncset.done $0x0  }
0x16: {  	[sflag:s10] =	ssyncadd.s32 $0xFFFFE000  }
0x17: {  	[spmem:s13], [sflag:s12] =	dma.local [hbm:s6], $0x2800  }
0x18: {  	_ =	swait.ge [sflag:s10], $0x2800  }
0x19: {  	[sflag:s10] =	ssyncset.done $0x0  }
0x1a: {  	[sflag:s10] =	ssyncadd.s32 $0xFFFFD800  }
0x1b: {  	s17 =	simm.s32 $0x0;
	[bflag:$0x0] =	sbarrier.arrive $0xFFFF  }
.LBB2_2:
0x1c: {  	p0 =	sne.s32 s17, $0x9E00  }
.Ltmp0:
0x1d: {  	_ = 	snop;
	(pc) =	sbr.rel @p0 .LBB2_2-.Ltmp0, $4  }
0x1e: {  	_ = 	snop  }
0x1f: {  	s18 =	sshra.s32 s17, $0x2  }
0x20: {  	s17 =	sadd.s32 $0x200, s17;
	s18 =	sadd.s32 s18, s9  }
0x21: {  	[spmem:s3] =	stream.indirect.scatter.add.f32 [tilespmem:s11], [sflag:$0x1], $0x8, s18, s14, $0xb8;
	[tilespmem:$0x8400] =	vst v63  }
0x22: {  	_ =	swait.ge [sflag:s15], $0x200  }
0x23: {  	s17 =	simm.s32 $0x4F;
	[sflag:s15] =	ssyncset.done $0x0  }
.LBB2_4:
0x24: {  	p0 =	sne.s32 s17, $0x1;
	s17 =	sadd.s32 $0xFFFFFFFF, s17;
	[sflag:s15] =	ssyncadd.s32 $0xFFFFFE00  }
.Ltmp1:
0x25: {  	(pc) =	sbr.rel @p0 .LBB2_4-.Ltmp1, $3  }
0x26: {  	_ =	sdelay $0x1  }
0x27: {  	_ =	swait.ge [sflag:s15], $0x200  }
0x28: {  	[sflag:s15] =	ssyncset.done $0x0  }
0x29: {  	s16 =	sadd.s32 $0x1, s16  }
0x2a: {  	[sflag:s15] =	ssyncadd.s32 $0xFFFFFE00;
	p0 =	sne.s32 s16, s8  }
.Ltmp2:
0x2b: {  	[bflag:$0x0] =	sbarrier.arrive $0xFFFF;
	(pc) =	sbr.rel @p0 .LBB2_1-.Ltmp2, $4  }
0x2c: {  	[hbm:s7], [sflag:s12] =	dma.local [spmem:s13], $0x2800  }
0x2d: {  	_ =	swait.ge [sflag:s10], $0x2800  }
0x2e: {  	[sflag:s10] =	ssyncset.done $0x0  }
0x2f: {  	[sflag:s10] =	ssyncadd.s32 $0xFFFFD800  }
0x30: {  	_ =	sfence.sel $0x180000  }
0x31: {  	[bflag:$0x0] =	sbarrier.arrive $0xFFFF  }
0x32: {  	p0 =	sne.s32 s0, $0x0;
	_ =	strace $0x90000047  }
0x33: {  	s0 =	sadd.s32 @!p0 $0x100000, s1;
	[bflag:$0x2] =	sbarrier.arrive $0xFFFF  }
0x34: {  	[sflag:s0] =	ssyncadd.tile.s32 @!p0 $0x1;
	_ =	shalt  }
.Lfunc_end2:
_tile_overlayer_lowered:
.L_overlay_start_2:
0x35: {  	(tag) =	ssettag $0x2  }
0x36: {  	s0 =	rddreg [dreg:$0x0];
	s2 =	stileid.u32  }
0x37: {  	s1 =	rddreg [dreg:$0x1];
	p0 =	sne.s32 s2, $0x0  }
0x38: {  	s3 =	rddreg [dreg:$0x2];
	[bflag:$0x3] =	sbarrier.arrive $0xFFFF;
	s2 =	simm.s32 @!p0 $0x1C02  }
0x39: {  	[timem:s3], [sflag:s2] =	dma.local @!p0 [hbm:s0], s1  }
0x3a: {  	s0 =	simm.s32 @!p0 $0x2  }
0x3b: {  	_ =	swait.ge @!p0 [sflag:s0], s1  }
0x3c: {  	s1 =	ssub.s32 @!p0 $0x0, s1;
	[sflag:s0] =	ssyncset.done @!p0 $0x0  }
0x3d: {  	[sflag:s0] =	ssyncadd.s32 @!p0 s1  }
0x3e: {  	[bflag:$0x3] =	sbarrier.arrive $0xFFFF  }
0x3f: {  	_ =	shalt  }

</sc_bundles>
